<compile_context>
chip_gen: v7x
topology: tpu7x:2x2x1
jax: 0.10.2.dev20260603
libtpu: 0.0.44.dev20260713+nightly
codegen_flags: <defaults>
</compile_context>

<pallas_src>
import functools

import jax
import jax.numpy as jnp
from jax import lax
from jax.experimental import pallas as pl
from jax.experimental.pallas import tpu as pltpu
from jax.experimental.pallas import tpu_sc as plsc

N = 10000
E = 320000
NROWS = 10240
NSUB = 16
NCORE = 2
NW = NCORE * NSUB
CHUNK = 128
NC0 = 160
TCH = NSUB * NC0
EPAD = TCH * CHUNK
SUB_ROWS = NROWS // NSUB


def _make_sc_agg(C):
    mesh = plsc.VectorSubcoreMesh(core_axis_name="c", subcore_axis_name="s")

    @functools.partial(
        pl.kernel,
        mesh=mesh,
        out_type=jax.ShapeDtypeStruct((NROWS, C), jnp.float32),
        scratch_types=[
            [pltpu.VMEM((1, 2, CHUNK), jnp.int32) for _ in range(2)],
            [pltpu.VMEM((CHUNK, C), jnp.float32) for _ in range(2)],
            pltpu.VMEM_SHARED((NROWS, C), jnp.float32),
            [pltpu.SemaphoreType.DMA for _ in range(2)],
            [pltpu.SemaphoreType.DMA for _ in range(2)],
            [pltpu.SemaphoreType.DMA for _ in range(2)],
        ],
    )
    def sc_agg(x_hbm, idx_hbm, out_hbm, ibuf, rows, acc, gsem, ssem, isem):
        c = lax.axis_index("c")
        s = lax.axis_index("s")
        r0 = s * jnp.int32(SUB_ROWS)

        def pipeline(nchunk, ibase):
            def idx_src(g):
                return idx_hbm.at[pl.ds(ibase + g, 1)]

            def start_idx(g, p):
                pltpu.async_copy(idx_src(g), ibuf[p], isem[p])

            def wait_idx(g, p):
                pltpu.make_async_copy(idx_src(g), ibuf[p], isem[p]).wait()

            def start_gather(p):
                pltpu.async_copy(
                    x_hbm.at[ibuf[p].at[jnp.int32(0), jnp.int32(0)]],
                    rows[p], gsem[p])

            def wait_gather(p):
                pltpu.make_async_copy(
                    x_hbm.at[ibuf[p].at[jnp.int32(0), jnp.int32(0)]],
                    rows[p], gsem[p]).wait()

            def start_scatter(p):
                return pltpu.async_copy(
                    rows[p], acc.at[ibuf[p].at[jnp.int32(0), jnp.int32(1)]],
                    ssem[p], add=True)

            pltpu.sync_copy(idx_src(jnp.int32(0)), ibuf[0])
            start_idx(jnp.int32(1), 1)
            start_gather(0)

            def do_group(g, p, last):
                wait_gather(p)
                scat = start_scatter(p)
                if not last:
                    wait_idx(g + 1, 1 - p)
                    start_gather(1 - p)
                scat.wait()

            def body(i, carry):
                g = i * jnp.int32(2)
                do_group(g, 0, False)
                start_idx(g + jnp.int32(2), 0)
                do_group(g + jnp.int32(1), 1, False)
                start_idx(g + jnp.int32(3), 1)
                return carry

            lax.fori_loop(jnp.int32(0), jnp.int32(nchunk // 2 - 1), body,
                          jnp.int32(0), unroll=False)
            do_group(jnp.int32(nchunk - 2), 0, False)
            do_group(jnp.int32(nchunk - 1), 1, True)

        @pl.when(c == 0)
        def _():
            zeros16 = jnp.zeros((16,), jnp.float32)

            def zrow(r, carry):
                for k in range(C // 16):
                    rows[0][r, pl.ds(jnp.int32(k * 16), 16)] = zeros16
                return carry

            lax.fori_loop(jnp.int32(0), jnp.int32(CHUNK), zrow, jnp.int32(0),
                          unroll=False)
            for k in range(SUB_ROWS // CHUNK):
                pltpu.sync_copy(rows[0],
                                acc.at[pl.ds(r0 + k * CHUNK, CHUNK)])
            plsc.subcore_barrier()
            pipeline(NC0, s * jnp.int32(NC0))
            plsc.subcore_barrier()
            pltpu.sync_copy(acc.at[pl.ds(r0, SUB_ROWS)],
                            out_hbm.at[pl.ds(r0, SUB_ROWS)])

    return sc_agg


_sc_agg_128 = _make_sc_agg(128)


def _make_tc_transform(delta, relu, first_prec=lax.Precision.HIGHEST):

    def body(x_ref, p_ref, d_ref, w1_ref, b1_ref, g1_ref, be1_ref,
             w2_ref, b2_ref, g2_ref, be2_ref, o_ref):
        p = p_ref[:N, :]
        x = x_ref[...]
        invd = 1.0 / d_ref[...]
        if delta:
            out = (p - p[:, 3:4] * x) * invd
        else:
            out = x + p * invd
        y = lax.dot_general(out, w1_ref[...], (((1,), (1,)), ((), ())),
                            preferred_element_type=jnp.float32,
                            precision=first_prec) + b1_ref[...]
        mu = jnp.mean(y, axis=0, keepdims=True)
        var = jnp.mean((y - mu) ** 2, axis=0, keepdims=True)
        y = (y - mu) * lax.rsqrt(var + 1e-5) * g1_ref[...] + be1_ref[...]
        z = lax.dot_general(y, w2_ref[...], (((1,), (1,)), ((), ())),
                            preferred_element_type=jnp.float32,
                            precision=lax.Precision.HIGHEST) + b2_ref[...]
        mu = jnp.mean(z, axis=0, keepdims=True)
        var = jnp.mean((z - mu) ** 2, axis=0, keepdims=True)
        z = (z - mu) * lax.rsqrt(var + 1e-5) * g2_ref[...] + be2_ref[...]
        if relu:
            z = jnp.maximum(z, 0.0)
        o_ref[...] = z

    return pl.pallas_call(
        body, out_shape=jax.ShapeDtypeStruct((N, 128), jnp.float32))


_tc_layer0 = _make_tc_transform(delta=True, relu=False,
                                first_prec=lax.Precision.DEFAULT)
_tc_layer1 = _make_tc_transform(delta=False, relu=True)
_tc_layer2 = _make_tc_transform(delta=False, relu=False)


def kernel(vertices, edges, dofs, W0a, b0a, Wm, bm, gamma, beta):
    v = vertices[0].astype(jnp.float32)
    fr = edges[0, 0, 0].astype(jnp.int32)
    to = edges[0, 0, 1].astype(jnp.int32)
    dcol = dofs[0, 0].astype(jnp.float32)[:, None]

    fr_p = jnp.concatenate([fr, jnp.full((EPAD - E,), N, jnp.int32)]
                           ).reshape(TCH, 1, CHUNK)
    to_p = jnp.concatenate([to, jnp.zeros((EPAD - E,), jnp.int32)]
                           ).reshape(TCH, 1, CHUNK)
    idx = jnp.concatenate([to_p, fr_p], axis=1)

    def row(a):
        return a.astype(jnp.float32)[None, :]

    v128 = jnp.concatenate(
        [v, jnp.ones((N, 1), jnp.float32), jnp.zeros((N, 124), jnp.float32)], 1)
    W0a_pad = jnp.concatenate([W0a.astype(jnp.float32),
                               jnp.zeros((128, 125), jnp.float32)], 1)
    parts = _sc_agg_128(v128, idx)
    x = _tc_layer0(v128, parts, dcol, W0a_pad, row(b0a), row(gamma[0]), row(beta[0]),
                   Wm[0].astype(jnp.float32), row(bm[0]), row(gamma[1]), row(beta[1]))

    parts = _sc_agg_128(x, idx)
    x = _tc_layer1(x, parts, dcol, Wm[1].astype(jnp.float32), row(bm[1]),
                   row(gamma[2]), row(beta[2]), Wm[2].astype(jnp.float32),
                   row(bm[2]), row(gamma[3]), row(beta[3]))

    parts = _sc_agg_128(x, idx)
    x = _tc_layer2(x, parts, dcol, Wm[3].astype(jnp.float32), row(bm[3]),
                   row(gamma[4]), row(beta[4]), Wm[4].astype(jnp.float32),
                   row(bm[4]), row(gamma[5]), row(beta[5]))

    return jnp.transpose(x)[None].astype(jnp.float64)

# --- scband reference (transcript-rebuilt; emitter-appended) ---
"""Pipeline reference for scband-graph-conv-net-82729660055791 (READ-ONLY COPY).

The authoritative reference and input builder live on the scoring server;
editing this copy changes nothing except your own understanding.
"""

import jax, jax.numpy as jnp
import numpy as np

jax.config.update('jax_enable_x64', True)

N_NODES = 10000
N_EDGES = 320000
C = 128
N_LAYERS = 3


def _conv1x1(x, W, b):
    # x: [B, Cin, N], W: [Cout, Cin], b: [Cout]  (Conv1d with kernel_size=1)
    return jnp.einsum('oc,bcn->bon', W, x) + b[None, :, None]


def _bn_train(x, g, b, eps=1e-5):
    # BatchNorm1d in training mode: batch stats over (batch, length) dims, biased var
    mu = jnp.mean(x, axis=(0, 2), keepdims=True)
    var = jnp.var(x, axis=(0, 2), keepdims=True)
    xh = (x - mu) / jnp.sqrt(var + eps)
    return xh * g[None, :, None] + b[None, :, None]


def _edge_propagation(vert_features, edges, vert_dofs, transform):
    # vert_features: [1, C, N]; edges: [1, 2, E]; vert_dofs: [1, N]
    fr = edges[:, 0, :]  # [1, E]
    to = edges[:, 1, :]  # [1, E]
    xt = jnp.transpose(vert_features, (0, 2, 1))  # [1, N, C]
    aggr = jnp.zeros_like(xt)
    if vert_features.shape[1] == 3:
        # aggr[:, fr] += xt[:, to] - xt[:, fr]  (scatter-add of edge deltas)
        aggr = aggr.at[:, fr].add(xt[:, to] - xt[:, fr])
        aggr = aggr / vert_dofs[..., None]
        out = jnp.transpose(aggr, (0, 2, 1))
    else:
        aggr = aggr.at[:, fr].add(xt[:, to])
        aggr = aggr / vert_dofs[..., None]
        out = vert_features + jnp.transpose(aggr, (0, 2, 1))
    return transform(out)


def _forward(vertices, edges, dofs, W0a, b0a, Wm, bm, gamma, beta):
    # layer 0: conv(3->128), BN, conv(128->128), BN          (no relu)
    # layer 1: conv, BN, conv, BN, ReLU
    # layer 2: conv, BN, conv, BN                            (no relu)
    layer_specs = [
        ((W0a, b0a, gamma[0], beta[0]), (Wm[0], bm[0], gamma[1], beta[1]), False),
        ((Wm[1], bm[1], gamma[2], beta[2]), (Wm[2], bm[2], gamma[3], beta[3]), True),
        ((Wm[3], bm[3], gamma[4], beta[4]), (Wm[4], bm[4], gamma[5], beta[5]), False),
    ]
    outs = []
    n_bsz = vertices.shape[0]
    for i in range(n_bsz):
        v = jnp.transpose(vertices[i][None], (0, 2, 1))  # [1, 3, N]
        e = edges[i]  # [1, 2, E]
        d = dofs[i]   # [1, N]
        for (p1, p2, relu) in layer_specs:
            def transform(x, p1=p1, p2=p2, relu=relu):
                x = _bn_train(_conv1x1(x, p1[0], p1[1]), p1[2], p1[3])
                x = _bn_train(_conv1x1(x, p2[0], p2[1]), p2[2], p2[3])
                if relu:
                    x = jax.nn.relu(x)
                return x
            v = _edge_propagation(v, e, d, transform)
        outs.append(v)
    return outs[0] if len(outs) == 1 else tuple(outs)


def setup_inputs(seed: int = 0) -> dict:
    key = jax.random.key(seed)
    ks = jax.random.split(key, 8)
    vertices = jax.random.normal(ks[0], (1, N_NODES, 3), dtype=jnp.float32)
    edges = jax.random.randint(ks[1], (1, 1, 2, N_EDGES), 0, N_NODES, dtype=jnp.int64)
    dofs = jnp.ones((1, 1, N_NODES), dtype=jnp.float32)
    # parameters
    W0a = jax.random.normal(ks[2], (C, 3), dtype=jnp.float32) * 0.1
    b0a = jnp.zeros((C,), dtype=jnp.float32)
    Wm = jax.random.normal(ks[3], (5, C, C), dtype=jnp.float32) * (1.0 / np.sqrt(C))
    bm = jnp.zeros((5, C), dtype=jnp.float32)
    gamma = jnp.ones((6, C), dtype=jnp.float32)
    beta = jnp.zeros((6, C), dtype=jnp.float32)
    return {
        'vertices': vertices,
        'edges': edges,
        'dofs': dofs,
        'W0a': W0a,
        'b0a': b0a,
        'Wm': Wm,
        'bm': bm,
        'gamma': gamma,
        'beta': beta,
    }


def reference(vertices, edges, dofs, W0a, b0a, Wm, bm, gamma, beta):
    return _forward(vertices, edges, dofs, W0a, b0a, Wm, bm, gamma, beta)

if __name__ == "__main__":
    import jax
    _d = setup_inputs()
    print(jax.jit(kernel)(*tuple(_d.values())))

</pallas_src>

<mosaic_0001>
#map = affine_map<(d0, d1) -> (0, 0)>
#map1 = affine_map<(d0, d1) -> (0, 0, 0)>
module attributes {stable_mosaic.version = 14 : i64} {
  func.func @sc_agg(%arg0: i32, %arg1: i32, %arg2: memref<10000x128xf32, #tpu.memory_space<hbm>>, %arg3: memref<2560x2x128xi32, #tpu.memory_space<hbm>>, %arg4: memref<10240x128xf32, #tpu.memory_space<hbm>>, %arg5: memref<1x2x128xi32, #tpu.memory_space<vmem>>, %arg6: memref<1x2x128xi32, #tpu.memory_space<vmem>>, %arg7: memref<128x128xf32, #tpu.memory_space<vmem>>, %arg8: memref<128x128xf32, #tpu.memory_space<vmem>>, %arg9: memref<10240x128xf32, #tpu.memory_space<vmem_shared>>, %arg10: memref<!tpu.dma_semaphore, #tpu.memory_space<semaphore_mem>>, %arg11: memref<!tpu.dma_semaphore, #tpu.memory_space<semaphore_mem>>, %arg12: memref<!tpu.dma_semaphore, #tpu.memory_space<semaphore_mem>>, %arg13: memref<!tpu.dma_semaphore, #tpu.memory_space<semaphore_mem>>, %arg14: memref<!tpu.dma_semaphore, #tpu.memory_space<semaphore_mem>>, %arg15: memref<!tpu.dma_semaphore, #tpu.memory_space<semaphore_mem>>) attributes {dimension_semantics = [#tpu.dimension_semantics<core_parallel>, #tpu.dimension_semantics<subcore_parallel>], iteration_bounds = array<i64: 2, 16>, scalar_prefetch = 0 : i64, scratch_operands = 11 : i64, tpu.core_type = #tpu.core_type<sc_vector_subcore>, window_params = [{transform_indices = #map}, {transform_indices = #map1}, {transform_indices = #map}]} {
    %mul3A = arith.constant 640 : i32
    %mul3A_0 = arith.muli %arg1, %mul3A : i32
    %eq3A = arith.constant 0 : i32
    %eq3A_1 = arith.cmpi eq, %arg0, %eq3A : i32
    %convert_element_type3A = arith.extui %eq3A_1 : i1 to i32
    %cond3A = arith.constant 0 : i32
    %cond3A_2 = arith.cmpi ne, %convert_element_type3A, %cond3A : i32
    scf.if %cond3A_2 {
      %broadcast_in_dim3A = arith.constant 0.000000e+00 : f32
      %broadcast_in_dim3A_3 = vector.broadcast %broadcast_in_dim3A : f32 to vector<16xf32>
      %while3A = arith.constant 0 : i32
      %while3A_4 = arith.constant 0 : i32
      %while3A_5 = arith.constant 128 : i32
      %while3A_6 = arith.subi %while3A_5, %while3A_4 : i32
      %while3A_7 = arith.addi %while3A_4, %while3A_6 : i32
      %while3A_8 = arith.constant 1 : i32
      %while3A_9 = arith.divsi %while3A_6, %while3A_8 : i32
      %while3A_10 = arith.muli %while3A_9, %while3A_8 : i32
      %while3A_11 = arith.addi %while3A_4, %while3A_10 : i32
      %while3A_12 = arith.constant 1 : i32
      scf.for %while3A_119 = %while3A_4 to %while3A_11 step %while3A_12  : i32 {
        %swap3A = arith.constant 0 : i32
        %swap3A_120 = arith.index_cast %while3A_119 : i32 to index
        %swap3A_121 = arith.index_cast %swap3A : i32 to index
        %swap3A_122 = tpu.vector_load %arg7[%swap3A_120, %swap3A_121] {strides = array<i32>} : memref<128x128xf32, #tpu.memory_space<vmem>>, vector<1x16xf32>,
        %swap3A_123 = vector.shape_cast %swap3A_122 : vector<1x16xf32> to vector<16xf32>
        %swap3A_124 = vector.shape_cast %broadcast_in_dim3A_3 : vector<16xf32> to vector<1x16xf32>
        tpu.vector_store %arg7[%swap3A_120, %swap3A_121], %swap3A_124 {strides = array<i32>} : memref<128x128xf32, #tpu.memory_space<vmem>>, vector<1x16xf32>,
        %swap3A_125 = arith.constant 16 : i32
        %swap3A_126 = arith.index_cast %while3A_119 : i32 to index
        %swap3A_127 = arith.index_cast %swap3A_125 : i32 to index
        %swap3A_128 = tpu.vector_load %arg7[%swap3A_126, %swap3A_127] {strides = array<i32>} : memref<128x128xf32, #tpu.memory_space<vmem>>, vector<1x16xf32>,
        %swap3A_129 = vector.shape_cast %swap3A_128 : vector<1x16xf32> to vector<16xf32>
        %swap3A_130 = vector.shape_cast %broadcast_in_dim3A_3 : vector<16xf32> to vector<1x16xf32>
        tpu.vector_store %arg7[%swap3A_126, %swap3A_127], %swap3A_130 {strides = array<i32>} : memref<128x128xf32, #tpu.memory_space<vmem>>, vector<1x16xf32>,
        %swap3A_131 = arith.constant 32 : i32
        %swap3A_132 = arith.index_cast %while3A_119 : i32 to index
        %swap3A_133 = arith.index_cast %swap3A_131 : i32 to index
        %swap3A_134 = tpu.vector_load %arg7[%swap3A_132, %swap3A_133] {strides = array<i32>} : memref<128x128xf32, #tpu.memory_space<vmem>>, vector<1x16xf32>,
        %swap3A_135 = vector.shape_cast %swap3A_134 : vector<1x16xf32> to vector<16xf32>
        %swap3A_136 = vector.shape_cast %broadcast_in_dim3A_3 : vector<16xf32> to vector<1x16xf32>
        tpu.vector_store %arg7[%swap3A_132, %swap3A_133], %swap3A_136 {strides = array<i32>} : memref<128x128xf32, #tpu.memory_space<vmem>>, vector<1x16xf32>,
        %swap3A_137 = arith.constant 48 : i32
        %swap3A_138 = arith.index_cast %while3A_119 : i32 to index
        %swap3A_139 = arith.index_cast %swap3A_137 : i32 to index
        %swap3A_140 = tpu.vector_load %arg7[%swap3A_138, %swap3A_139] {strides = array<i32>} : memref<128x128xf32, #tpu.memory_space<vmem>>, vector<1x16xf32>,
        %swap3A_141 = vector.shape_cast %swap3A_140 : vector<1x16xf32> to vector<16xf32>
        %swap3A_142 = vector.shape_cast %broadcast_in_dim3A_3 : vector<16xf32> to vector<1x16xf32>
        tpu.vector_store %arg7[%swap3A_138, %swap3A_139], %swap3A_142 {strides = array<i32>} : memref<128x128xf32, #tpu.memory_space<vmem>>, vector<1x16xf32>,
        %swap3A_143 = arith.constant 64 : i32
        %swap3A_144 = arith.index_cast %while3A_119 : i32 to index
        %swap3A_145 = arith.index_cast %swap3A_143 : i32 to index
        %swap3A_146 = tpu.vector_load %arg7[%swap3A_144, %swap3A_145] {strides = array<i32>} : memref<128x128xf32, #tpu.memory_space<vmem>>, vector<1x16xf32>,
        %swap3A_147 = vector.shape_cast %swap3A_146 : vector<1x16xf32> to vector<16xf32>
        %swap3A_148 = vector.shape_cast %broadcast_in_dim3A_3 : vector<16xf32> to vector<1x16xf32>
        tpu.vector_store %arg7[%swap3A_144, %swap3A_145], %swap3A_148 {strides = array<i32>} : memref<128x128xf32, #tpu.memory_space<vmem>>, vector<1x16xf32>,
        %swap3A_149 = arith.constant 80 : i32
        %swap3A_150 = arith.index_cast %while3A_119 : i32 to index
        %swap3A_151 = arith.index_cast %swap3A_149 : i32 to index
        %swap3A_152 = tpu.vector_load %arg7[%swap3A_150, %swap3A_151] {strides = array<i32>} : memref<128x128xf32, #tpu.memory_space<vmem>>, vector<1x16xf32>,
        %swap3A_153 = vector.shape_cast %swap3A_152 : vector<1x16xf32> to vector<16xf32>
        %swap3A_154 = vector.shape_cast %broadcast_in_dim3A_3 : vector<16xf32> to vector<1x16xf32>
        tpu.vector_store %arg7[%swap3A_150, %swap3A_151], %swap3A_154 {strides = array<i32>} : memref<128x128xf32, #tpu.memory_space<vmem>>, vector<1x16xf32>,
        %swap3A_155 = arith.constant 96 : i32
        %swap3A_156 = arith.index_cast %while3A_119 : i32 to index
        %swap3A_157 = arith.index_cast %swap3A_155 : i32 to index
        %swap3A_158 = tpu.vector_load %arg7[%swap3A_156, %swap3A_157] {strides = array<i32>} : memref<128x128xf32, #tpu.memory_space<vmem>>, vector<1x16xf32>,
        %swap3A_159 = vector.shape_cast %swap3A_158 : vector<1x16xf32> to vector<16xf32>
        %swap3A_160 = vector.shape_cast %broadcast_in_dim3A_3 : vector<16xf32> to vector<1x16xf32>
        tpu.vector_store %arg7[%swap3A_156, %swap3A_157], %swap3A_160 {strides = array<i32>} : memref<128x128xf32, #tpu.memory_space<vmem>>, vector<1x16xf32>,
        %swap3A_161 = arith.constant 112 : i32
        %swap3A_162 = arith.index_cast %while3A_119 : i32 to index
        %swap3A_163 = arith.index_cast %swap3A_161 : i32 to index
        %swap3A_164 = tpu.vector_load %arg7[%swap3A_162, %swap3A_163] {strides = array<i32>} : memref<128x128xf32, #tpu.memory_space<vmem>>, vector<1x16xf32>,
        %swap3A_165 = vector.shape_cast %swap3A_164 : vector<1x16xf32> to vector<16xf32>
        %swap3A_166 = vector.shape_cast %broadcast_in_dim3A_3 : vector<16xf32> to vector<1x16xf32>
        tpu.vector_store %arg7[%swap3A_162, %swap3A_163], %swap3A_166 {strides = array<i32>} : memref<128x128xf32, #tpu.memory_space<vmem>>, vector<1x16xf32>,
      }
      %while3A_13 = arith.constant 1 : i32
      scf.for %while3A_119 = %while3A_11 to %while3A_7 step %while3A_13  : i32 {
        %swap3A = arith.constant 0 : i32
        %swap3A_120 = arith.index_cast %while3A_119 : i32 to index
        %swap3A_121 = arith.index_cast %swap3A : i32 to index
        %swap3A_122 = tpu.vector_load %arg7[%swap3A_120, %swap3A_121] {strides = array<i32>} : memref<128x128xf32, #tpu.memory_space<vmem>>, vector<1x16xf32>,
        %swap3A_123 = vector.shape_cast %swap3A_122 : vector<1x16xf32> to vector<16xf32>
        %swap3A_124 = vector.shape_cast %broadcast_in_dim3A_3 : vector<16xf32> to vector<1x16xf32>
        tpu.vector_store %arg7[%swap3A_120, %swap3A_121], %swap3A_124 {strides = array<i32>} : memref<128x128xf32, #tpu.memory_space<vmem>>, vector<1x16xf32>,
        %swap3A_125 = arith.constant 16 : i32
        %swap3A_126 = arith.index_cast %while3A_119 : i32 to index
        %swap3A_127 = arith.index_cast %swap3A_125 : i32 to index
        %swap3A_128 = tpu.vector_load %arg7[%swap3A_126, %swap3A_127] {strides = array<i32>} : memref<128x128xf32, #tpu.memory_space<vmem>>, vector<1x16xf32>,
        %swap3A_129 = vector.shape_cast %swap3A_128 : vector<1x16xf32> to vector<16xf32>
        %swap3A_130 = vector.shape_cast %broadcast_in_dim3A_3 : vector<16xf32> to vector<1x16xf32>
        tpu.vector_store %arg7[%swap3A_126, %swap3A_127], %swap3A_130 {strides = array<i32>} : memref<128x128xf32, #tpu.memory_space<vmem>>, vector<1x16xf32>,
        %swap3A_131 = arith.constant 32 : i32
        %swap3A_132 = arith.index_cast %while3A_119 : i32 to index
        %swap3A_133 = arith.index_cast %swap3A_131 : i32 to index
        %swap3A_134 = tpu.vector_load %arg7[%swap3A_132, %swap3A_133] {strides = array<i32>} : memref<128x128xf32, #tpu.memory_space<vmem>>, vector<1x16xf32>,
        %swap3A_135 = vector.shape_cast %swap3A_134 : vector<1x16xf32> to vector<16xf32>
        %swap3A_136 = vector.shape_cast %broadcast_in_dim3A_3 : vector<16xf32> to vector<1x16xf32>
        tpu.vector_store %arg7[%swap3A_132, %swap3A_133], %swap3A_136 {strides = array<i32>} : memref<128x128xf32, #tpu.memory_space<vmem>>, vector<1x16xf32>,
        %swap3A_137 = arith.constant 48 : i32
        %swap3A_138 = arith.index_cast %while3A_119 : i32 to index
        %swap3A_139 = arith.index_cast %swap3A_137 : i32 to index
        %swap3A_140 = tpu.vector_load %arg7[%swap3A_138, %swap3A_139] {strides = array<i32>} : memref<128x128xf32, #tpu.memory_space<vmem>>, vector<1x16xf32>,
        %swap3A_141 = vector.shape_cast %swap3A_140 : vector<1x16xf32> to vector<16xf32>
        %swap3A_142 = vector.shape_cast %broadcast_in_dim3A_3 : vector<16xf32> to vector<1x16xf32>
        tpu.vector_store %arg7[%swap3A_138, %swap3A_139], %swap3A_142 {strides = array<i32>} : memref<128x128xf32, #tpu.memory_space<vmem>>, vector<1x16xf32>,
        %swap3A_143 = arith.constant 64 : i32
        %swap3A_144 = arith.index_cast %while3A_119 : i32 to index
        %swap3A_145 = arith.index_cast %swap3A_143 : i32 to index
        %swap3A_146 = tpu.vector_load %arg7[%swap3A_144, %swap3A_145] {strides = array<i32>} : memref<128x128xf32, #tpu.memory_space<vmem>>, vector<1x16xf32>,
        %swap3A_147 = vector.shape_cast %swap3A_146 : vector<1x16xf32> to vector<16xf32>
        %swap3A_148 = vector.shape_cast %broadcast_in_dim3A_3 : vector<16xf32> to vector<1x16xf32>
        tpu.vector_store %arg7[%swap3A_144, %swap3A_145], %swap3A_148 {strides = array<i32>} : memref<128x128xf32, #tpu.memory_space<vmem>>, vector<1x16xf32>,
        %swap3A_149 = arith.constant 80 : i32
        %swap3A_150 = arith.index_cast %while3A_119 : i32 to index
        %swap3A_151 = arith.index_cast %swap3A_149 : i32 to index
        %swap3A_152 = tpu.vector_load %arg7[%swap3A_150, %swap3A_151] {strides = array<i32>} : memref<128x128xf32, #tpu.memory_space<vmem>>, vector<1x16xf32>,
        %swap3A_153 = vector.shape_cast %swap3A_152 : vector<1x16xf32> to vector<16xf32>
        %swap3A_154 = vector.shape_cast %broadcast_in_dim3A_3 : vector<16xf32> to vector<1x16xf32>
        tpu.vector_store %arg7[%swap3A_150, %swap3A_151], %swap3A_154 {strides = array<i32>} : memref<128x128xf32, #tpu.memory_space<vmem>>, vector<1x16xf32>,
        %swap3A_155 = arith.constant 96 : i32
        %swap3A_156 = arith.index_cast %while3A_119 : i32 to index
        %swap3A_157 = arith.index_cast %swap3A_155 : i32 to index
        %swap3A_158 = tpu.vector_load %arg7[%swap3A_156, %swap3A_157] {strides = array<i32>} : memref<128x128xf32, #tpu.memory_space<vmem>>, vector<1x16xf32>,
        %swap3A_159 = vector.shape_cast %swap3A_158 : vector<1x16xf32> to vector<16xf32>
        %swap3A_160 = vector.shape_cast %broadcast_in_dim3A_3 : vector<16xf32> to vector<1x16xf32>
        tpu.vector_store %arg7[%swap3A_156, %swap3A_157], %swap3A_160 {strides = array<i32>} : memref<128x128xf32, #tpu.memory_space<vmem>>, vector<1x16xf32>,
        %swap3A_161 = arith.constant 112 : i32
        %swap3A_162 = arith.index_cast %while3A_119 : i32 to index
        %swap3A_163 = arith.index_cast %swap3A_161 : i32 to index
        %swap3A_164 = tpu.vector_load %arg7[%swap3A_162, %swap3A_163] {strides = array<i32>} : memref<128x128xf32, #tpu.memory_space<vmem>>, vector<1x16xf32>,
        %swap3A_165 = vector.shape_cast %swap3A_164 : vector<1x16xf32> to vector<16xf32>
        %swap3A_166 = vector.shape_cast %broadcast_in_dim3A_3 : vector<16xf32> to vector<1x16xf32>
        tpu.vector_store %arg7[%swap3A_162, %swap3A_163], %swap3A_166 {strides = array<i32>} : memref<128x128xf32, #tpu.memory_space<vmem>>, vector<1x16xf32>,
      }
      %add3A = arith.constant 0 : i32
      %add3A_14 = arith.addi %mul3A_0, %add3A : i32
      "tpu.region"() ({
        %run_scoped3A = tpu.sem_alloc : memref<!tpu.dma_semaphore, #tpu.memory_space<semaphore_mem>>
        %dma_start3A_119 = arith.constant 0 : i32
        %dma_start3A_120 = tpu.memref_slice %arg9[%add3A_14, %dma_start3A_119] : memref<10240x128xf32, #tpu.memory_space<vmem_shared>> -> memref<128x128xf32, #tpu.memory_space<vmem_shared>>
        %dma_start3A_121 = arith.constant 0 : i32
        %dma_start3A_122 = tpu.memref_slice %arg9[%add3A_14, %dma_start3A_121] : memref<10240x128xf32, #tpu.memory_space<vmem_shared>> -> memref<128x128xf32, #tpu.memory_space<vmem_shared>>
        tpu.enqueue_dma source(%arg7 : memref<128x128xf32, #tpu.memory_space<vmem>>) target(%dma_start3A_122 : memref<128x128xf32, #tpu.memory_space<vmem_shared>>) target_semaphore(%run_scoped3A : memref<!tpu.dma_semaphore, #tpu.memory_space<semaphore_mem>>)
        %dma_wait3A_123 = arith.constant 0 : i32
        %dma_wait3A_124 = tpu.memref_slice %arg9[%add3A_14, %dma_wait3A_123] : memref<10240x128xf32, #tpu.memory_space<vmem_shared>> -> memref<128x128xf32, #tpu.memory_space<vmem_shared>>
        %dma_wait3A_125 = arith.constant 0 : i32
        %dma_wait3A_126 = tpu.memref_slice %arg9[%add3A_14, %dma_wait3A_125] : memref<10240x128xf32, #tpu.memory_space<vmem_shared>> -> memref<128x128xf32, #tpu.memory_space<vmem_shared>>
        tpu.wait_dma2 semaphore(%run_scoped3A : memref<!tpu.dma_semaphore, #tpu.memory_space<semaphore_mem>>) src(%arg7 : memref<128x128xf32, #tpu.memory_space<vmem>>) dst(%dma_wait3A_126 : memref<128x128xf32, #tpu.memory_space<vmem_shared>>)
        tpu.yield
      }) : () -> ()
      %add3A_15 = arith.constant 128 : i32
      %add3A_16 = arith.addi %mul3A_0, %add3A_15 : i32
      "tpu.region"() ({
        %run_scoped3A = tpu.sem_alloc : memref<!tpu.dma_semaphore, #tpu.memory_space<semaphore_mem>>
        %dma_start3A_119 = arith.constant 0 : i32
        %dma_start3A_120 = tpu.memref_slice %arg9[%add3A_16, %dma_start3A_119] : memref<10240x128xf32, #tpu.memory_space<vmem_shared>> -> memref<128x128xf32, #tpu.memory_space<vmem_shared>>
        %dma_start3A_121 = arith.constant 0 : i32
        %dma_start3A_122 = tpu.memref_slice %arg9[%add3A_16, %dma_start3A_121] : memref<10240x128xf32, #tpu.memory_space<vmem_shared>> -> memref<128x128xf32, #tpu.memory_space<vmem_shared>>
        tpu.enqueue_dma source(%arg7 : memref<128x128xf32, #tpu.memory_space<vmem>>) target(%dma_start3A_122 : memref<128x128xf32, #tpu.memory_space<vmem_shared>>) target_semaphore(%run_scoped3A : memref<!tpu.dma_semaphore, #tpu.memory_space<semaphore_mem>>)
        %dma_wait3A_123 = arith.constant 0 : i32
        %dma_wait3A_124 = tpu.memref_slice %arg9[%add3A_16, %dma_wait3A_123] : memref<10240x128xf32, #tpu.memory_space<vmem_shared>> -> memref<128x128xf32, #tpu.memory_space<vmem_shared>>
        %dma_wait3A_125 = arith.constant 0 : i32
        %dma_wait3A_126 = tpu.memref_slice %arg9[%add3A_16, %dma_wait3A_125] : memref<10240x128xf32, #tpu.memory_space<vmem_shared>> -> memref<128x128xf32, #tpu.memory_space<vmem_shared>>
        tpu.wait_dma2 semaphore(%run_scoped3A : memref<!tpu.dma_semaphore, #tpu.memory_space<semaphore_mem>>) src(%arg7 : memref<128x128xf32, #tpu.memory_space<vmem>>) dst(%dma_wait3A_126 : memref<128x128xf32, #tpu.memory_space<vmem_shared>>)
        tpu.yield
      }) : () -> ()
      %add3A_17 = arith.constant 256 : i32
      %add3A_18 = arith.addi %mul3A_0, %add3A_17 : i32
      "tpu.region"() ({
        %run_scoped3A = tpu.sem_alloc : memref<!tpu.dma_semaphore, #tpu.memory_space<semaphore_mem>>
        %dma_start3A_119 = arith.constant 0 : i32
        %dma_start3A_120 = tpu.memref_slice %arg9[%add3A_18, %dma_start3A_119] : memref<10240x128xf32, #tpu.memory_space<vmem_shared>> -> memref<128x128xf32, #tpu.memory_space<vmem_shared>>
        %dma_start3A_121 = arith.constant 0 : i32
        %dma_start3A_122 = tpu.memref_slice %arg9[%add3A_18, %dma_start3A_121] : memref<10240x128xf32, #tpu.memory_space<vmem_shared>> -> memref<128x128xf32, #tpu.memory_space<vmem_shared>>
        tpu.enqueue_dma source(%arg7 : memref<128x128xf32, #tpu.memory_space<vmem>>) target(%dma_start3A_122 : memref<128x128xf32, #tpu.memory_space<vmem_shared>>) target_semaphore(%run_scoped3A : memref<!tpu.dma_semaphore, #tpu.memory_space<semaphore_mem>>)
        %dma_wait3A_123 = arith.constant 0 : i32
        %dma_wait3A_124 = tpu.memref_slice %arg9[%add3A_18, %dma_wait3A_123] : memref<10240x128xf32, #tpu.memory_space<vmem_shared>> -> memref<128x128xf32, #tpu.memory_space<vmem_shared>>
        %dma_wait3A_125 = arith.constant 0 : i32
        %dma_wait3A_126 = tpu.memref_slice %arg9[%add3A_18, %dma_wait3A_125] : memref<10240x128xf32, #tpu.memory_space<vmem_shared>> -> memref<128x128xf32, #tpu.memory_space<vmem_shared>>
        tpu.wait_dma2 semaphore(%run_scoped3A : memref<!tpu.dma_semaphore, #tpu.memory_space<semaphore_mem>>) src(%arg7 : memref<128x128xf32, #tpu.memory_space<vmem>>) dst(%dma_wait3A_126 : memref<128x128xf32, #tpu.memory_space<vmem_shared>>)
        tpu.yield
      }) : () -> ()
      %add3A_19 = arith.constant 384 : i32
      %add3A_20 = arith.addi %mul3A_0, %add3A_19 : i32
      "tpu.region"() ({
        %run_scoped3A = tpu.sem_alloc : memref<!tpu.dma_semaphore, #tpu.memory_space<semaphore_mem>>
        %dma_start3A_119 = arith.constant 0 : i32
        %dma_start3A_120 = tpu.memref_slice %arg9[%add3A_20, %dma_start3A_119] : memref<10240x128xf32, #tpu.memory_space<vmem_shared>> -> memref<128x128xf32, #tpu.memory_space<vmem_shared>>
        %dma_start3A_121 = arith.constant 0 : i32
        %dma_start3A_122 = tpu.memref_slice %arg9[%add3A_20, %dma_start3A_121] : memref<10240x128xf32, #tpu.memory_space<vmem_shared>> -> memref<128x128xf32, #tpu.memory_space<vmem_shared>>
        tpu.enqueue_dma source(%arg7 : memref<128x128xf32, #tpu.memory_space<vmem>>) target(%dma_start3A_122 : memref<128x128xf32, #tpu.memory_space<vmem_shared>>) target_semaphore(%run_scoped3A : memref<!tpu.dma_semaphore, #tpu.memory_space<semaphore_mem>>)
        %dma_wait3A_123 = arith.constant 0 : i32
        %dma_wait3A_124 = tpu.memref_slice %arg9[%add3A_20, %dma_wait3A_123] : memref<10240x128xf32, #tpu.memory_space<vmem_shared>> -> memref<128x128xf32, #tpu.memory_space<vmem_shared>>
        %dma_wait3A_125 = arith.constant 0 : i32
        %dma_wait3A_126 = tpu.memref_slice %arg9[%add3A_20, %dma_wait3A_125] : memref<10240x128xf32, #tpu.memory_space<vmem_shared>> -> memref<128x128xf32, #tpu.memory_space<vmem_shared>>
        tpu.wait_dma2 semaphore(%run_scoped3A : memref<!tpu.dma_semaphore, #tpu.memory_space<semaphore_mem>>) src(%arg7 : memref<128x128xf32, #tpu.memory_space<vmem>>) dst(%dma_wait3A_126 : memref<128x128xf32, #tpu.memory_space<vmem_shared>>)
        tpu.yield
      }) : () -> ()
      %add3A_21 = arith.constant 512 : i32
      %add3A_22 = arith.addi %mul3A_0, %add3A_21 : i32
      "tpu.region"() ({
        %run_scoped3A = tpu.sem_alloc : memref<!tpu.dma_semaphore, #tpu.memory_space<semaphore_mem>>
        %dma_start3A_119 = arith.constant 0 : i32
        %dma_start3A_120 = tpu.memref_slice %arg9[%add3A_22, %dma_start3A_119] : memref<10240x128xf32, #tpu.memory_space<vmem_shared>> -> memref<128x128xf32, #tpu.memory_space<vmem_shared>>
        %dma_start3A_121 = arith.constant 0 : i32
        %dma_start3A_122 = tpu.memref_slice %arg9[%add3A_22, %dma_start3A_121] : memref<10240x128xf32, #tpu.memory_space<vmem_shared>> -> memref<128x128xf32, #tpu.memory_space<vmem_shared>>
        tpu.enqueue_dma source(%arg7 : memref<128x128xf32, #tpu.memory_space<vmem>>) target(%dma_start3A_122 : memref<128x128xf32, #tpu.memory_space<vmem_shared>>) target_semaphore(%run_scoped3A : memref<!tpu.dma_semaphore, #tpu.memory_space<semaphore_mem>>)
        %dma_wait3A_123 = arith.constant 0 : i32
        %dma_wait3A_124 = tpu.memref_slice %arg9[%add3A_22, %dma_wait3A_123] : memref<10240x128xf32, #tpu.memory_space<vmem_shared>> -> memref<128x128xf32, #tpu.memory_space<vmem_shared>>
        %dma_wait3A_125 = arith.constant 0 : i32
        %dma_wait3A_126 = tpu.memref_slice %arg9[%add3A_22, %dma_wait3A_125] : memref<10240x128xf32, #tpu.memory_space<vmem_shared>> -> memref<128x128xf32, #tpu.memory_space<vmem_shared>>
        tpu.wait_dma2 semaphore(%run_scoped3A : memref<!tpu.dma_semaphore, #tpu.memory_space<semaphore_mem>>) src(%arg7 : memref<128x128xf32, #tpu.memory_space<vmem>>) dst(%dma_wait3A_126 : memref<128x128xf32, #tpu.memory_space<vmem_shared>>)
        tpu.yield
      }) : () -> ()
      %barrier3A = arith.constant 0 : index
      tpu.barrier barrier_id(%barrier3A)
      %mul3A_23 = arith.constant 160 : i32
      %mul3A_24 = arith.muli %arg1, %mul3A_23 : i32
      %add3A_25 = arith.constant 0 : i32
      %add3A_26 = arith.addi %mul3A_24, %add3A_25 : i32
      "tpu.region"() ({
        %run_scoped3A = tpu.sem_alloc : memref<!tpu.dma_semaphore, #tpu.memory_space<semaphore_mem>>
        %dma_start3A_119 = arith.constant 0 : i32
        %dma_start3A_120 = arith.constant 0 : i32
        %dma_start3A_121 = tpu.memref_slice %arg3[%add3A_26, %dma_start3A_119, %dma_start3A_120] : memref<2560x2x128xi32, #tpu.memory_space<hbm>> -> memref<1x2x128xi32, #tpu.memory_space<hbm>>
        %dma_start3A_122 = arith.constant 0 : i32
        %dma_start3A_123 = arith.constant 0 : i32
        %dma_start3A_124 = tpu.memref_slice %arg3[%add3A_26, %dma_start3A_122, %dma_start3A_123] : memref<2560x2x128xi32, #tpu.memory_space<hbm>> -> memref<1x2x128xi32, #tpu.memory_space<hbm>>
        tpu.enqueue_dma source(%dma_start3A_124 : memref<1x2x128xi32, #tpu.memory_space<hbm>>) target(%arg5 : memref<1x2x128xi32, #tpu.memory_space<vmem>>) target_semaphore(%run_scoped3A : memref<!tpu.dma_semaphore, #tpu.memory_space<semaphore_mem>>)
        %dma_wait3A_125 = arith.constant 0 : i32
        %dma_wait3A_126 = arith.constant 0 : i32
        %dma_wait3A_127 = tpu.memref_slice %arg3[%add3A_26, %dma_wait3A_125, %dma_wait3A_126] : memref<2560x2x128xi32, #tpu.memory_space<hbm>> -> memref<1x2x128xi32, #tpu.memory_space<hbm>>
        %dma_wait3A_128 = arith.constant 0 : i32
        %dma_wait3A_129 = arith.constant 0 : i32
        %dma_wait3A_130 = tpu.memref_slice %arg3[%add3A_26, %dma_wait3A_128, %dma_wait3A_129] : memref<2560x2x128xi32, #tpu.memory_space<hbm>> -> memref<1x2x128xi32, #tpu.memory_space<hbm>>
        tpu.wait_dma2 semaphore(%run_scoped3A : memref<!tpu.dma_semaphore, #tpu.memory_space<semaphore_mem>>) src(%dma_wait3A_130 : memref<1x2x128xi32, #tpu.memory_space<hbm>>) dst(%arg5 : memref<1x2x128xi32, #tpu.memory_space<vmem>>)
        tpu.yield
      }) : () -> ()
      %add3A_27 = arith.constant 1 : i32
      %add3A_28 = arith.addi %mul3A_24, %add3A_27 : i32
      %dma_start3A = arith.constant 0 : i32
      %dma_start3A_29 = arith.constant 0 : i32
      %dma_start3A_30 = tpu.memref_slice %arg3[%add3A_28, %dma_start3A, %dma_start3A_29] : memref<2560x2x128xi32, #tpu.memory_space<hbm>> -> memref<1x2x128xi32, #tpu.memory_space<hbm>>
      %dma_start3A_31 = arith.constant 0 : i32
      %dma_start3A_32 = arith.constant 0 : i32
      %dma_start3A_33 = tpu.memref_slice %arg3[%add3A_28, %dma_start3A_31, %dma_start3A_32] : memref<2560x2x128xi32, #tpu.memory_space<hbm>> -> memref<1x2x128xi32, #tpu.memory_space<hbm>>
      tpu.enqueue_dma source(%dma_start3A_33 : memref<1x2x128xi32, #tpu.memory_space<hbm>>) target(%arg6 : memref<1x2x128xi32, #tpu.memory_space<vmem>>) target_semaphore(%arg15 : memref<!tpu.dma_semaphore, #tpu.memory_space<semaphore_mem>>)
      %dma_start3A_34 = arith.constant 0 : i32
      %dma_start3A_35 = arith.constant 0 : i32
      %dma_start3A_36 = arith.constant 0 : i32
      %dma_start3A_37 = tpu.memref_slice %arg5[%dma_start3A_34, %dma_start3A_35, %dma_start3A_36] : memref<1x2x128xi32, #tpu.memory_space<vmem>> -> memref<1x1x128xi32, #tpu.memory_space<vmem>>
      %dma_start3A_38 = tpu.memref_squeeze %dma_start3A_37 : memref<1x1x128xi32, #tpu.memory_space<vmem>> -> memref<128xi32, #tpu.memory_space<vmem>>
      %dma_start3A_39 = arith.constant 0 : i32
      %dma_start3A_40 = arith.constant 0 : i32
      %dma_start3A_41 = tpu.memref_slice %arg2[%dma_start3A_39, %dma_start3A_40] : memref<10000x128xf32, #tpu.memory_space<hbm>> -> memref<10000x128xf32, #tpu.memory_space<hbm>>
      tpu.enqueue_indirect_dma source(%dma_start3A_41 : memref<10000x128xf32, #tpu.memory_space<hbm>>) target(%arg7 : memref<128x128xf32, #tpu.memory_space<vmem>>) offsets(%dma_start3A_38 : memref<128xi32, #tpu.memory_space<vmem>>) semaphore(%arg10 : memref<!tpu.dma_semaphore, #tpu.memory_space<semaphore_mem>>)
      %while3A_42 = arith.constant 0 : i32
      %while3A_43 = arith.constant 0 : i32
      %while3A_44 = arith.constant 79 : i32
      %while3A_45 = arith.subi %while3A_44, %while3A_43 : i32
      %while3A_46 = arith.addi %while3A_43, %while3A_45 : i32
      %while3A_47 = arith.constant 1 : i32
      %while3A_48 = arith.divsi %while3A_45, %while3A_47 : i32
      %while3A_49 = arith.muli %while3A_48, %while3A_47 : i32
      %while3A_50 = arith.addi %while3A_43, %while3A_49 : i32
      %while3A_51 = arith.constant 1 : i32
      scf.for %while3A_119 = %while3A_43 to %while3A_50 step %while3A_51  : i32 {
        %mul3A_120 = arith.constant 2 : i32
        %mul3A_121 = arith.muli %while3A_119, %mul3A_120 : i32
        %dma_wait3A_122 = arith.constant 0 : i32
        %dma_wait3A_123 = arith.constant 0 : i32
        %dma_wait3A_124 = arith.constant 0 : i32
        %dma_wait3A_125 = tpu.memref_slice %arg5[%dma_wait3A_122, %dma_wait3A_123, %dma_wait3A_124] : memref<1x2x128xi32, #tpu.memory_space<vmem>> -> memref<1x1x128xi32, #tpu.memory_space<vmem>>
        %dma_wait3A_126 = tpu.memref_squeeze %dma_wait3A_125 : memref<1x1x128xi32, #tpu.memory_space<vmem>> -> memref<128xi32, #tpu.memory_space<vmem>>
        %dma_wait3A_127 = arith.constant 0 : i32
        %dma_wait3A_128 = arith.constant 0 : i32
        %dma_wait3A_129 = tpu.memref_slice %arg2[%dma_wait3A_127, %dma_wait3A_128] : memref<10000x128xf32, #tpu.memory_space<hbm>> -> memref<10000x128xf32, #tpu.memory_space<hbm>>
        tpu.wait_indirect_dma semaphore(%arg10 : memref<!tpu.dma_semaphore, #tpu.memory_space<semaphore_mem>>) src(%dma_wait3A_129 : memref<10000x128xf32, #tpu.memory_space<hbm>>) dst(%arg7 : memref<128x128xf32, #tpu.memory_space<vmem>>)
        %dma_start3A_130 = arith.constant 0 : i32
        %dma_start3A_131 = arith.constant 1 : i32
        %dma_start3A_132 = arith.constant 0 : i32
        %dma_start3A_133 = tpu.memref_slice %arg5[%dma_start3A_130, %dma_start3A_131, %dma_start3A_132] : memref<1x2x128xi32, #tpu.memory_space<vmem>> -> memref<1x1x128xi32, #tpu.memory_space<vmem>>
        %dma_start3A_134 = tpu.memref_squeeze %dma_start3A_133 : memref<1x1x128xi32, #tpu.memory_space<vmem>> -> memref<128xi32, #tpu.memory_space<vmem>>
        %dma_start3A_135 = arith.constant 0 : i32
        %dma_start3A_136 = arith.constant 0 : i32
        %dma_start3A_137 = tpu.memref_slice %arg9[%dma_start3A_135, %dma_start3A_136] : memref<10240x128xf32, #tpu.memory_space<vmem_shared>> -> memref<10240x128xf32, #tpu.memory_space<vmem_shared>>
        tpu.enqueue_indirect_dma source(%arg7 : memref<128x128xf32, #tpu.memory_space<vmem>>) target(%dma_start3A_137 : memref<10240x128xf32, #tpu.memory_space<vmem_shared>>) offsets(%dma_start3A_134 : memref<128xi32, #tpu.memory_space<vmem>>) semaphore(%arg12 : memref<!tpu.dma_semaphore, #tpu.memory_space<semaphore_mem>>) {add = true}
        %add3A_138 = arith.constant 1 : i32
        %add3A_139 = arith.addi %mul3A_121, %add3A_138 : i32
        %add3A_140 = arith.addi %mul3A_24, %add3A_139 : i32
        %dma_wait3A_141 = arith.constant 0 : i32
        %dma_wait3A_142 = arith.constant 0 : i32
        %dma_wait3A_143 = tpu.memref_slice %arg3[%add3A_140, %dma_wait3A_141, %dma_wait3A_142] : memref<2560x2x128xi32, #tpu.memory_space<hbm>> -> memref<1x2x128xi32, #tpu.memory_space<hbm>>
        %dma_wait3A_144 = arith.constant 0 : i32
        %dma_wait3A_145 = arith.constant 0 : i32
        %dma_wait3A_146 = tpu.memref_slice %arg3[%add3A_140, %dma_wait3A_144, %dma_wait3A_145] : memref<2560x2x128xi32, #tpu.memory_space<hbm>> -> memref<1x2x128xi32, #tpu.memory_space<hbm>>
        tpu.wait_dma2 semaphore(%arg15 : memref<!tpu.dma_semaphore, #tpu.memory_space<semaphore_mem>>) src(%dma_wait3A_146 : memref<1x2x128xi32, #tpu.memory_space<hbm>>) dst(%arg6 : memref<1x2x128xi32, #tpu.memory_space<vmem>>)
        %dma_start3A_147 = arith.constant 0 : i32
        %dma_start3A_148 = arith.constant 0 : i32
        %dma_start3A_149 = arith.constant 0 : i32
        %dma_start3A_150 = tpu.memref_slice %arg6[%dma_start3A_147, %dma_start3A_148, %dma_start3A_149] : memref<1x2x128xi32, #tpu.memory_space<vmem>> -> memref<1x1x128xi32, #tpu.memory_space<vmem>>
        %dma_start3A_151 = tpu.memref_squeeze %dma_start3A_150 : memref<1x1x128xi32, #tpu.memory_space<vmem>> -> memref<128xi32, #tpu.memory_space<vmem>>
        %dma_start3A_152 = arith.constant 0 : i32
        %dma_start3A_153 = arith.constant 0 : i32
        %dma_start3A_154 = tpu.memref_slice %arg2[%dma_start3A_152, %dma_start3A_153] : memref<10000x128xf32, #tpu.memory_space<hbm>> -> memref<10000x128xf32, #tpu.memory_space<hbm>>
        tpu.enqueue_indirect_dma source(%dma_start3A_154 : memref<10000x128xf32, #tpu.memory_space<hbm>>) target(%arg8 : memref<128x128xf32, #tpu.memory_space<vmem>>) offsets(%dma_start3A_151 : memref<128xi32, #tpu.memory_space<vmem>>) semaphore(%arg11 : memref<!tpu.dma_semaphore, #tpu.memory_space<semaphore_mem>>)
        %dma_wait3A_155 = arith.constant 0 : i32
        %dma_wait3A_156 = arith.constant 1 : i32
        %dma_wait3A_157 = arith.constant 0 : i32
        %dma_wait3A_158 = tpu.memref_slice %arg5[%dma_wait3A_155, %dma_wait3A_156, %dma_wait3A_157] : memref<1x2x128xi32, #tpu.memory_space<vmem>> -> memref<1x1x128xi32, #tpu.memory_space<vmem>>
        %dma_wait3A_159 = tpu.memref_squeeze %dma_wait3A_158 : memref<1x1x128xi32, #tpu.memory_space<vmem>> -> memref<128xi32, #tpu.memory_space<vmem>>
        %dma_wait3A_160 = arith.constant 0 : i32
        %dma_wait3A_161 = arith.constant 0 : i32
        %dma_wait3A_162 = tpu.memref_slice %arg9[%dma_wait3A_160, %dma_wait3A_161] : memref<10240x128xf32, #tpu.memory_space<vmem_shared>> -> memref<10240x128xf32, #tpu.memory_space<vmem_shared>>
        tpu.wait_indirect_dma semaphore(%arg12 : memref<!tpu.dma_semaphore, #tpu.memory_space<semaphore_mem>>) src(%arg7 : memref<128x128xf32, #tpu.memory_space<vmem>>) dst(%dma_wait3A_162 : memref<10240x128xf32, #tpu.memory_space<vmem_shared>>)
        %add3A_163 = arith.constant 2 : i32
        %add3A_164 = arith.addi %mul3A_121, %add3A_163 : i32
        %add3A_165 = arith.addi %mul3A_24, %add3A_164 : i32
        %dma_start3A_166 = arith.constant 0 : i32
        %dma_start3A_167 = arith.constant 0 : i32
        %dma_start3A_168 = tpu.memref_slice %arg3[%add3A_165, %dma_start3A_166, %dma_start3A_167] : memref<2560x2x128xi32, #tpu.memory_space<hbm>> -> memref<1x2x128xi32, #tpu.memory_space<hbm>>
        %dma_start3A_169 = arith.constant 0 : i32
        %dma_start3A_170 = arith.constant 0 : i32
        %dma_start3A_171 = tpu.memref_slice %arg3[%add3A_165, %dma_start3A_169, %dma_start3A_170] : memref<2560x2x128xi32, #tpu.memory_space<hbm>> -> memref<1x2x128xi32, #tpu.memory_space<hbm>>
        tpu.enqueue_dma source(%dma_start3A_171 : memref<1x2x128xi32, #tpu.memory_space<hbm>>) target(%arg5 : memref<1x2x128xi32, #tpu.memory_space<vmem>>) target_semaphore(%arg14 : memref<!tpu.dma_semaphore, #tpu.memory_space<semaphore_mem>>)
        %add3A_172 = arith.constant 1 : i32
        %add3A_173 = arith.addi %mul3A_121, %add3A_172 : i32
        %dma_wait3A_174 = arith.constant 0 : i32
        %dma_wait3A_175 = arith.constant 0 : i32
        %dma_wait3A_176 = arith.constant 0 : i32
        %dma_wait3A_177 = tpu.memref_slice %arg6[%dma_wait3A_174, %dma_wait3A_175, %dma_wait3A_176] : memref<1x2x128xi32, #tpu.memory_space<vmem>> -> memref<1x1x128xi32, #tpu.memory_space<vmem>>
        %dma_wait3A_178 = tpu.memref_squeeze %dma_wait3A_177 : memref<1x1x128xi32, #tpu.memory_space<vmem>> -> memref<128xi32, #tpu.memory_space<vmem>>
        %dma_wait3A_179 = arith.constant 0 : i32
        %dma_wait3A_180 = arith.constant 0 : i32
        %dma_wait3A_181 = tpu.memref_slice %arg2[%dma_wait3A_179, %dma_wait3A_180] : memref<10000x128xf32, #tpu.memory_space<hbm>> -> memref<10000x128xf32, #tpu.memory_space<hbm>>
        tpu.wait_indirect_dma semaphore(%arg11 : memref<!tpu.dma_semaphore, #tpu.memory_space<semaphore_mem>>) src(%dma_wait3A_181 : memref<10000x128xf32, #tpu.memory_space<hbm>>) dst(%arg8 : memref<128x128xf32, #tpu.memory_space<vmem>>)
        %dma_start3A_182 = arith.constant 0 : i32
        %dma_start3A_183 = arith.constant 1 : i32
        %dma_start3A_184 = arith.constant 0 : i32
        %dma_start3A_185 = tpu.memref_slice %arg6[%dma_start3A_182, %dma_start3A_183, %dma_start3A_184] : memref<1x2x128xi32, #tpu.memory_space<vmem>> -> memref<1x1x128xi32, #tpu.memory_space<vmem>>
        %dma_start3A_186 = tpu.memref_squeeze %dma_start3A_185 : memref<1x1x128xi32, #tpu.memory_space<vmem>> -> memref<128xi32, #tpu.memory_space<vmem>>
        %dma_start3A_187 = arith.constant 0 : i32
        %dma_start3A_188 = arith.constant 0 : i32
        %dma_start3A_189 = tpu.memref_slice %arg9[%dma_start3A_187, %dma_start3A_188] : memref<10240x128xf32, #tpu.memory_space<vmem_shared>> -> memref<10240x128xf32, #tpu.memory_space<vmem_shared>>
        tpu.enqueue_indirect_dma source(%arg8 : memref<128x128xf32, #tpu.memory_space<vmem>>) target(%dma_start3A_189 : memref<10240x128xf32, #tpu.memory_space<vmem_shared>>) offsets(%dma_start3A_186 : memref<128xi32, #tpu.memory_space<vmem>>) semaphore(%arg13 : memref<!tpu.dma_semaphore, #tpu.memory_space<semaphore_mem>>) {add = true}
        %add3A_190 = arith.constant 1 : i32
        %add3A_191 = arith.addi %add3A_173, %add3A_190 : i32
        %add3A_192 = arith.addi %mul3A_24, %add3A_191 : i32
        %dma_wait3A_193 = arith.constant 0 : i32
        %dma_wait3A_194 = arith.constant 0 : i32
        %dma_wait3A_195 = tpu.memref_slice %arg3[%add3A_192, %dma_wait3A_193, %dma_wait3A_194] : memref<2560x2x128xi32, #tpu.memory_space<hbm>> -> memref<1x2x128xi32, #tpu.memory_space<hbm>>
        %dma_wait3A_196 = arith.constant 0 : i32
        %dma_wait3A_197 = arith.constant 0 : i32
        %dma_wait3A_198 = tpu.memref_slice %arg3[%add3A_192, %dma_wait3A_196, %dma_wait3A_197] : memref<2560x2x128xi32, #tpu.memory_space<hbm>> -> memref<1x2x128xi32, #tpu.memory_space<hbm>>
        tpu.wait_dma2 semaphore(%arg14 : memref<!tpu.dma_semaphore, #tpu.memory_space<semaphore_mem>>) src(%dma_wait3A_198 : memref<1x2x128xi32, #tpu.memory_space<hbm>>) dst(%arg5 : memref<1x2x128xi32, #tpu.memory_space<vmem>>)
        %dma_start3A_199 = arith.constant 0 : i32
        %dma_start3A_200 = arith.constant 0 : i32
        %dma_start3A_201 = arith.constant 0 : i32
        %dma_start3A_202 = tpu.memref_slice %arg5[%dma_start3A_199, %dma_start3A_200, %dma_start3A_201] : memref<1x2x128xi32, #tpu.memory_space<vmem>> -> memref<1x1x128xi32, #tpu.memory_space<vmem>>
        %dma_start3A_203 = tpu.memref_squeeze %dma_start3A_202 : memref<1x1x128xi32, #tpu.memory_space<vmem>> -> memref<128xi32, #tpu.memory_space<vmem>>
        %dma_start3A_204 = arith.constant 0 : i32
        %dma_start3A_205 = arith.constant 0 : i32
        %dma_start3A_206 = tpu.memref_slice %arg2[%dma_start3A_204, %dma_start3A_205] : memref<10000x128xf32, #tpu.memory_space<hbm>> -> memref<10000x128xf32, #tpu.memory_space<hbm>>
        tpu.enqueue_indirect_dma source(%dma_start3A_206 : memref<10000x128xf32, #tpu.memory_space<hbm>>) target(%arg7 : memref<128x128xf32, #tpu.memory_space<vmem>>) offsets(%dma_start3A_203 : memref<128xi32, #tpu.memory_space<vmem>>) semaphore(%arg10 : memref<!tpu.dma_semaphore, #tpu.memory_space<semaphore_mem>>)
        %dma_wait3A_207 = arith.constant 0 : i32
        %dma_wait3A_208 = arith.constant 1 : i32
        %dma_wait3A_209 = arith.constant 0 : i32
        %dma_wait3A_210 = tpu.memref_slice %arg6[%dma_wait3A_207, %dma_wait3A_208, %dma_wait3A_209] : memref<1x2x128xi32, #tpu.memory_space<vmem>> -> memref<1x1x128xi32, #tpu.memory_space<vmem>>
        %dma_wait3A_211 = tpu.memref_squeeze %dma_wait3A_210 : memref<1x1x128xi32, #tpu.memory_space<vmem>> -> memref<128xi32, #tpu.memory_space<vmem>>
        %dma_wait3A_212 = arith.constant 0 : i32
        %dma_wait3A_213 = arith.constant 0 : i32
        %dma_wait3A_214 = tpu.memref_slice %arg9[%dma_wait3A_212, %dma_wait3A_213] : memref<10240x128xf32, #tpu.memory_space<vmem_shared>> -> memref<10240x128xf32, #tpu.memory_space<vmem_shared>>
        tpu.wait_indirect_dma semaphore(%arg13 : memref<!tpu.dma_semaphore, #tpu.memory_space<semaphore_mem>>) src(%arg8 : memref<128x128xf32, #tpu.memory_space<vmem>>) dst(%dma_wait3A_214 : memref<10240x128xf32, #tpu.memory_space<vmem_shared>>)
        %add3A_215 = arith.constant 3 : i32
        %add3A_216 = arith.addi %mul3A_121, %add3A_215 : i32
        %add3A_217 = arith.addi %mul3A_24, %add3A_216 : i32
        %dma_start3A_218 = arith.constant 0 : i32
        %dma_start3A_219 = arith.constant 0 : i32
        %dma_start3A_220 = tpu.memref_slice %arg3[%add3A_217, %dma_start3A_218, %dma_start3A_219] : memref<2560x2x128xi32, #tpu.memory_space<hbm>> -> memref<1x2x128xi32, #tpu.memory_space<hbm>>
        %dma_start3A_221 = arith.constant 0 : i32
        %dma_start3A_222 = arith.constant 0 : i32
        %dma_start3A_223 = tpu.memref_slice %arg3[%add3A_217, %dma_start3A_221, %dma_start3A_222] : memref<2560x2x128xi32, #tpu.memory_space<hbm>> -> memref<1x2x128xi32, #tpu.memory_space<hbm>>
        tpu.enqueue_dma source(%dma_start3A_223 : memref<1x2x128xi32, #tpu.memory_space<hbm>>) target(%arg6 : memref<1x2x128xi32, #tpu.memory_space<vmem>>) target_semaphore(%arg15 : memref<!tpu.dma_semaphore, #tpu.memory_space<semaphore_mem>>)
      }
      %while3A_52 = arith.constant 1 : i32
      scf.for %while3A_119 = %while3A_50 to %while3A_46 step %while3A_52  : i32 {
        %mul3A_120 = arith.constant 2 : i32
        %mul3A_121 = arith.muli %while3A_119, %mul3A_120 : i32
        %dma_wait3A_122 = arith.constant 0 : i32
        %dma_wait3A_123 = arith.constant 0 : i32
        %dma_wait3A_124 = arith.constant 0 : i32
        %dma_wait3A_125 = tpu.memref_slice %arg5[%dma_wait3A_122, %dma_wait3A_123, %dma_wait3A_124] : memref<1x2x128xi32, #tpu.memory_space<vmem>> -> memref<1x1x128xi32, #tpu.memory_space<vmem>>
        %dma_wait3A_126 = tpu.memref_squeeze %dma_wait3A_125 : memref<1x1x128xi32, #tpu.memory_space<vmem>> -> memref<128xi32, #tpu.memory_space<vmem>>
        %dma_wait3A_127 = arith.constant 0 : i32
        %dma_wait3A_128 = arith.constant 0 : i32
        %dma_wait3A_129 = tpu.memref_slice %arg2[%dma_wait3A_127, %dma_wait3A_128] : memref<10000x128xf32, #tpu.memory_space<hbm>> -> memref<10000x128xf32, #tpu.memory_space<hbm>>
        tpu.wait_indirect_dma semaphore(%arg10 : memref<!tpu.dma_semaphore, #tpu.memory_space<semaphore_mem>>) src(%dma_wait3A_129 : memref<10000x128xf32, #tpu.memory_space<hbm>>) dst(%arg7 : memref<128x128xf32, #tpu.memory_space<vmem>>)
        %dma_start3A_130 = arith.constant 0 : i32
        %dma_start3A_131 = arith.constant 1 : i32
        %dma_start3A_132 = arith.constant 0 : i32
        %dma_start3A_133 = tpu.memref_slice %arg5[%dma_start3A_130, %dma_start3A_131, %dma_start3A_132] : memref<1x2x128xi32, #tpu.memory_space<vmem>> -> memref<1x1x128xi32, #tpu.memory_space<vmem>>
        %dma_start3A_134 = tpu.memref_squeeze %dma_start3A_133 : memref<1x1x128xi32, #tpu.memory_space<vmem>> -> memref<128xi32, #tpu.memory_space<vmem>>
        %dma_start3A_135 = arith.constant 0 : i32
        %dma_start3A_136 = arith.constant 0 : i32
        %dma_start3A_137 = tpu.memref_slice %arg9[%dma_start3A_135, %dma_start3A_136] : memref<10240x128xf32, #tpu.memory_space<vmem_shared>> -> memref<10240x128xf32, #tpu.memory_space<vmem_shared>>
        tpu.enqueue_indirect_dma source(%arg7 : memref<128x128xf32, #tpu.memory_space<vmem>>) target(%dma_start3A_137 : memref<10240x128xf32, #tpu.memory_space<vmem_shared>>) offsets(%dma_start3A_134 : memref<128xi32, #tpu.memory_space<vmem>>) semaphore(%arg12 : memref<!tpu.dma_semaphore, #tpu.memory_space<semaphore_mem>>) {add = true}
        %add3A_138 = arith.constant 1 : i32
        %add3A_139 = arith.addi %mul3A_121, %add3A_138 : i32
        %add3A_140 = arith.addi %mul3A_24, %add3A_139 : i32
        %dma_wait3A_141 = arith.constant 0 : i32
        %dma_wait3A_142 = arith.constant 0 : i32
        %dma_wait3A_143 = tpu.memref_slice %arg3[%add3A_140, %dma_wait3A_141, %dma_wait3A_142] : memref<2560x2x128xi32, #tpu.memory_space<hbm>> -> memref<1x2x128xi32, #tpu.memory_space<hbm>>
        %dma_wait3A_144 = arith.constant 0 : i32
        %dma_wait3A_145 = arith.constant 0 : i32
        %dma_wait3A_146 = tpu.memref_slice %arg3[%add3A_140, %dma_wait3A_144, %dma_wait3A_145] : memref<2560x2x128xi32, #tpu.memory_space<hbm>> -> memref<1x2x128xi32, #tpu.memory_space<hbm>>
        tpu.wait_dma2 semaphore(%arg15 : memref<!tpu.dma_semaphore, #tpu.memory_space<semaphore_mem>>) src(%dma_wait3A_146 : memref<1x2x128xi32, #tpu.memory_space<hbm>>) dst(%arg6 : memref<1x2x128xi32, #tpu.memory_space<vmem>>)
        %dma_start3A_147 = arith.constant 0 : i32
        %dma_start3A_148 = arith.constant 0 : i32
        %dma_start3A_149 = arith.constant 0 : i32
        %dma_start3A_150 = tpu.memref_slice %arg6[%dma_start3A_147, %dma_start3A_148, %dma_start3A_149] : memref<1x2x128xi32, #tpu.memory_space<vmem>> -> memref<1x1x128xi32, #tpu.memory_space<vmem>>
        %dma_start3A_151 = tpu.memref_squeeze %dma_start3A_150 : memref<1x1x128xi32, #tpu.memory_space<vmem>> -> memref<128xi32, #tpu.memory_space<vmem>>
        %dma_start3A_152 = arith.constant 0 : i32
        %dma_start3A_153 = arith.constant 0 : i32
        %dma_start3A_154 = tpu.memref_slice %arg2[%dma_start3A_152, %dma_start3A_153] : memref<10000x128xf32, #tpu.memory_space<hbm>> -> memref<10000x128xf32, #tpu.memory_space<hbm>>
        tpu.enqueue_indirect_dma source(%dma_start3A_154 : memref<10000x128xf32, #tpu.memory_space<hbm>>) target(%arg8 : memref<128x128xf32, #tpu.memory_space<vmem>>) offsets(%dma_start3A_151 : memref<128xi32, #tpu.memory_space<vmem>>) semaphore(%arg11 : memref<!tpu.dma_semaphore, #tpu.memory_space<semaphore_mem>>)
        %dma_wait3A_155 = arith.constant 0 : i32
        %dma_wait3A_156 = arith.constant 1 : i32
        %dma_wait3A_157 = arith.constant 0 : i32
        %dma_wait3A_158 = tpu.memref_slice %arg5[%dma_wait3A_155, %dma_wait3A_156, %dma_wait3A_157] : memref<1x2x128xi32, #tpu.memory_space<vmem>> -> memref<1x1x128xi32, #tpu.memory_space<vmem>>
        %dma_wait3A_159 = tpu.memref_squeeze %dma_wait3A_158 : memref<1x1x128xi32, #tpu.memory_space<vmem>> -> memref<128xi32, #tpu.memory_space<vmem>>
        %dma_wait3A_160 = arith.constant 0 : i32
        %dma_wait3A_161 = arith.constant 0 : i32
        %dma_wait3A_162 = tpu.memref_slice %arg9[%dma_wait3A_160, %dma_wait3A_161] : memref<10240x128xf32, #tpu.memory_space<vmem_shared>> -> memref<10240x128xf32, #tpu.memory_space<vmem_shared>>
        tpu.wait_indirect_dma semaphore(%arg12 : memref<!tpu.dma_semaphore, #tpu.memory_space<semaphore_mem>>) src(%arg7 : memref<128x128xf32, #tpu.memory_space<vmem>>) dst(%dma_wait3A_162 : memref<10240x128xf32, #tpu.memory_space<vmem_shared>>)
        %add3A_163 = arith.constant 2 : i32
        %add3A_164 = arith.addi %mul3A_121, %add3A_163 : i32
        %add3A_165 = arith.addi %mul3A_24, %add3A_164 : i32
        %dma_start3A_166 = arith.constant 0 : i32
        %dma_start3A_167 = arith.constant 0 : i32
        %dma_start3A_168 = tpu.memref_slice %arg3[%add3A_165, %dma_start3A_166, %dma_start3A_167] : memref<2560x2x128xi32, #tpu.memory_space<hbm>> -> memref<1x2x128xi32, #tpu.memory_space<hbm>>
        %dma_start3A_169 = arith.constant 0 : i32
        %dma_start3A_170 = arith.constant 0 : i32
        %dma_start3A_171 = tpu.memref_slice %arg3[%add3A_165, %dma_start3A_169, %dma_start3A_170] : memref<2560x2x128xi32, #tpu.memory_space<hbm>> -> memref<1x2x128xi32, #tpu.memory_space<hbm>>
        tpu.enqueue_dma source(%dma_start3A_171 : memref<1x2x128xi32, #tpu.memory_space<hbm>>) target(%arg5 : memref<1x2x128xi32, #tpu.memory_space<vmem>>) target_semaphore(%arg14 : memref<!tpu.dma_semaphore, #tpu.memory_space<semaphore_mem>>)
        %add3A_172 = arith.constant 1 : i32
        %add3A_173 = arith.addi %mul3A_121, %add3A_172 : i32
        %dma_wait3A_174 = arith.constant 0 : i32
        %dma_wait3A_175 = arith.constant 0 : i32
        %dma_wait3A_176 = arith.constant 0 : i32
        %dma_wait3A_177 = tpu.memref_slice %arg6[%dma_wait3A_174, %dma_wait3A_175, %dma_wait3A_176] : memref<1x2x128xi32, #tpu.memory_space<vmem>> -> memref<1x1x128xi32, #tpu.memory_space<vmem>>
        %dma_wait3A_178 = tpu.memref_squeeze %dma_wait3A_177 : memref<1x1x128xi32, #tpu.memory_space<vmem>> -> memref<128xi32, #tpu.memory_space<vmem>>
        %dma_wait3A_179 = arith.constant 0 : i32
        %dma_wait3A_180 = arith.constant 0 : i32
        %dma_wait3A_181 = tpu.memref_slice %arg2[%dma_wait3A_179, %dma_wait3A_180] : memref<10000x128xf32, #tpu.memory_space<hbm>> -> memref<10000x128xf32, #tpu.memory_space<hbm>>
        tpu.wait_indirect_dma semaphore(%arg11 : memref<!tpu.dma_semaphore, #tpu.memory_space<semaphore_mem>>) src(%dma_wait3A_181 : memref<10000x128xf32, #tpu.memory_space<hbm>>) dst(%arg8 : memref<128x128xf32, #tpu.memory_space<vmem>>)
        %dma_start3A_182 = arith.constant 0 : i32
        %dma_start3A_183 = arith.constant 1 : i32
        %dma_start3A_184 = arith.constant 0 : i32
        %dma_start3A_185 = tpu.memref_slice %arg6[%dma_start3A_182, %dma_start3A_183, %dma_start3A_184] : memref<1x2x128xi32, #tpu.memory_space<vmem>> -> memref<1x1x128xi32, #tpu.memory_space<vmem>>
        %dma_start3A_186 = tpu.memref_squeeze %dma_start3A_185 : memref<1x1x128xi32, #tpu.memory_space<vmem>> -> memref<128xi32, #tpu.memory_space<vmem>>
        %dma_start3A_187 = arith.constant 0 : i32
        %dma_start3A_188 = arith.constant 0 : i32
        %dma_start3A_189 = tpu.memref_slice %arg9[%dma_start3A_187, %dma_start3A_188] : memref<10240x128xf32, #tpu.memory_space<vmem_shared>> -> memref<10240x128xf32, #tpu.memory_space<vmem_shared>>
        tpu.enqueue_indirect_dma source(%arg8 : memref<128x128xf32, #tpu.memory_space<vmem>>) target(%dma_start3A_189 : memref<10240x128xf32, #tpu.memory_space<vmem_shared>>) offsets(%dma_start3A_186 : memref<128xi32, #tpu.memory_space<vmem>>) semaphore(%arg13 : memref<!tpu.dma_semaphore, #tpu.memory_space<semaphore_mem>>) {add = true}
        %add3A_190 = arith.constant 1 : i32
        %add3A_191 = arith.addi %add3A_173, %add3A_190 : i32
        %add3A_192 = arith.addi %mul3A_24, %add3A_191 : i32
        %dma_wait3A_193 = arith.constant 0 : i32
        %dma_wait3A_194 = arith.constant 0 : i32
        %dma_wait3A_195 = tpu.memref_slice %arg3[%add3A_192, %dma_wait3A_193, %dma_wait3A_194] : memref<2560x2x128xi32, #tpu.memory_space<hbm>> -> memref<1x2x128xi32, #tpu.memory_space<hbm>>
        %dma_wait3A_196 = arith.constant 0 : i32
        %dma_wait3A_197 = arith.constant 0 : i32
        %dma_wait3A_198 = tpu.memref_slice %arg3[%add3A_192, %dma_wait3A_196, %dma_wait3A_197] : memref<2560x2x128xi32, #tpu.memory_space<hbm>> -> memref<1x2x128xi32, #tpu.memory_space<hbm>>
        tpu.wait_dma2 semaphore(%arg14 : memref<!tpu.dma_semaphore, #tpu.memory_space<semaphore_mem>>) src(%dma_wait3A_198 : memref<1x2x128xi32, #tpu.memory_space<hbm>>) dst(%arg5 : memref<1x2x128xi32, #tpu.memory_space<vmem>>)
        %dma_start3A_199 = arith.constant 0 : i32
        %dma_start3A_200 = arith.constant 0 : i32
        %dma_start3A_201 = arith.constant 0 : i32
        %dma_start3A_202 = tpu.memref_slice %arg5[%dma_start3A_199, %dma_start3A_200, %dma_start3A_201] : memref<1x2x128xi32, #tpu.memory_space<vmem>> -> memref<1x1x128xi32, #tpu.memory_space<vmem>>
        %dma_start3A_203 = tpu.memref_squeeze %dma_start3A_202 : memref<1x1x128xi32, #tpu.memory_space<vmem>> -> memref<128xi32, #tpu.memory_space<vmem>>
        %dma_start3A_204 = arith.constant 0 : i32
        %dma_start3A_205 = arith.constant 0 : i32
        %dma_start3A_206 = tpu.memref_slice %arg2[%dma_start3A_204, %dma_start3A_205] : memref<10000x128xf32, #tpu.memory_space<hbm>> -> memref<10000x128xf32, #tpu.memory_space<hbm>>
        tpu.enqueue_indirect_dma source(%dma_start3A_206 : memref<10000x128xf32, #tpu.memory_space<hbm>>) target(%arg7 : memref<128x128xf32, #tpu.memory_space<vmem>>) offsets(%dma_start3A_203 : memref<128xi32, #tpu.memory_space<vmem>>) semaphore(%arg10 : memref<!tpu.dma_semaphore, #tpu.memory_space<semaphore_mem>>)
        %dma_wait3A_207 = arith.constant 0 : i32
        %dma_wait3A_208 = arith.constant 1 : i32
        %dma_wait3A_209 = arith.constant 0 : i32
        %dma_wait3A_210 = tpu.memref_slice %arg6[%dma_wait3A_207, %dma_wait3A_208, %dma_wait3A_209] : memref<1x2x128xi32, #tpu.memory_space<vmem>> -> memref<1x1x128xi32, #tpu.memory_space<vmem>>
        %dma_wait3A_211 = tpu.memref_squeeze %dma_wait3A_210 : memref<1x1x128xi32, #tpu.memory_space<vmem>> -> memref<128xi32, #tpu.memory_space<vmem>>
        %dma_wait3A_212 = arith.constant 0 : i32
        %dma_wait3A_213 = arith.constant 0 : i32
        %dma_wait3A_214 = tpu.memref_slice %arg9[%dma_wait3A_212, %dma_wait3A_213] : memref<10240x128xf32, #tpu.memory_space<vmem_shared>> -> memref<10240x128xf32, #tpu.memory_space<vmem_shared>>
        tpu.wait_indirect_dma semaphore(%arg13 : memref<!tpu.dma_semaphore, #tpu.memory_space<semaphore_mem>>) src(%arg8 : memref<128x128xf32, #tpu.memory_space<vmem>>) dst(%dma_wait3A_214 : memref<10240x128xf32, #tpu.memory_space<vmem_shared>>)
        %add3A_215 = arith.constant 3 : i32
        %add3A_216 = arith.addi %mul3A_121, %add3A_215 : i32
        %add3A_217 = arith.addi %mul3A_24, %add3A_216 : i32
        %dma_start3A_218 = arith.constant 0 : i32
        %dma_start3A_219 = arith.constant 0 : i32
        %dma_start3A_220 = tpu.memref_slice %arg3[%add3A_217, %dma_start3A_218, %dma_start3A_219] : memref<2560x2x128xi32, #tpu.memory_space<hbm>> -> memref<1x2x128xi32, #tpu.memory_space<hbm>>
        %dma_start3A_221 = arith.constant 0 : i32
        %dma_start3A_222 = arith.constant 0 : i32
        %dma_start3A_223 = tpu.memref_slice %arg3[%add3A_217, %dma_start3A_221, %dma_start3A_222] : memref<2560x2x128xi32, #tpu.memory_space<hbm>> -> memref<1x2x128xi32, #tpu.memory_space<hbm>>
        tpu.enqueue_dma source(%dma_start3A_223 : memref<1x2x128xi32, #tpu.memory_space<hbm>>) target(%arg6 : memref<1x2x128xi32, #tpu.memory_space<vmem>>) target_semaphore(%arg15 : memref<!tpu.dma_semaphore, #tpu.memory_space<semaphore_mem>>)
      }
      %dma_wait3A = arith.constant 0 : i32
      %dma_wait3A_53 = arith.constant 0 : i32
      %dma_wait3A_54 = arith.constant 0 : i32
      %dma_wait3A_55 = tpu.memref_slice %arg5[%dma_wait3A, %dma_wait3A_53, %dma_wait3A_54] : memref<1x2x128xi32, #tpu.memory_space<vmem>> -> memref<1x1x128xi32, #tpu.memory_space<vmem>>
      %dma_wait3A_56 = tpu.memref_squeeze %dma_wait3A_55 : memref<1x1x128xi32, #tpu.memory_space<vmem>> -> memref<128xi32, #tpu.memory_space<vmem>>
      %dma_wait3A_57 = arith.constant 0 : i32
      %dma_wait3A_58 = arith.constant 0 : i32
      %dma_wait3A_59 = tpu.memref_slice %arg2[%dma_wait3A_57, %dma_wait3A_58] : memref<10000x128xf32, #tpu.memory_space<hbm>> -> memref<10000x128xf32, #tpu.memory_space<hbm>>
      tpu.wait_indirect_dma semaphore(%arg10 : memref<!tpu.dma_semaphore, #tpu.memory_space<semaphore_mem>>) src(%dma_wait3A_59 : memref<10000x128xf32, #tpu.memory_space<hbm>>) dst(%arg7 : memref<128x128xf32, #tpu.memory_space<vmem>>)
      %dma_start3A_60 = arith.constant 0 : i32
      %dma_start3A_61 = arith.constant 1 : i32
      %dma_start3A_62 = arith.constant 0 : i32
      %dma_start3A_63 = tpu.memref_slice %arg5[%dma_start3A_60, %dma_start3A_61, %dma_start3A_62] : memref<1x2x128xi32, #tpu.memory_space<vmem>> -> memref<1x1x128xi32, #tpu.memory_space<vmem>>
      %dma_start3A_64 = tpu.memref_squeeze %dma_start3A_63 : memref<1x1x128xi32, #tpu.memory_space<vmem>> -> memref<128xi32, #tpu.memory_space<vmem>>
      %dma_start3A_65 = arith.constant 0 : i32
      %dma_start3A_66 = arith.constant 0 : i32
      %dma_start3A_67 = tpu.memref_slice %arg9[%dma_start3A_65, %dma_start3A_66] : memref<10240x128xf32, #tpu.memory_space<vmem_shared>> -> memref<10240x128xf32, #tpu.memory_space<vmem_shared>>
      tpu.enqueue_indirect_dma source(%arg7 : memref<128x128xf32, #tpu.memory_space<vmem>>) target(%dma_start3A_67 : memref<10240x128xf32, #tpu.memory_space<vmem_shared>>) offsets(%dma_start3A_64 : memref<128xi32, #tpu.memory_space<vmem>>) semaphore(%arg12 : memref<!tpu.dma_semaphore, #tpu.memory_space<semaphore_mem>>) {add = true}
      %add3A_68 = arith.constant 158 : i32
      %add3A_69 = arith.constant 1 : i32
      %add3A_70 = arith.addi %add3A_68, %add3A_69 : i32
      %add3A_71 = arith.addi %mul3A_24, %add3A_70 : i32
      %dma_wait3A_72 = arith.constant 0 : i32
      %dma_wait3A_73 = arith.constant 0 : i32
      %dma_wait3A_74 = tpu.memref_slice %arg3[%add3A_71, %dma_wait3A_72, %dma_wait3A_73] : memref<2560x2x128xi32, #tpu.memory_space<hbm>> -> memref<1x2x128xi32, #tpu.memory_space<hbm>>
      %dma_wait3A_75 = arith.constant 0 : i32
      %dma_wait3A_76 = arith.constant 0 : i32
      %dma_wait3A_77 = tpu.memref_slice %arg3[%add3A_71, %dma_wait3A_75, %dma_wait3A_76] : memref<2560x2x128xi32, #tpu.memory_space<hbm>> -> memref<1x2x128xi32, #tpu.memory_space<hbm>>
      tpu.wait_dma2 semaphore(%arg15 : memref<!tpu.dma_semaphore, #tpu.memory_space<semaphore_mem>>) src(%dma_wait3A_77 : memref<1x2x128xi32, #tpu.memory_space<hbm>>) dst(%arg6 : memref<1x2x128xi32, #tpu.memory_space<vmem>>)
      %dma_start3A_78 = arith.constant 0 : i32
      %dma_start3A_79 = arith.constant 0 : i32
      %dma_start3A_80 = arith.constant 0 : i32
      %dma_start3A_81 = tpu.memref_slice %arg6[%dma_start3A_78, %dma_start3A_79, %dma_start3A_80] : memref<1x2x128xi32, #tpu.memory_space<vmem>> -> memref<1x1x128xi32, #tpu.memory_space<vmem>>
      %dma_start3A_82 = tpu.memref_squeeze %dma_start3A_81 : memref<1x1x128xi32, #tpu.memory_space<vmem>> -> memref<128xi32, #tpu.memory_space<vmem>>
      %dma_start3A_83 = arith.constant 0 : i32
      %dma_start3A_84 = arith.constant 0 : i32
      %dma_start3A_85 = tpu.memref_slice %arg2[%dma_start3A_83, %dma_start3A_84] : memref<10000x128xf32, #tpu.memory_space<hbm>> -> memref<10000x128xf32, #tpu.memory_space<hbm>>
      tpu.enqueue_indirect_dma source(%dma_start3A_85 : memref<10000x128xf32, #tpu.memory_space<hbm>>) target(%arg8 : memref<128x128xf32, #tpu.memory_space<vmem>>) offsets(%dma_start3A_82 : memref<128xi32, #tpu.memory_space<vmem>>) semaphore(%arg11 : memref<!tpu.dma_semaphore, #tpu.memory_space<semaphore_mem>>)
      %dma_wait3A_86 = arith.constant 0 : i32
      %dma_wait3A_87 = arith.constant 1 : i32
      %dma_wait3A_88 = arith.constant 0 : i32
      %dma_wait3A_89 = tpu.memref_slice %arg5[%dma_wait3A_86, %dma_wait3A_87, %dma_wait3A_88] : memref<1x2x128xi32, #tpu.memory_space<vmem>> -> memref<1x1x128xi32, #tpu.memory_space<vmem>>
      %dma_wait3A_90 = tpu.memref_squeeze %dma_wait3A_89 : memref<1x1x128xi32, #tpu.memory_space<vmem>> -> memref<128xi32, #tpu.memory_space<vmem>>
      %dma_wait3A_91 = arith.constant 0 : i32
      %dma_wait3A_92 = arith.constant 0 : i32
      %dma_wait3A_93 = tpu.memref_slice %arg9[%dma_wait3A_91, %dma_wait3A_92] : memref<10240x128xf32, #tpu.memory_space<vmem_shared>> -> memref<10240x128xf32, #tpu.memory_space<vmem_shared>>
      tpu.wait_indirect_dma semaphore(%arg12 : memref<!tpu.dma_semaphore, #tpu.memory_space<semaphore_mem>>) src(%arg7 : memref<128x128xf32, #tpu.memory_space<vmem>>) dst(%dma_wait3A_93 : memref<10240x128xf32, #tpu.memory_space<vmem_shared>>)
      %dma_wait3A_94 = arith.constant 0 : i32
      %dma_wait3A_95 = arith.constant 0 : i32
      %dma_wait3A_96 = arith.constant 0 : i32
      %dma_wait3A_97 = tpu.memref_slice %arg6[%dma_wait3A_94, %dma_wait3A_95, %dma_wait3A_96] : memref<1x2x128xi32, #tpu.memory_space<vmem>> -> memref<1x1x128xi32, #tpu.memory_space<vmem>>
      %dma_wait3A_98 = tpu.memref_squeeze %dma_wait3A_97 : memref<1x1x128xi32, #tpu.memory_space<vmem>> -> memref<128xi32, #tpu.memory_space<vmem>>
      %dma_wait3A_99 = arith.constant 0 : i32
      %dma_wait3A_100 = arith.constant 0 : i32
      %dma_wait3A_101 = tpu.memref_slice %arg2[%dma_wait3A_99, %dma_wait3A_100] : memref<10000x128xf32, #tpu.memory_space<hbm>> -> memref<10000x128xf32, #tpu.memory_space<hbm>>
      tpu.wait_indirect_dma semaphore(%arg11 : memref<!tpu.dma_semaphore, #tpu.memory_space<semaphore_mem>>) src(%dma_wait3A_101 : memref<10000x128xf32, #tpu.memory_space<hbm>>) dst(%arg8 : memref<128x128xf32, #tpu.memory_space<vmem>>)
      %dma_start3A_102 = arith.constant 0 : i32
      %dma_start3A_103 = arith.constant 1 : i32
      %dma_start3A_104 = arith.constant 0 : i32
      %dma_start3A_105 = tpu.memref_slice %arg6[%dma_start3A_102, %dma_start3A_103, %dma_start3A_104] : memref<1x2x128xi32, #tpu.memory_space<vmem>> -> memref<1x1x128xi32, #tpu.memory_space<vmem>>
      %dma_start3A_106 = tpu.memref_squeeze %dma_start3A_105 : memref<1x1x128xi32, #tpu.memory_space<vmem>> -> memref<128xi32, #tpu.memory_space<vmem>>
      %dma_start3A_107 = arith.constant 0 : i32
      %dma_start3A_108 = arith.constant 0 : i32
      %dma_start3A_109 = tpu.memref_slice %arg9[%dma_start3A_107, %dma_start3A_108] : memref<10240x128xf32, #tpu.memory_space<vmem_shared>> -> memref<10240x128xf32, #tpu.memory_space<vmem_shared>>
      tpu.enqueue_indirect_dma source(%arg8 : memref<128x128xf32, #tpu.memory_space<vmem>>) target(%dma_start3A_109 : memref<10240x128xf32, #tpu.memory_space<vmem_shared>>) offsets(%dma_start3A_106 : memref<128xi32, #tpu.memory_space<vmem>>) semaphore(%arg13 : memref<!tpu.dma_semaphore, #tpu.memory_space<semaphore_mem>>) {add = true}
      %dma_wait3A_110 = arith.constant 0 : i32
      %dma_wait3A_111 = arith.constant 1 : i32
      %dma_wait3A_112 = arith.constant 0 : i32
      %dma_wait3A_113 = tpu.memref_slice %arg6[%dma_wait3A_110, %dma_wait3A_111, %dma_wait3A_112] : memref<1x2x128xi32, #tpu.memory_space<vmem>> -> memref<1x1x128xi32, #tpu.memory_space<vmem>>
      %dma_wait3A_114 = tpu.memref_squeeze %dma_wait3A_113 : memref<1x1x128xi32, #tpu.memory_space<vmem>> -> memref<128xi32, #tpu.memory_space<vmem>>
      %dma_wait3A_115 = arith.constant 0 : i32
      %dma_wait3A_116 = arith.constant 0 : i32
      %dma_wait3A_117 = tpu.memref_slice %arg9[%dma_wait3A_115, %dma_wait3A_116] : memref<10240x128xf32, #tpu.memory_space<vmem_shared>> -> memref<10240x128xf32, #tpu.memory_space<vmem_shared>>
      tpu.wait_indirect_dma semaphore(%arg13 : memref<!tpu.dma_semaphore, #tpu.memory_space<semaphore_mem>>) src(%arg8 : memref<128x128xf32, #tpu.memory_space<vmem>>) dst(%dma_wait3A_117 : memref<10240x128xf32, #tpu.memory_space<vmem_shared>>)
      %barrier3A_118 = arith.constant 0 : index
      tpu.barrier barrier_id(%barrier3A_118)
      "tpu.region"() ({
        %run_scoped3A = tpu.sem_alloc : memref<!tpu.dma_semaphore, #tpu.memory_space<semaphore_mem>>
        %dma_start3A_119 = arith.constant 0 : i32
        %dma_start3A_120 = tpu.memref_slice %arg4[%mul3A_0, %dma_start3A_119] : memref<10240x128xf32, #tpu.memory_space<hbm>> -> memref<640x128xf32, #tpu.memory_space<hbm>>
        %dma_start3A_121 = arith.constant 0 : i32
        %dma_start3A_122 = tpu.memref_slice %arg9[%mul3A_0, %dma_start3A_121] : memref<10240x128xf32, #tpu.memory_space<vmem_shared>> -> memref<640x128xf32, #tpu.memory_space<vmem_shared>>
        tpu.enqueue_dma source(%dma_start3A_122 : memref<640x128xf32, #tpu.memory_space<vmem_shared>>) target(%dma_start3A_120 : memref<640x128xf32, #tpu.memory_space<hbm>>) target_semaphore(%run_scoped3A : memref<!tpu.dma_semaphore, #tpu.memory_space<semaphore_mem>>)
        %dma_wait3A_123 = arith.constant 0 : i32
        %dma_wait3A_124 = tpu.memref_slice %arg4[%mul3A_0, %dma_wait3A_123] : memref<10240x128xf32, #tpu.memory_space<hbm>> -> memref<640x128xf32, #tpu.memory_space<hbm>>
        %dma_wait3A_125 = arith.constant 0 : i32
        %dma_wait3A_126 = tpu.memref_slice %arg9[%mul3A_0, %dma_wait3A_125] : memref<10240x128xf32, #tpu.memory_space<vmem_shared>> -> memref<640x128xf32, #tpu.memory_space<vmem_shared>>
        tpu.wait_dma2 semaphore(%run_scoped3A : memref<!tpu.dma_semaphore, #tpu.memory_space<semaphore_mem>>) src(%dma_wait3A_126 : memref<640x128xf32, #tpu.memory_space<vmem_shared>>) dst(%dma_wait3A_124 : memref<640x128xf32, #tpu.memory_space<hbm>>)
        tpu.yield
      }) : () -> ()
    } else {
    }
    return
  }
}

#map = affine_map<(d0, d1) -> (0, 0)>
#map1 = affine_map<(d0, d1) -> (0, 0, 0)>
module attributes {stable_mosaic.version = 14 : i64} {
  func.func @sc_agg(%arg0: i32, %arg1: i32, %arg2: memref<10000x128xf32, #tpu.memory_space<hbm>>, %arg3: memref<2560x2x128xi32, #tpu.memory_space<hbm>>, %arg4: memref<10240x128xf32, #tpu.memory_space<hbm>>, %arg5: memref<1x2x128xi32, #tpu.memory_space<vmem>>, %arg6: memref<1x2x128xi32, #tpu.memory_space<vmem>>, %arg7: memref<128x128xf32, #tpu.memory_space<vmem>>, %arg8: memref<128x128xf32, #tpu.memory_space<vmem>>, %arg9: memref<10240x128xf32, #tpu.memory_space<vmem_shared>>, %arg10: memref<!tpu.dma_semaphore, #tpu.memory_space<semaphore_mem>>, %arg11: memref<!tpu.dma_semaphore, #tpu.memory_space<semaphore_mem>>, %arg12: memref<!tpu.dma_semaphore, #tpu.memory_space<semaphore_mem>>, %arg13: memref<!tpu.dma_semaphore, #tpu.memory_space<semaphore_mem>>, %arg14: memref<!tpu.dma_semaphore, #tpu.memory_space<semaphore_mem>>, %arg15: memref<!tpu.dma_semaphore, #tpu.memory_space<semaphore_mem>>) attributes {dimension_semantics = [#tpu.dimension_semantics<core_parallel>, #tpu.dimension_semantics<subcore_parallel>], iteration_bounds = array<i64: 2, 16>, scalar_prefetch = 0 : i64, scratch_operands = 11 : i64, tpu.core_type = #tpu.core_type<sc_vector_subcore>, window_params = [{transform_indices = #map}, {transform_indices = #map1}, {transform_indices = #map}]} {
    %mul3A = arith.constant 640 : i32
    %mul3A_0 = arith.muli %arg1, %mul3A : i32
    %eq3A = arith.constant 0 : i32
    %eq3A_1 = arith.cmpi eq, %arg0, %eq3A : i32
    %convert_element_type3A = arith.extui %eq3A_1 : i1 to i32
    %cond3A = arith.constant 0 : i32
    %cond3A_2 = arith.cmpi ne, %convert_element_type3A, %cond3A : i32
    scf.if %cond3A_2 {
      %broadcast_in_dim3A = arith.constant 0.000000e+00 : f32
      %broadcast_in_dim3A_3 = vector.broadcast %broadcast_in_dim3A : f32 to vector<16xf32>
      %while3A = arith.constant 0 : i32
      %while3A_4 = arith.constant 0 : i32
      %while3A_5 = arith.constant 128 : i32
      %while3A_6 = arith.subi %while3A_5, %while3A_4 : i32
      %while3A_7 = arith.addi %while3A_4, %while3A_6 : i32
      %while3A_8 = arith.constant 1 : i32
      %while3A_9 = arith.divsi %while3A_6, %while3A_8 : i32
      %while3A_10 = arith.muli %while3A_9, %while3A_8 : i32
      %while3A_11 = arith.addi %while3A_4, %while3A_10 : i32
      %while3A_12 = arith.constant 1 : i32
      scf.for %while3A_119 = %while3A_4 to %while3A_11 step %while3A_12  : i32 {
        %swap3A = arith.constant 0 : i32
        %swap3A_120 = arith.index_cast %while3A_119 : i32 to index
        %swap3A_121 = arith.index_cast %swap3A : i32 to index
        %swap3A_122 = tpu.vector_load %arg7[%swap3A_120, %swap3A_121] {strides = array<i32>} : memref<128x128xf32, #tpu.memory_space<vmem>>, vector<1x16xf32>,
        %swap3A_123 = vector.shape_cast %swap3A_122 : vector<1x16xf32> to vector<16xf32>
        %swap3A_124 = vector.shape_cast %broadcast_in_dim3A_3 : vector<16xf32> to vector<1x16xf32>
        tpu.vector_store %arg7[%swap3A_120, %swap3A_121], %swap3A_124 {strides = array<i32>} : memref<128x128xf32, #tpu.memory_space<vmem>>, vector<1x16xf32>,
        %swap3A_125 = arith.constant 16 : i32
        %swap3A_126 = arith.index_cast %while3A_119 : i32 to index
        %swap3A_127 = arith.index_cast %swap3A_125 : i32 to index
        %swap3A_128 = tpu.vector_load %arg7[%swap3A_126, %swap3A_127] {strides = array<i32>} : memref<128x128xf32, #tpu.memory_space<vmem>>, vector<1x16xf32>,
        %swap3A_129 = vector.shape_cast %swap3A_128 : vector<1x16xf32> to vector<16xf32>
        %swap3A_130 = vector.shape_cast %broadcast_in_dim3A_3 : vector<16xf32> to vector<1x16xf32>
        tpu.vector_store %arg7[%swap3A_126, %swap3A_127], %swap3A_130 {strides = array<i32>} : memref<128x128xf32, #tpu.memory_space<vmem>>, vector<1x16xf32>,
        %swap3A_131 = arith.constant 32 : i32
        %swap3A_132 = arith.index_cast %while3A_119 : i32 to index
        %swap3A_133 = arith.index_cast %swap3A_131 : i32 to index
        %swap3A_134 = tpu.vector_load %arg7[%swap3A_132, %swap3A_133] {strides = array<i32>} : memref<128x128xf32, #tpu.memory_space<vmem>>, vector<1x16xf32>,
        %swap3A_135 = vector.shape_cast %swap3A_134 : vector<1x16xf32> to vector<16xf32>
        %swap3A_136 = vector.shape_cast %broadcast_in_dim3A_3 : vector<16xf32> to vector<1x16xf32>
        tpu.vector_store %arg7[%swap3A_132, %swap3A_133], %swap3A_136 {strides = array<i32>} : memref<128x128xf32, #tpu.memory_space<vmem>>, vector<1x16xf32>,
        %swap3A_137 = arith.constant 48 : i32
        %swap3A_138 = arith.index_cast %while3A_119 : i32 to index
        %swap3A_139 = arith.index_cast %swap3A_137 : i32 to index
        %swap3A_140 = tpu.vector_load %arg7[%swap3A_138, %swap3A_139] {strides = array<i32>} : memref<128x128xf32, #tpu.memory_space<vmem>>, vector<1x16xf32>,
        %swap3A_141 = vector.shape_cast %swap3A_140 : vector<1x16xf32> to vector<16xf32>
        %swap3A_142 = vector.shape_cast %broadcast_in_dim3A_3 : vector<16xf32> to vector<1x16xf32>
        tpu.vector_store %arg7[%swap3A_138, %swap3A_139], %swap3A_142 {strides = array<i32>} : memref<128x128xf32, #tpu.memory_space<vmem>>, vector<1x16xf32>,
        %swap3A_143 = arith.constant 64 : i32
        %swap3A_144 = arith.index_cast %while3A_119 : i32 to index
        %swap3A_145 = arith.index_cast %swap3A_143 : i32 to index
        %swap3A_146 = tpu.vector_load %arg7[%swap3A_144, %swap3A_145] {strides = array<i32>} : memref<128x128xf32, #tpu.memory_space<vmem>>, vector<1x16xf32>,
        %swap3A_147 = vector.shape_cast %swap3A_146 : vector<1x16xf32> to vector<16xf32>
        %swap3A_148 = vector.shape_cast %broadcast_in_dim3A_3 : vector<16xf32> to vector<1x16xf32>
        tpu.vector_store %arg7[%swap3A_144, %swap3A_145], %swap3A_148 {strides = array<i32>} : memref<128x128xf32, #tpu.memory_space<vmem>>, vector<1x16xf32>,
        %swap3A_149 = arith.constant 80 : i32
        %swap3A_150 = arith.index_cast %while3A_119 : i32 to index
        %swap3A_151 = arith.index_cast %swap3A_149 : i32 to index
        %swap3A_152 = tpu.vector_load %arg7[%swap3A_150, %swap3A_151] {strides = array<i32>} : memref<128x128xf32, #tpu.memory_space<vmem>>, vector<1x16xf32>,
        %swap3A_153 = vector.shape_cast %swap3A_152 : vector<1x16xf32> to vector<16xf32>
        %swap3A_154 = vector.shape_cast %broadcast_in_dim3A_3 : vector<16xf32> to vector<1x16xf32>
        tpu.vector_store %arg7[%swap3A_150, %swap3A_151], %swap3A_154 {strides = array<i32>} : memref<128x128xf32, #tpu.memory_space<vmem>>, vector<1x16xf32>,
        %swap3A_155 = arith.constant 96 : i32
        %swap3A_156 = arith.index_cast %while3A_119 : i32 to index
        %swap3A_157 = arith.index_cast %swap3A_155 : i32 to index
        %swap3A_158 = tpu.vector_load %arg7[%swap3A_156, %swap3A_157] {strides = array<i32>} : memref<128x128xf32, #tpu.memory_space<vmem>>, vector<1x16xf32>,
        %swap3A_159 = vector.shape_cast %swap3A_158 : vector<1x16xf32> to vector<16xf32>
        %swap3A_160 = vector.shape_cast %broadcast_in_dim3A_3 : vector<16xf32> to vector<1x16xf32>
        tpu.vector_store %arg7[%swap3A_156, %swap3A_157], %swap3A_160 {strides = array<i32>} : memref<128x128xf32, #tpu.memory_space<vmem>>, vector<1x16xf32>,
        %swap3A_161 = arith.constant 112 : i32
        %swap3A_162 = arith.index_cast %while3A_119 : i32 to index
        %swap3A_163 = arith.index_cast %swap3A_161 : i32 to index
        %swap3A_164 = tpu.vector_load %arg7[%swap3A_162, %swap3A_163] {strides = array<i32>} : memref<128x128xf32, #tpu.memory_space<vmem>>, vector<1x16xf32>,
        %swap3A_165 = vector.shape_cast %swap3A_164 : vector<1x16xf32> to vector<16xf32>
        %swap3A_166 = vector.shape_cast %broadcast_in_dim3A_3 : vector<16xf32> to vector<1x16xf32>
        tpu.vector_store %arg7[%swap3A_162, %swap3A_163], %swap3A_166 {strides = array<i32>} : memref<128x128xf32, #tpu.memory_space<vmem>>, vector<1x16xf32>,
      }
      %while3A_13 = arith.constant 1 : i32
      scf.for %while3A_119 = %while3A_11 to %while3A_7 step %while3A_13  : i32 {
        %swap3A = arith.constant 0 : i32
        %swap3A_120 = arith.index_cast %while3A_119 : i32 to index
        %swap3A_121 = arith.index_cast %swap3A : i32 to index
        %swap3A_122 = tpu.vector_load %arg7[%swap3A_120, %swap3A_121] {strides = array<i32>} : memref<128x128xf32, #tpu.memory_space<vmem>>, vector<1x16xf32>,
        %swap3A_123 = vector.shape_cast %swap3A_122 : vector<1x16xf32> to vector<16xf32>
        %swap3A_124 = vector.shape_cast %broadcast_in_dim3A_3 : vector<16xf32> to vector<1x16xf32>
        tpu.vector_store %arg7[%swap3A_120, %swap3A_121], %swap3A_124 {strides = array<i32>} : memref<128x128xf32, #tpu.memory_space<vmem>>, vector<1x16xf32>,
        %swap3A_125 = arith.constant 16 : i32
        %swap3A_126 = arith.index_cast %while3A_119 : i32 to index
        %swap3A_127 = arith.index_cast %swap3A_125 : i32 to index
        %swap3A_128 = tpu.vector_load %arg7[%swap3A_126, %swap3A_127] {strides = array<i32>} : memref<128x128xf32, #tpu.memory_space<vmem>>, vector<1x16xf32>,
        %swap3A_129 = vector.shape_cast %swap3A_128 : vector<1x16xf32> to vector<16xf32>
        %swap3A_130 = vector.shape_cast %broadcast_in_dim3A_3 : vector<16xf32> to vector<1x16xf32>
        tpu.vector_store %arg7[%swap3A_126, %swap3A_127], %swap3A_130 {strides = array<i32>} : memref<128x128xf32, #tpu.memory_space<vmem>>, vector<1x16xf32>,
        %swap3A_131 = arith.constant 32 : i32
        %swap3A_132 = arith.index_cast %while3A_119 : i32 to index
        %swap3A_133 = arith.index_cast %swap3A_131 : i32 to index
        %swap3A_134 = tpu.vector_load %arg7[%swap3A_132, %swap3A_133] {strides = array<i32>} : memref<128x128xf32, #tpu.memory_space<vmem>>, vector<1x16xf32>,
        %swap3A_135 = vector.shape_cast %swap3A_134 : vector<1x16xf32> to vector<16xf32>
        %swap3A_136 = vector.shape_cast %broadcast_in_dim3A_3 : vector<16xf32> to vector<1x16xf32>
        tpu.vector_store %arg7[%swap3A_132, %swap3A_133], %swap3A_136 {strides = array<i32>} : memref<128x128xf32, #tpu.memory_space<vmem>>, vector<1x16xf32>,
        %swap3A_137 = arith.constant 48 : i32
        %swap3A_138 = arith.index_cast %while3A_119 : i32 to index
        %swap3A_139 = arith.index_cast %swap3A_137 : i32 to index
        %swap3A_140 = tpu.vector_load %arg7[%swap3A_138, %swap3A_139] {strides = array<i32>} : memref<128x128xf32, #tpu.memory_space<vmem>>, vector<1x16xf32>,
        %swap3A_141 = vector.shape_cast %swap3A_140 : vector<1x16xf32> to vector<16xf32>
        %swap3A_142 = vector.shape_cast %broadcast_in_dim3A_3 : vector<16xf32> to vector<1x16xf32>
        tpu.vector_store %arg7[%swap3A_138, %swap3A_139], %swap3A_142 {strides = array<i32>} : memref<128x128xf32, #tpu.memory_space<vmem>>, vector<1x16xf32>,
        %swap3A_143 = arith.constant 64 : i32
        %swap3A_144 = arith.index_cast %while3A_119 : i32 to index
        %swap3A_145 = arith.index_cast %swap3A_143 : i32 to index
        %swap3A_146 = tpu.vector_load %arg7[%swap3A_144, %swap3A_145] {strides = array<i32>} : memref<128x128xf32, #tpu.memory_space<vmem>>, vector<1x16xf32>,
        %swap3A_147 = vector.shape_cast %swap3A_146 : vector<1x16xf32> to vector<16xf32>
        %swap3A_148 = vector.shape_cast %broadcast_in_dim3A_3 : vector<16xf32> to vector<1x16xf32>
        tpu.vector_store %arg7[%swap3A_144, %swap3A_145], %swap3A_148 {strides = array<i32>} : memref<128x128xf32, #tpu.memory_space<vmem>>, vector<1x16xf32>,
        %swap3A_149 = arith.constant 80 : i32
        %swap3A_150 = arith.index_cast %while3A_119 : i32 to index
        %swap3A_151 = arith.index_cast %swap3A_149 : i32 to index
        %swap3A_152 = tpu.vector_load %arg7[%swap3A_150, %swap3A_151] {strides = array<i32>} : memref<128x128xf32, #tpu.memory_space<vmem>>, vector<1x16xf32>,
        %swap3A_153 = vector.shape_cast %swap3A_152 : vector<1x16xf32> to vector<16xf32>
        %swap3A_154 = vector.shape_cast %broadcast_in_dim3A_3 : vector<16xf32> to vector<1x16xf32>
        tpu.vector_store %arg7[%swap3A_150, %swap3A_151], %swap3A_154 {strides = array<i32>} : memref<128x128xf32, #tpu.memory_space<vmem>>, vector<1x16xf32>,
        %swap3A_155 = arith.constant 96 : i32
        %swap3A_156 = arith.index_cast %while3A_119 : i32 to index
        %swap3A_157 = arith.index_cast %swap3A_155 : i32 to index
        %swap3A_158 = tpu.vector_load %arg7[%swap3A_156, %swap3A_157] {strides = array<i32>} : memref<128x128xf32, #tpu.memory_space<vmem>>, vector<1x16xf32>,
        %swap3A_159 = vector.shape_cast %swap3A_158 : vector<1x16xf32> to vector<16xf32>
        %swap3A_160 = vector.shape_cast %broadcast_in_dim3A_3 : vector<16xf32> to vector<1x16xf32>
        tpu.vector_store %arg7[%swap3A_156, %swap3A_157], %swap3A_160 {strides = array<i32>} : memref<128x128xf32, #tpu.memory_space<vmem>>, vector<1x16xf32>,
        %swap3A_161 = arith.constant 112 : i32
        %swap3A_162 = arith.index_cast %while3A_119 : i32 to index
        %swap3A_163 = arith.index_cast %swap3A_161 : i32 to index
        %swap3A_164 = tpu.vector_load %arg7[%swap3A_162, %swap3A_163] {strides = array<i32>} : memref<128x128xf32, #tpu.memory_space<vmem>>, vector<1x16xf32>,
        %swap3A_165 = vector.shape_cast %swap3A_164 : vector<1x16xf32> to vector<16xf32>
        %swap3A_166 = vector.shape_cast %broadcast_in_dim3A_3 : vector<16xf32> to vector<1x16xf32>
        tpu.vector_store %arg7[%swap3A_162, %swap3A_163], %swap3A_166 {strides = array<i32>} : memref<128x128xf32, #tpu.memory_space<vmem>>, vector<1x16xf32>,
      }
      %add3A = arith.constant 0 : i32
      %add3A_14 = arith.addi %mul3A_0, %add3A : i32
      "tpu.region"() ({
        %run_scoped3A = tpu.sem_alloc : memref<!tpu.dma_semaphore, #tpu.memory_space<semaphore_mem>>
        %dma_start3A_119 = arith.constant 0 : i32
        %dma_start3A_120 = tpu.memref_slice %arg9[%add3A_14, %dma_start3A_119] : memref<10240x128xf32, #tpu.memory_space<vmem_shared>> -> memref<128x128xf32, #tpu.memory_space<vmem_shared>>
        %dma_start3A_121 = arith.constant 0 : i32
        %dma_start3A_122 = tpu.memref_slice %arg9[%add3A_14, %dma_start3A_121] : memref<10240x128xf32, #tpu.memory_space<vmem_shared>> -> memref<128x128xf32, #tpu.memory_space<vmem_shared>>
        tpu.enqueue_dma source(%arg7 : memref<128x128xf32, #tpu.memory_space<vmem>>) target(%dma_start3A_122 : memref<128x128xf32, #tpu.memory_space<vmem_shared>>) target_semaphore(%run_scoped3A : memref<!tpu.dma_semaphore, #tpu.memory_space<semaphore_mem>>)
        %dma_wait3A_123 = arith.constant 0 : i32
        %dma_wait3A_124 = tpu.memref_slice %arg9[%add3A_14, %dma_wait3A_123] : memref<10240x128xf32, #tpu.memory_space<vmem_shared>> -> memref<128x128xf32, #tpu.memory_space<vmem_shared>>
        %dma_wait3A_125 = arith.constant 0 : i32
        %dma_wait3A_126 = tpu.memref_slice %arg9[%add3A_14, %dma_wait3A_125] : memref<10240x128xf32, #tpu.memory_space<vmem_shared>> -> memref<128x128xf32, #tpu.memory_space<vmem_shared>>
        tpu.wait_dma2 semaphore(%run_scoped3A : memref<!tpu.dma_semaphore, #tpu.memory_space<semaphore_mem>>) src(%arg7 : memref<128x128xf32, #tpu.memory_space<vmem>>) dst(%dma_wait3A_126 : memref<128x128xf32, #tpu.memory_space<vmem_shared>>)
        tpu.yield
      }) : () -> ()
      %add3A_15 = arith.constant 128 : i32
      %add3A_16 = arith.addi %mul3A_0, %add3A_15 : i32
      "tpu.region"() ({
        %run_scoped3A = tpu.sem_alloc : memref<!tpu.dma_semaphore, #tpu.memory_space<semaphore_mem>>
        %dma_start3A_119 = arith.constant 0 : i32
        %dma_start3A_120 = tpu.memref_slice %arg9[%add3A_16, %dma_start3A_119] : memref<10240x128xf32, #tpu.memory_space<vmem_shared>> -> memref<128x128xf32, #tpu.memory_space<vmem_shared>>
        %dma_start3A_121 = arith.constant 0 : i32
        %dma_start3A_122 = tpu.memref_slice %arg9[%add3A_16, %dma_start3A_121] : memref<10240x128xf32, #tpu.memory_space<vmem_shared>> -> memref<128x128xf32, #tpu.memory_space<vmem_shared>>
        tpu.enqueue_dma source(%arg7 : memref<128x128xf32, #tpu.memory_space<vmem>>) target(%dma_start3A_122 : memref<128x128xf32, #tpu.memory_space<vmem_shared>>) target_semaphore(%run_scoped3A : memref<!tpu.dma_semaphore, #tpu.memory_space<semaphore_mem>>)
        %dma_wait3A_123 = arith.constant 0 : i32
        %dma_wait3A_124 = tpu.memref_slice %arg9[%add3A_16, %dma_wait3A_123] : memref<10240x128xf32, #tpu.memory_space<vmem_shared>> -> memref<128x128xf32, #tpu.memory_space<vmem_shared>>
        %dma_wait3A_125 = arith.constant 0 : i32
        %dma_wait3A_126 = tpu.memref_slice %arg9[%add3A_16, %dma_wait3A_125] : memref<10240x128xf32, #tpu.memory_space<vmem_shared>> -> memref<128x128xf32, #tpu.memory_space<vmem_shared>>
        tpu.wait_dma2 semaphore(%run_scoped3A : memref<!tpu.dma_semaphore, #tpu.memory_space<semaphore_mem>>) src(%arg7 : memref<128x128xf32, #tpu.memory_space<vmem>>) dst(%dma_wait3A_126 : memref<128x128xf32, #tpu.memory_space<vmem_shared>>)
        tpu.yield
      }) : () -> ()
      %add3A_17 = arith.constant 256 : i32
      %add3A_18 = arith.addi %mul3A_0, %add3A_17 : i32
      "tpu.region"() ({
        %run_scoped3A = tpu.sem_alloc : memref<!tpu.dma_semaphore, #tpu.memory_space<semaphore_mem>>
        %dma_start3A_119 = arith.constant 0 : i32
        %dma_start3A_120 = tpu.memref_slice %arg9[%add3A_18, %dma_start3A_119] : memref<10240x128xf32, #tpu.memory_space<vmem_shared>> -> memref<128x128xf32, #tpu.memory_space<vmem_shared>>
        %dma_start3A_121 = arith.constant 0 : i32
        %dma_start3A_122 = tpu.memref_slice %arg9[%add3A_18, %dma_start3A_121] : memref<10240x128xf32, #tpu.memory_space<vmem_shared>> -> memref<128x128xf32, #tpu.memory_space<vmem_shared>>
        tpu.enqueue_dma source(%arg7 : memref<128x128xf32, #tpu.memory_space<vmem>>) target(%dma_start3A_122 : memref<128x128xf32, #tpu.memory_space<vmem_shared>>) target_semaphore(%run_scoped3A : memref<!tpu.dma_semaphore, #tpu.memory_space<semaphore_mem>>)
        %dma_wait3A_123 = arith.constant 0 : i32
        %dma_wait3A_124 = tpu.memref_slice %arg9[%add3A_18, %dma_wait3A_123] : memref<10240x128xf32, #tpu.memory_space<vmem_shared>> -> memref<128x128xf32, #tpu.memory_space<vmem_shared>>
        %dma_wait3A_125 = arith.constant 0 : i32
        %dma_wait3A_126 = tpu.memref_slice %arg9[%add3A_18, %dma_wait3A_125] : memref<10240x128xf32, #tpu.memory_space<vmem_shared>> -> memref<128x128xf32, #tpu.memory_space<vmem_shared>>
        tpu.wait_dma2 semaphore(%run_scoped3A : memref<!tpu.dma_semaphore, #tpu.memory_space<semaphore_mem>>) src(%arg7 : memref<128x128xf32, #tpu.memory_space<vmem>>) dst(%dma_wait3A_126 : memref<128x128xf32, #tpu.memory_space<vmem_shared>>)
        tpu.yield
      }) : () -> ()
      %add3A_19 = arith.constant 384 : i32
      %add3A_20 = arith.addi %mul3A_0, %add3A_19 : i32
      "tpu.region"() ({
        %run_scoped3A = tpu.sem_alloc : memref<!tpu.dma_semaphore, #tpu.memory_space<semaphore_mem>>
        %dma_start3A_119 = arith.constant 0 : i32
        %dma_start3A_120 = tpu.memref_slice %arg9[%add3A_20, %dma_start3A_119] : memref<10240x128xf32, #tpu.memory_space<vmem_shared>> -> memref<128x128xf32, #tpu.memory_space<vmem_shared>>
        %dma_start3A_121 = arith.constant 0 : i32
        %dma_start3A_122 = tpu.memref_slice %arg9[%add3A_20, %dma_start3A_121] : memref<10240x128xf32, #tpu.memory_space<vmem_shared>> -> memref<128x128xf32, #tpu.memory_space<vmem_shared>>
        tpu.enqueue_dma source(%arg7 : memref<128x128xf32, #tpu.memory_space<vmem>>) target(%dma_start3A_122 : memref<128x128xf32, #tpu.memory_space<vmem_shared>>) target_semaphore(%run_scoped3A : memref<!tpu.dma_semaphore, #tpu.memory_space<semaphore_mem>>)
        %dma_wait3A_123 = arith.constant 0 : i32
        %dma_wait3A_124 = tpu.memref_slice %arg9[%add3A_20, %dma_wait3A_123] : memref<10240x128xf32, #tpu.memory_space<vmem_shared>> -> memref<128x128xf32, #tpu.memory_space<vmem_shared>>
        %dma_wait3A_125 = arith.constant 0 : i32
        %dma_wait3A_126 = tpu.memref_slice %arg9[%add3A_20, %dma_wait3A_125] : memref<10240x128xf32, #tpu.memory_space<vmem_shared>> -> memref<128x128xf32, #tpu.memory_space<vmem_shared>>
        tpu.wait_dma2 semaphore(%run_scoped3A : memref<!tpu.dma_semaphore, #tpu.memory_space<semaphore_mem>>) src(%arg7 : memref<128x128xf32, #tpu.memory_space<vmem>>) dst(%dma_wait3A_126 : memref<128x128xf32, #tpu.memory_space<vmem_shared>>)
        tpu.yield
      }) : () -> ()
      %add3A_21 = arith.constant 512 : i32
      %add3A_22 = arith.addi %mul3A_0, %add3A_21 : i32
      "tpu.region"() ({
        %run_scoped3A = tpu.sem_alloc : memref<!tpu.dma_semaphore, #tpu.memory_space<semaphore_mem>>
        %dma_start3A_119 = arith.constant 0 : i32
        %dma_start3A_120 = tpu.memref_slice %arg9[%add3A_22, %dma_start3A_119] : memref<10240x128xf32, #tpu.memory_space<vmem_shared>> -> memref<128x128xf32, #tpu.memory_space<vmem_shared>>
        %dma_start3A_121 = arith.constant 0 : i32
        %dma_start3A_122 = tpu.memref_slice %arg9[%add3A_22, %dma_start3A_121] : memref<10240x128xf32, #tpu.memory_space<vmem_shared>> -> memref<128x128xf32, #tpu.memory_space<vmem_shared>>
        tpu.enqueue_dma source(%arg7 : memref<128x128xf32, #tpu.memory_space<vmem>>) target(%dma_start3A_122 : memref<128x128xf32, #tpu.memory_space<vmem_shared>>) target_semaphore(%run_scoped3A : memref<!tpu.dma_semaphore, #tpu.memory_space<semaphore_mem>>)
        %dma_wait3A_123 = arith.constant 0 : i32
        %dma_wait3A_124 = tpu.memref_slice %arg9[%add3A_22, %dma_wait3A_123] : memref<10240x128xf32, #tpu.memory_space<vmem_shared>> -> memref<128x128xf32, #tpu.memory_space<vmem_shared>>
        %dma_wait3A_125 = arith.constant 0 : i32
        %dma_wait3A_126 = tpu.memref_slice %arg9[%add3A_22, %dma_wait3A_125] : memref<10240x128xf32, #tpu.memory_space<vmem_shared>> -> memref<128x128xf32, #tpu.memory_space<vmem_shared>>
        tpu.wait_dma2 semaphore(%run_scoped3A : memref<!tpu.dma_semaphore, #tpu.memory_space<semaphore_mem>>) src(%arg7 : memref<128x128xf32, #tpu.memory_space<vmem>>) dst(%dma_wait3A_126 : memref<128x128xf32, #tpu.memory_space<vmem_shared>>)
        tpu.yield
      }) : () -> ()
      %barrier3A = arith.constant 0 : index
      tpu.barrier barrier_id(%barrier3A)
      %mul3A_23 = arith.constant 160 : i32
      %mul3A_24 = arith.muli %arg1, %mul3A_23 : i32
      %add3A_25 = arith.constant 0 : i32
      %add3A_26 = arith.addi %mul3A_24, %add3A_25 : i32
      "tpu.region"() ({
        %run_scoped3A = tpu.sem_alloc : memref<!tpu.dma_semaphore, #tpu.memory_space<semaphore_mem>>
        %dma_start3A_119 = arith.constant 0 : i32
        %dma_start3A_120 = arith.constant 0 : i32
        %dma_start3A_121 = tpu.memref_slice %arg3[%add3A_26, %dma_start3A_119, %dma_start3A_120] : memref<2560x2x128xi32, #tpu.memory_space<hbm>> -> memref<1x2x128xi32, #tpu.memory_space<hbm>>
        %dma_start3A_122 = arith.constant 0 : i32
        %dma_start3A_123 = arith.constant 0 : i32
        %dma_start3A_124 = tpu.memref_slice %arg3[%add3A_26, %dma_start3A_122, %dma_start3A_123] : memref<2560x2x128xi32, #tpu.memory_space<hbm>> -> memref<1x2x128xi32, #tpu.memory_space<hbm>>
        tpu.enqueue_dma source(%dma_start3A_124 : memref<1x2x128xi32, #tpu.memory_space<hbm>>) target(%arg5 : memref<1x2x128xi32, #tpu.memory_space<vmem>>) target_semaphore(%run_scoped3A : memref<!tpu.dma_semaphore, #tpu.memory_space<semaphore_mem>>)
        %dma_wait3A_125 = arith.constant 0 : i32
        %dma_wait3A_126 = arith.constant 0 : i32
        %dma_wait3A_127 = tpu.memref_slice %arg3[%add3A_26, %dma_wait3A_125, %dma_wait3A_126] : memref<2560x2x128xi32, #tpu.memory_space<hbm>> -> memref<1x2x128xi32, #tpu.memory_space<hbm>>
        %dma_wait3A_128 = arith.constant 0 : i32
        %dma_wait3A_129 = arith.constant 0 : i32
        %dma_wait3A_130 = tpu.memref_slice %arg3[%add3A_26, %dma_wait3A_128, %dma_wait3A_129] : memref<2560x2x128xi32, #tpu.memory_space<hbm>> -> memref<1x2x128xi32, #tpu.memory_space<hbm>>
        tpu.wait_dma2 semaphore(%run_scoped3A : memref<!tpu.dma_semaphore, #tpu.memory_space<semaphore_mem>>) src(%dma_wait3A_130 : memref<1x2x128xi32, #tpu.memory_space<hbm>>) dst(%arg5 : memref<1x2x128xi32, #tpu.memory_space<vmem>>)
        tpu.yield
      }) : () -> ()
      %add3A_27 = arith.constant 1 : i32
      %add3A_28 = arith.addi %mul3A_24, %add3A_27 : i32
      %dma_start3A = arith.constant 0 : i32
      %dma_start3A_29 = arith.constant 0 : i32
      %dma_start3A_30 = tpu.memref_slice %arg3[%add3A_28, %dma_start3A, %dma_start3A_29] : memref<2560x2x128xi32, #tpu.memory_space<hbm>> -> memref<1x2x128xi32, #tpu.memory_space<hbm>>
      %dma_start3A_31 = arith.constant 0 : i32
      %dma_start3A_32 = arith.constant 0 : i32
      %dma_start3A_33 = tpu.memref_slice %arg3[%add3A_28, %dma_start3A_31, %dma_start3A_32] : memref<2560x2x128xi32, #tpu.memory_space<hbm>> -> memref<1x2x128xi32, #tpu.memory_space<hbm>>
      tpu.enqueue_dma source(%dma_start3A_33 : memref<1x2x128xi32, #tpu.memory_space<hbm>>) target(%arg6 : memref<1x2x128xi32, #tpu.memory_space<vmem>>) target_semaphore(%arg15 : memref<!tpu.dma_semaphore, #tpu.memory_space<semaphore_mem>>)
      %dma_start3A_34 = arith.constant 0 : i32
      %dma_start3A_35 = arith.constant 0 : i32
      %dma_start3A_36 = arith.constant 0 : i32
      %dma_start3A_37 = tpu.memref_slice %arg5[%dma_start3A_34, %dma_start3A_35, %dma_start3A_36] : memref<1x2x128xi32, #tpu.memory_space<vmem>> -> memref<1x1x128xi32, #tpu.memory_space<vmem>>
      %dma_start3A_38 = tpu.memref_squeeze %dma_start3A_37 : memref<1x1x128xi32, #tpu.memory_space<vmem>> -> memref<128xi32, #tpu.memory_space<vmem>>
      %dma_start3A_39 = arith.constant 0 : i32
      %dma_start3A_40 = arith.constant 0 : i32
      %dma_start3A_41 = tpu.memref_slice %arg2[%dma_start3A_39, %dma_start3A_40] : memref<10000x128xf32, #tpu.memory_space<hbm>> -> memref<10000x128xf32, #tpu.memory_space<hbm>>
      tpu.enqueue_indirect_dma source(%dma_start3A_41 : memref<10000x128xf32, #tpu.memory_space<hbm>>) target(%arg7 : memref<128x128xf32, #tpu.memory_space<vmem>>) offsets(%dma_start3A_38 : memref<128xi32, #tpu.memory_space<vmem>>) semaphore(%arg10 : memref<!tpu.dma_semaphore, #tpu.memory_space<semaphore_mem>>)
      %while3A_42 = arith.constant 0 : i32
      %while3A_43 = arith.constant 0 : i32
      %while3A_44 = arith.constant 79 : i32
      %while3A_45 = arith.subi %while3A_44, %while3A_43 : i32
      %while3A_46 = arith.addi %while3A_43, %while3A_45 : i32
      %while3A_47 = arith.constant 1 : i32
      %while3A_48 = arith.divsi %while3A_45, %while3A_47 : i32
      %while3A_49 = arith.muli %while3A_48, %while3A_47 : i32
      %while3A_50 = arith.addi %while3A_43, %while3A_49 : i32
      %while3A_51 = arith.constant 1 : i32
      scf.for %while3A_119 = %while3A_43 to %while3A_50 step %while3A_51  : i32 {
        %mul3A_120 = arith.constant 2 : i32
        %mul3A_121 = arith.muli %while3A_119, %mul3A_120 : i32
        %dma_wait3A_122 = arith.constant 0 : i32
        %dma_wait3A_123 = arith.constant 0 : i32
        %dma_wait3A_124 = arith.constant 0 : i32
        %dma_wait3A_125 = tpu.memref_slice %arg5[%dma_wait3A_122, %dma_wait3A_123, %dma_wait3A_124] : memref<1x2x128xi32, #tpu.memory_space<vmem>> -> memref<1x1x128xi32, #tpu.memory_space<vmem>>
        %dma_wait3A_126 = tpu.memref_squeeze %dma_wait3A_125 : memref<1x1x128xi32, #tpu.memory_space<vmem>> -> memref<128xi32, #tpu.memory_space<vmem>>
        %dma_wait3A_127 = arith.constant 0 : i32
        %dma_wait3A_128 = arith.constant 0 : i32
        %dma_wait3A_129 = tpu.memref_slice %arg2[%dma_wait3A_127, %dma_wait3A_128] : memref<10000x128xf32, #tpu.memory_space<hbm>> -> memref<10000x128xf32, #tpu.memory_space<hbm>>
        tpu.wait_indirect_dma semaphore(%arg10 : memref<!tpu.dma_semaphore, #tpu.memory_space<semaphore_mem>>) src(%dma_wait3A_129 : memref<10000x128xf32, #tpu.memory_space<hbm>>) dst(%arg7 : memref<128x128xf32, #tpu.memory_space<vmem>>)
        %dma_start3A_130 = arith.constant 0 : i32
        %dma_start3A_131 = arith.constant 1 : i32
        %dma_start3A_132 = arith.constant 0 : i32
        %dma_start3A_133 = tpu.memref_slice %arg5[%dma_start3A_130, %dma_start3A_131, %dma_start3A_132] : memref<1x2x128xi32, #tpu.memory_space<vmem>> -> memref<1x1x128xi32, #tpu.memory_space<vmem>>
        %dma_start3A_134 = tpu.memref_squeeze %dma_start3A_133 : memref<1x1x128xi32, #tpu.memory_space<vmem>> -> memref<128xi32, #tpu.memory_space<vmem>>
        %dma_start3A_135 = arith.constant 0 : i32
        %dma_start3A_136 = arith.constant 0 : i32
        %dma_start3A_137 = tpu.memref_slice %arg9[%dma_start3A_135, %dma_start3A_136] : memref<10240x128xf32, #tpu.memory_space<vmem_shared>> -> memref<10240x128xf32, #tpu.memory_space<vmem_shared>>
        tpu.enqueue_indirect_dma source(%arg7 : memref<128x128xf32, #tpu.memory_space<vmem>>) target(%dma_start3A_137 : memref<10240x128xf32, #tpu.memory_space<vmem_shared>>) offsets(%dma_start3A_134 : memref<128xi32, #tpu.memory_space<vmem>>) semaphore(%arg12 : memref<!tpu.dma_semaphore, #tpu.memory_space<semaphore_mem>>) {add = true}
        %add3A_138 = arith.constant 1 : i32
        %add3A_139 = arith.addi %mul3A_121, %add3A_138 : i32
        %add3A_140 = arith.addi %mul3A_24, %add3A_139 : i32
        %dma_wait3A_141 = arith.constant 0 : i32
        %dma_wait3A_142 = arith.constant 0 : i32
        %dma_wait3A_143 = tpu.memref_slice %arg3[%add3A_140, %dma_wait3A_141, %dma_wait3A_142] : memref<2560x2x128xi32, #tpu.memory_space<hbm>> -> memref<1x2x128xi32, #tpu.memory_space<hbm>>
        %dma_wait3A_144 = arith.constant 0 : i32
        %dma_wait3A_145 = arith.constant 0 : i32
        %dma_wait3A_146 = tpu.memref_slice %arg3[%add3A_140, %dma_wait3A_144, %dma_wait3A_145] : memref<2560x2x128xi32, #tpu.memory_space<hbm>> -> memref<1x2x128xi32, #tpu.memory_space<hbm>>
        tpu.wait_dma2 semaphore(%arg15 : memref<!tpu.dma_semaphore, #tpu.memory_space<semaphore_mem>>) src(%dma_wait3A_146 : memref<1x2x128xi32, #tpu.memory_space<hbm>>) dst(%arg6 : memref<1x2x128xi32, #tpu.memory_space<vmem>>)
        %dma_start3A_147 = arith.constant 0 : i32
        %dma_start3A_148 = arith.constant 0 : i32
        %dma_start3A_149 = arith.constant 0 : i32
        %dma_start3A_150 = tpu.memref_slice %arg6[%dma_start3A_147, %dma_start3A_148, %dma_start3A_149] : memref<1x2x128xi32, #tpu.memory_space<vmem>> -> memref<1x1x128xi32, #tpu.memory_space<vmem>>
        %dma_start3A_151 = tpu.memref_squeeze %dma_start3A_150 : memref<1x1x128xi32, #tpu.memory_space<vmem>> -> memref<128xi32, #tpu.memory_space<vmem>>
        %dma_start3A_152 = arith.constant 0 : i32
        %dma_start3A_153 = arith.constant 0 : i32
        %dma_start3A_154 = tpu.memref_slice %arg2[%dma_start3A_152, %dma_start3A_153] : memref<10000x128xf32, #tpu.memory_space<hbm>> -> memref<10000x128xf32, #tpu.memory_space<hbm>>
        tpu.enqueue_indirect_dma source(%dma_start3A_154 : memref<10000x128xf32, #tpu.memory_space<hbm>>) target(%arg8 : memref<128x128xf32, #tpu.memory_space<vmem>>) offsets(%dma_start3A_151 : memref<128xi32, #tpu.memory_space<vmem>>) semaphore(%arg11 : memref<!tpu.dma_semaphore, #tpu.memory_space<semaphore_mem>>)
        %dma_wait3A_155 = arith.constant 0 : i32
        %dma_wait3A_156 = arith.constant 1 : i32
        %dma_wait3A_157 = arith.constant 0 : i32
        %dma_wait3A_158 = tpu.memref_slice %arg5[%dma_wait3A_155, %dma_wait3A_156, %dma_wait3A_157] : memref<1x2x128xi32, #tpu.memory_space<vmem>> -> memref<1x1x128xi32, #tpu.memory_space<vmem>>
        %dma_wait3A_159 = tpu.memref_squeeze %dma_wait3A_158 : memref<1x1x128xi32, #tpu.memory_space<vmem>> -> memref<128xi32, #tpu.memory_space<vmem>>
        %dma_wait3A_160 = arith.constant 0 : i32
        %dma_wait3A_161 = arith.constant 0 : i32
        %dma_wait3A_162 = tpu.memref_slice %arg9[%dma_wait3A_160, %dma_wait3A_161] : memref<10240x128xf32, #tpu.memory_space<vmem_shared>> -> memref<10240x128xf32, #tpu.memory_space<vmem_shared>>
        tpu.wait_indirect_dma semaphore(%arg12 : memref<!tpu.dma_semaphore, #tpu.memory_space<semaphore_mem>>) src(%arg7 : memref<128x128xf32, #tpu.memory_space<vmem>>) dst(%dma_wait3A_162 : memref<10240x128xf32, #tpu.memory_space<vmem_shared>>)
        %add3A_163 = arith.constant 2 : i32
        %add3A_164 = arith.addi %mul3A_121, %add3A_163 : i32
        %add3A_165 = arith.addi %mul3A_24, %add3A_164 : i32
        %dma_start3A_166 = arith.constant 0 : i32
        %dma_start3A_167 = arith.constant 0 : i32
        %dma_start3A_168 = tpu.memref_slice %arg3[%add3A_165, %dma_start3A_166, %dma_start3A_167] : memref<2560x2x128xi32, #tpu.memory_space<hbm>> -> memref<1x2x128xi32, #tpu.memory_space<hbm>>
        %dma_start3A_169 = arith.constant 0 : i32
        %dma_start3A_170 = arith.constant 0 : i32
        %dma_start3A_171 = tpu.memref_slice %arg3[%add3A_165, %dma_start3A_169, %dma_start3A_170] : memref<2560x2x128xi32, #tpu.memory_space<hbm>> -> memref<1x2x128xi32, #tpu.memory_space<hbm>>
        tpu.enqueue_dma source(%dma_start3A_171 : memref<1x2x128xi32, #tpu.memory_space<hbm>>) target(%arg5 : memref<1x2x128xi32, #tpu.memory_space<vmem>>) target_semaphore(%arg14 : memref<!tpu.dma_semaphore, #tpu.memory_space<semaphore_mem>>)
        %add3A_172 = arith.constant 1 : i32
        %add3A_173 = arith.addi %mul3A_121, %add3A_172 : i32
        %dma_wait3A_174 = arith.constant 0 : i32
        %dma_wait3A_175 = arith.constant 0 : i32
        %dma_wait3A_176 = arith.constant 0 : i32
        %dma_wait3A_177 = tpu.memref_slice %arg6[%dma_wait3A_174, %dma_wait3A_175, %dma_wait3A_176] : memref<1x2x128xi32, #tpu.memory_space<vmem>> -> memref<1x1x128xi32, #tpu.memory_space<vmem>>
        %dma_wait3A_178 = tpu.memref_squeeze %dma_wait3A_177 : memref<1x1x128xi32, #tpu.memory_space<vmem>> -> memref<128xi32, #tpu.memory_space<vmem>>
        %dma_wait3A_179 = arith.constant 0 : i32
        %dma_wait3A_180 = arith.constant 0 : i32
        %dma_wait3A_181 = tpu.memref_slice %arg2[%dma_wait3A_179, %dma_wait3A_180] : memref<10000x128xf32, #tpu.memory_space<hbm>> -> memref<10000x128xf32, #tpu.memory_space<hbm>>
        tpu.wait_indirect_dma semaphore(%arg11 : memref<!tpu.dma_semaphore, #tpu.memory_space<semaphore_mem>>) src(%dma_wait3A_181 : memref<10000x128xf32, #tpu.memory_space<hbm>>) dst(%arg8 : memref<128x128xf32, #tpu.memory_space<vmem>>)
        %dma_start3A_182 = arith.constant 0 : i32
        %dma_start3A_183 = arith.constant 1 : i32
        %dma_start3A_184 = arith.constant 0 : i32
        %dma_start3A_185 = tpu.memref_slice %arg6[%dma_start3A_182, %dma_start3A_183, %dma_start3A_184] : memref<1x2x128xi32, #tpu.memory_space<vmem>> -> memref<1x1x128xi32, #tpu.memory_space<vmem>>
        %dma_start3A_186 = tpu.memref_squeeze %dma_start3A_185 : memref<1x1x128xi32, #tpu.memory_space<vmem>> -> memref<128xi32, #tpu.memory_space<vmem>>
        %dma_start3A_187 = arith.constant 0 : i32
        %dma_start3A_188 = arith.constant 0 : i32
        %dma_start3A_189 = tpu.memref_slice %arg9[%dma_start3A_187, %dma_start3A_188] : memref<10240x128xf32, #tpu.memory_space<vmem_shared>> -> memref<10240x128xf32, #tpu.memory_space<vmem_shared>>
        tpu.enqueue_indirect_dma source(%arg8 : memref<128x128xf32, #tpu.memory_space<vmem>>) target(%dma_start3A_189 : memref<10240x128xf32, #tpu.memory_space<vmem_shared>>) offsets(%dma_start3A_186 : memref<128xi32, #tpu.memory_space<vmem>>) semaphore(%arg13 : memref<!tpu.dma_semaphore, #tpu.memory_space<semaphore_mem>>) {add = true}
        %add3A_190 = arith.constant 1 : i32
        %add3A_191 = arith.addi %add3A_173, %add3A_190 : i32
        %add3A_192 = arith.addi %mul3A_24, %add3A_191 : i32
        %dma_wait3A_193 = arith.constant 0 : i32
        %dma_wait3A_194 = arith.constant 0 : i32
        %dma_wait3A_195 = tpu.memref_slice %arg3[%add3A_192, %dma_wait3A_193, %dma_wait3A_194] : memref<2560x2x128xi32, #tpu.memory_space<hbm>> -> memref<1x2x128xi32, #tpu.memory_space<hbm>>
        %dma_wait3A_196 = arith.constant 0 : i32
        %dma_wait3A_197 = arith.constant 0 : i32
        %dma_wait3A_198 = tpu.memref_slice %arg3[%add3A_192, %dma_wait3A_196, %dma_wait3A_197] : memref<2560x2x128xi32, #tpu.memory_space<hbm>> -> memref<1x2x128xi32, #tpu.memory_space<hbm>>
        tpu.wait_dma2 semaphore(%arg14 : memref<!tpu.dma_semaphore, #tpu.memory_space<semaphore_mem>>) src(%dma_wait3A_198 : memref<1x2x128xi32, #tpu.memory_space<hbm>>) dst(%arg5 : memref<1x2x128xi32, #tpu.memory_space<vmem>>)
        %dma_start3A_199 = arith.constant 0 : i32
        %dma_start3A_200 = arith.constant 0 : i32
        %dma_start3A_201 = arith.constant 0 : i32
        %dma_start3A_202 = tpu.memref_slice %arg5[%dma_start3A_199, %dma_start3A_200, %dma_start3A_201] : memref<1x2x128xi32, #tpu.memory_space<vmem>> -> memref<1x1x128xi32, #tpu.memory_space<vmem>>
        %dma_start3A_203 = tpu.memref_squeeze %dma_start3A_202 : memref<1x1x128xi32, #tpu.memory_space<vmem>> -> memref<128xi32, #tpu.memory_space<vmem>>
        %dma_start3A_204 = arith.constant 0 : i32
        %dma_start3A_205 = arith.constant 0 : i32
        %dma_start3A_206 = tpu.memref_slice %arg2[%dma_start3A_204, %dma_start3A_205] : memref<10000x128xf32, #tpu.memory_space<hbm>> -> memref<10000x128xf32, #tpu.memory_space<hbm>>
        tpu.enqueue_indirect_dma source(%dma_start3A_206 : memref<10000x128xf32, #tpu.memory_space<hbm>>) target(%arg7 : memref<128x128xf32, #tpu.memory_space<vmem>>) offsets(%dma_start3A_203 : memref<128xi32, #tpu.memory_space<vmem>>) semaphore(%arg10 : memref<!tpu.dma_semaphore, #tpu.memory_space<semaphore_mem>>)
        %dma_wait3A_207 = arith.constant 0 : i32
        %dma_wait3A_208 = arith.constant 1 : i32
        %dma_wait3A_209 = arith.constant 0 : i32
        %dma_wait3A_210 = tpu.memref_slice %arg6[%dma_wait3A_207, %dma_wait3A_208, %dma_wait3A_209] : memref<1x2x128xi32, #tpu.memory_space<vmem>> -> memref<1x1x128xi32, #tpu.memory_space<vmem>>
        %dma_wait3A_211 = tpu.memref_squeeze %dma_wait3A_210 : memref<1x1x128xi32, #tpu.memory_space<vmem>> -> memref<128xi32, #tpu.memory_space<vmem>>
        %dma_wait3A_212 = arith.constant 0 : i32
        %dma_wait3A_213 = arith.constant 0 : i32
        %dma_wait3A_214 = tpu.memref_slice %arg9[%dma_wait3A_212, %dma_wait3A_213] : memref<10240x128xf32, #tpu.memory_space<vmem_shared>> -> memref<10240x128xf32, #tpu.memory_space<vmem_shared>>
        tpu.wait_indirect_dma semaphore(%arg13 : memref<!tpu.dma_semaphore, #tpu.memory_space<semaphore_mem>>) src(%arg8 : memref<128x128xf32, #tpu.memory_space<vmem>>) dst(%dma_wait3A_214 : memref<10240x128xf32, #tpu.memory_space<vmem_shared>>)
        %add3A_215 = arith.constant 3 : i32
        %add3A_216 = arith.addi %mul3A_121, %add3A_215 : i32
        %add3A_217 = arith.addi %mul3A_24, %add3A_216 : i32
        %dma_start3A_218 = arith.constant 0 : i32
        %dma_start3A_219 = arith.constant 0 : i32
        %dma_start3A_220 = tpu.memref_slice %arg3[%add3A_217, %dma_start3A_218, %dma_start3A_219] : memref<2560x2x128xi32, #tpu.memory_space<hbm>> -> memref<1x2x128xi32, #tpu.memory_space<hbm>>
        %dma_start3A_221 = arith.constant 0 : i32
        %dma_start3A_222 = arith.constant 0 : i32
        %dma_start3A_223 = tpu.memref_slice %arg3[%add3A_217, %dma_start3A_221, %dma_start3A_222] : memref<2560x2x128xi32, #tpu.memory_space<hbm>> -> memref<1x2x128xi32, #tpu.memory_space<hbm>>
        tpu.enqueue_dma source(%dma_start3A_223 : memref<1x2x128xi32, #tpu.memory_space<hbm>>) target(%arg6 : memref<1x2x128xi32, #tpu.memory_space<vmem>>) target_semaphore(%arg15 : memref<!tpu.dma_semaphore, #tpu.memory_space<semaphore_mem>>)
      }
      %while3A_52 = arith.constant 1 : i32
      scf.for %while3A_119 = %while3A_50 to %while3A_46 step %while3A_52  : i32 {
        %mul3A_120 = arith.constant 2 : i32
        %mul3A_121 = arith.muli %while3A_119, %mul3A_120 : i32
        %dma_wait3A_122 = arith.constant 0 : i32
        %dma_wait3A_123 = arith.constant 0 : i32
        %dma_wait3A_124 = arith.constant 0 : i32
        %dma_wait3A_125 = tpu.memref_slice %arg5[%dma_wait3A_122, %dma_wait3A_123, %dma_wait3A_124] : memref<1x2x128xi32, #tpu.memory_space<vmem>> -> memref<1x1x128xi32, #tpu.memory_space<vmem>>
        %dma_wait3A_126 = tpu.memref_squeeze %dma_wait3A_125 : memref<1x1x128xi32, #tpu.memory_space<vmem>> -> memref<128xi32, #tpu.memory_space<vmem>>
        %dma_wait3A_127 = arith.constant 0 : i32
        %dma_wait3A_128 = arith.constant 0 : i32
        %dma_wait3A_129 = tpu.memref_slice %arg2[%dma_wait3A_127, %dma_wait3A_128] : memref<10000x128xf32, #tpu.memory_space<hbm>> -> memref<10000x128xf32, #tpu.memory_space<hbm>>
        tpu.wait_indirect_dma semaphore(%arg10 : memref<!tpu.dma_semaphore, #tpu.memory_space<semaphore_mem>>) src(%dma_wait3A_129 : memref<10000x128xf32, #tpu.memory_space<hbm>>) dst(%arg7 : memref<128x128xf32, #tpu.memory_space<vmem>>)
        %dma_start3A_130 = arith.constant 0 : i32
        %dma_start3A_131 = arith.constant 1 : i32
        %dma_start3A_132 = arith.constant 0 : i32
        %dma_start3A_133 = tpu.memref_slice %arg5[%dma_start3A_130, %dma_start3A_131, %dma_start3A_132] : memref<1x2x128xi32, #tpu.memory_space<vmem>> -> memref<1x1x128xi32, #tpu.memory_space<vmem>>
        %dma_start3A_134 = tpu.memref_squeeze %dma_start3A_133 : memref<1x1x128xi32, #tpu.memory_space<vmem>> -> memref<128xi32, #tpu.memory_space<vmem>>
        %dma_start3A_135 = arith.constant 0 : i32
        %dma_start3A_136 = arith.constant 0 : i32
        %dma_start3A_137 = tpu.memref_slice %arg9[%dma_start3A_135, %dma_start3A_136] : memref<10240x128xf32, #tpu.memory_space<vmem_shared>> -> memref<10240x128xf32, #tpu.memory_space<vmem_shared>>
        tpu.enqueue_indirect_dma source(%arg7 : memref<128x128xf32, #tpu.memory_space<vmem>>) target(%dma_start3A_137 : memref<10240x128xf32, #tpu.memory_space<vmem_shared>>) offsets(%dma_start3A_134 : memref<128xi32, #tpu.memory_space<vmem>>) semaphore(%arg12 : memref<!tpu.dma_semaphore, #tpu.memory_space<semaphore_mem>>) {add = true}
        %add3A_138 = arith.constant 1 : i32
        %add3A_139 = arith.addi %mul3A_121, %add3A_138 : i32
        %add3A_140 = arith.addi %mul3A_24, %add3A_139 : i32
        %dma_wait3A_141 = arith.constant 0 : i32
        %dma_wait3A_142 = arith.constant 0 : i32
        %dma_wait3A_143 = tpu.memref_slice %arg3[%add3A_140, %dma_wait3A_141, %dma_wait3A_142] : memref<2560x2x128xi32, #tpu.memory_space<hbm>> -> memref<1x2x128xi32, #tpu.memory_space<hbm>>
        %dma_wait3A_144 = arith.constant 0 : i32
        %dma_wait3A_145 = arith.constant 0 : i32
        %dma_wait3A_146 = tpu.memref_slice %arg3[%add3A_140, %dma_wait3A_144, %dma_wait3A_145] : memref<2560x2x128xi32, #tpu.memory_space<hbm>> -> memref<1x2x128xi32, #tpu.memory_space<hbm>>
        tpu.wait_dma2 semaphore(%arg15 : memref<!tpu.dma_semaphore, #tpu.memory_space<semaphore_mem>>) src(%dma_wait3A_146 : memref<1x2x128xi32, #tpu.memory_space<hbm>>) dst(%arg6 : memref<1x2x128xi32, #tpu.memory_space<vmem>>)
        %dma_start3A_147 = arith.constant 0 : i32
        %dma_start3A_148 = arith.constant 0 : i32
        %dma_start3A_149 = arith.constant 0 : i32
        %dma_start3A_150 = tpu.memref_slice %arg6[%dma_start3A_147, %dma_start3A_148, %dma_start3A_149] : memref<1x2x128xi32, #tpu.memory_space<vmem>> -> memref<1x1x128xi32, #tpu.memory_space<vmem>>
        %dma_start3A_151 = tpu.memref_squeeze %dma_start3A_150 : memref<1x1x128xi32, #tpu.memory_space<vmem>> -> memref<128xi32, #tpu.memory_space<vmem>>
        %dma_start3A_152 = arith.constant 0 : i32
        %dma_start3A_153 = arith.constant 0 : i32
        %dma_start3A_154 = tpu.memref_slice %arg2[%dma_start3A_152, %dma_start3A_153] : memref<10000x128xf32, #tpu.memory_space<hbm>> -> memref<10000x128xf32, #tpu.memory_space<hbm>>
        tpu.enqueue_indirect_dma source(%dma_start3A_154 : memref<10000x128xf32, #tpu.memory_space<hbm>>) target(%arg8 : memref<128x128xf32, #tpu.memory_space<vmem>>) offsets(%dma_start3A_151 : memref<128xi32, #tpu.memory_space<vmem>>) semaphore(%arg11 : memref<!tpu.dma_semaphore, #tpu.memory_space<semaphore_mem>>)
        %dma_wait3A_155 = arith.constant 0 : i32
        %dma_wait3A_156 = arith.constant 1 : i32
        %dma_wait3A_157 = arith.constant 0 : i32
        %dma_wait3A_158 = tpu.memref_slice %arg5[%dma_wait3A_155, %dma_wait3A_156, %dma_wait3A_157] : memref<1x2x128xi32, #tpu.memory_space<vmem>> -> memref<1x1x128xi32, #tpu.memory_space<vmem>>
        %dma_wait3A_159 = tpu.memref_squeeze %dma_wait3A_158 : memref<1x1x128xi32, #tpu.memory_space<vmem>> -> memref<128xi32, #tpu.memory_space<vmem>>
        %dma_wait3A_160 = arith.constant 0 : i32
        %dma_wait3A_161 = arith.constant 0 : i32
        %dma_wait3A_162 = tpu.memref_slice %arg9[%dma_wait3A_160, %dma_wait3A_161] : memref<10240x128xf32, #tpu.memory_space<vmem_shared>> -> memref<10240x128xf32, #tpu.memory_space<vmem_shared>>
        tpu.wait_indirect_dma semaphore(%arg12 : memref<!tpu.dma_semaphore, #tpu.memory_space<semaphore_mem>>) src(%arg7 : memref<128x128xf32, #tpu.memory_space<vmem>>) dst(%dma_wait3A_162 : memref<10240x128xf32, #tpu.memory_space<vmem_shared>>)
        %add3A_163 = arith.constant 2 : i32
        %add3A_164 = arith.addi %mul3A_121, %add3A_163 : i32
        %add3A_165 = arith.addi %mul3A_24, %add3A_164 : i32
        %dma_start3A_166 = arith.constant 0 : i32
        %dma_start3A_167 = arith.constant 0 : i32
        %dma_start3A_168 = tpu.memref_slice %arg3[%add3A_165, %dma_start3A_166, %dma_start3A_167] : memref<2560x2x128xi32, #tpu.memory_space<hbm>> -> memref<1x2x128xi32, #tpu.memory_space<hbm>>
        %dma_start3A_169 = arith.constant 0 : i32
        %dma_start3A_170 = arith.constant 0 : i32
        %dma_start3A_171 = tpu.memref_slice %arg3[%add3A_165, %dma_start3A_169, %dma_start3A_170] : memref<2560x2x128xi32, #tpu.memory_space<hbm>> -> memref<1x2x128xi32, #tpu.memory_space<hbm>>
        tpu.enqueue_dma source(%dma_start3A_171 : memref<1x2x128xi32, #tpu.memory_space<hbm>>) target(%arg5 : memref<1x2x128xi32, #tpu.memory_space<vmem>>) target_semaphore(%arg14 : memref<!tpu.dma_semaphore, #tpu.memory_space<semaphore_mem>>)
        %add3A_172 = arith.constant 1 : i32
        %add3A_173 = arith.addi %mul3A_121, %add3A_172 : i32
        %dma_wait3A_174 = arith.constant 0 : i32
        %dma_wait3A_175 = arith.constant 0 : i32
        %dma_wait3A_176 = arith.constant 0 : i32
        %dma_wait3A_177 = tpu.memref_slice %arg6[%dma_wait3A_174, %dma_wait3A_175, %dma_wait3A_176] : memref<1x2x128xi32, #tpu.memory_space<vmem>> -> memref<1x1x128xi32, #tpu.memory_space<vmem>>
        %dma_wait3A_178 = tpu.memref_squeeze %dma_wait3A_177 : memref<1x1x128xi32, #tpu.memory_space<vmem>> -> memref<128xi32, #tpu.memory_space<vmem>>
        %dma_wait3A_179 = arith.constant 0 : i32
        %dma_wait3A_180 = arith.constant 0 : i32
        %dma_wait3A_181 = tpu.memref_slice %arg2[%dma_wait3A_179, %dma_wait3A_180] : memref<10000x128xf32, #tpu.memory_space<hbm>> -> memref<10000x128xf32, #tpu.memory_space<hbm>>
        tpu.wait_indirect_dma semaphore(%arg11 : memref<!tpu.dma_semaphore, #tpu.memory_space<semaphore_mem>>) src(%dma_wait3A_181 : memref<10000x128xf32, #tpu.memory_space<hbm>>) dst(%arg8 : memref<128x128xf32, #tpu.memory_space<vmem>>)
        %dma_start3A_182 = arith.constant 0 : i32
        %dma_start3A_183 = arith.constant 1 : i32
        %dma_start3A_184 = arith.constant 0 : i32
        %dma_start3A_185 = tpu.memref_slice %arg6[%dma_start3A_182, %dma_start3A_183, %dma_start3A_184] : memref<1x2x128xi32, #tpu.memory_space<vmem>> -> memref<1x1x128xi32, #tpu.memory_space<vmem>>
        %dma_start3A_186 = tpu.memref_squeeze %dma_start3A_185 : memref<1x1x128xi32, #tpu.memory_space<vmem>> -> memref<128xi32, #tpu.memory_space<vmem>>
        %dma_start3A_187 = arith.constant 0 : i32
        %dma_start3A_188 = arith.constant 0 : i32
        %dma_start3A_189 = tpu.memref_slice %arg9[%dma_start3A_187, %dma_start3A_188] : memref<10240x128xf32, #tpu.memory_space<vmem_shared>> -> memref<10240x128xf32, #tpu.memory_space<vmem_shared>>
        tpu.enqueue_indirect_dma source(%arg8 : memref<128x128xf32, #tpu.memory_space<vmem>>) target(%dma_start3A_189 : memref<10240x128xf32, #tpu.memory_space<vmem_shared>>) offsets(%dma_start3A_186 : memref<128xi32, #tpu.memory_space<vmem>>) semaphore(%arg13 : memref<!tpu.dma_semaphore, #tpu.memory_space<semaphore_mem>>) {add = true}
        %add3A_190 = arith.constant 1 : i32
        %add3A_191 = arith.addi %add3A_173, %add3A_190 : i32
        %add3A_192 = arith.addi %mul3A_24, %add3A_191 : i32
        %dma_wait3A_193 = arith.constant 0 : i32
        %dma_wait3A_194 = arith.constant 0 : i32
        %dma_wait3A_195 = tpu.memref_slice %arg3[%add3A_192, %dma_wait3A_193, %dma_wait3A_194] : memref<2560x2x128xi32, #tpu.memory_space<hbm>> -> memref<1x2x128xi32, #tpu.memory_space<hbm>>
        %dma_wait3A_196 = arith.constant 0 : i32
        %dma_wait3A_197 = arith.constant 0 : i32
        %dma_wait3A_198 = tpu.memref_slice %arg3[%add3A_192, %dma_wait3A_196, %dma_wait3A_197] : memref<2560x2x128xi32, #tpu.memory_space<hbm>> -> memref<1x2x128xi32, #tpu.memory_space<hbm>>
        tpu.wait_dma2 semaphore(%arg14 : memref<!tpu.dma_semaphore, #tpu.memory_space<semaphore_mem>>) src(%dma_wait3A_198 : memref<1x2x128xi32, #tpu.memory_space<hbm>>) dst(%arg5 : memref<1x2x128xi32, #tpu.memory_space<vmem>>)
        %dma_start3A_199 = arith.constant 0 : i32
        %dma_start3A_200 = arith.constant 0 : i32
        %dma_start3A_201 = arith.constant 0 : i32
        %dma_start3A_202 = tpu.memref_slice %arg5[%dma_start3A_199, %dma_start3A_200, %dma_start3A_201] : memref<1x2x128xi32, #tpu.memory_space<vmem>> -> memref<1x1x128xi32, #tpu.memory_space<vmem>>
        %dma_start3A_203 = tpu.memref_squeeze %dma_start3A_202 : memref<1x1x128xi32, #tpu.memory_space<vmem>> -> memref<128xi32, #tpu.memory_space<vmem>>
        %dma_start3A_204 = arith.constant 0 : i32
        %dma_start3A_205 = arith.constant 0 : i32
        %dma_start3A_206 = tpu.memref_slice %arg2[%dma_start3A_204, %dma_start3A_205] : memref<10000x128xf32, #tpu.memory_space<hbm>> -> memref<10000x128xf32, #tpu.memory_space<hbm>>
        tpu.enqueue_indirect_dma source(%dma_start3A_206 : memref<10000x128xf32, #tpu.memory_space<hbm>>) target(%arg7 : memref<128x128xf32, #tpu.memory_space<vmem>>) offsets(%dma_start3A_203 : memref<128xi32, #tpu.memory_space<vmem>>) semaphore(%arg10 : memref<!tpu.dma_semaphore, #tpu.memory_space<semaphore_mem>>)
        %dma_wait3A_207 = arith.constant 0 : i32
        %dma_wait3A_208 = arith.constant 1 : i32
        %dma_wait3A_209 = arith.constant 0 : i32
        %dma_wait3A_210 = tpu.memref_slice %arg6[%dma_wait3A_207, %dma_wait3A_208, %dma_wait3A_209] : memref<1x2x128xi32, #tpu.memory_space<vmem>> -> memref<1x1x128xi32, #tpu.memory_space<vmem>>
        %dma_wait3A_211 = tpu.memref_squeeze %dma_wait3A_210 : memref<1x1x128xi32, #tpu.memory_space<vmem>> -> memref<128xi32, #tpu.memory_space<vmem>>
        %dma_wait3A_212 = arith.constant 0 : i32
        %dma_wait3A_213 = arith.constant 0 : i32
        %dma_wait3A_214 = tpu.memref_slice %arg9[%dma_wait3A_212, %dma_wait3A_213] : memref<10240x128xf32, #tpu.memory_space<vmem_shared>> -> memref<10240x128xf32, #tpu.memory_space<vmem_shared>>
        tpu.wait_indirect_dma semaphore(%arg13 : memref<!tpu.dma_semaphore, #tpu.memory_space<semaphore_mem>>) src(%arg8 : memref<128x128xf32, #tpu.memory_space<vmem>>) dst(%dma_wait3A_214 : memref<10240x128xf32, #tpu.memory_space<vmem_shared>>)
        %add3A_215 = arith.constant 3 : i32
        %add3A_216 = arith.addi %mul3A_121, %add3A_215 : i32
        %add3A_217 = arith.addi %mul3A_24, %add3A_216 : i32
        %dma_start3A_218 = arith.constant 0 : i32
        %dma_start3A_219 = arith.constant 0 : i32
        %dma_start3A_220 = tpu.memref_slice %arg3[%add3A_217, %dma_start3A_218, %dma_start3A_219] : memref<2560x2x128xi32, #tpu.memory_space<hbm>> -> memref<1x2x128xi32, #tpu.memory_space<hbm>>
        %dma_start3A_221 = arith.constant 0 : i32
        %dma_start3A_222 = arith.constant 0 : i32
        %dma_start3A_223 = tpu.memref_slice %arg3[%add3A_217, %dma_start3A_221, %dma_start3A_222] : memref<2560x2x128xi32, #tpu.memory_space<hbm>> -> memref<1x2x128xi32, #tpu.memory_space<hbm>>
        tpu.enqueue_dma source(%dma_start3A_223 : memref<1x2x128xi32, #tpu.memory_space<hbm>>) target(%arg6 : memref<1x2x128xi32, #tpu.memory_space<vmem>>) target_semaphore(%arg15 : memref<!tpu.dma_semaphore, #tpu.memory_space<semaphore_mem>>)
      }
      %dma_wait3A = arith.constant 0 : i32
      %dma_wait3A_53 = arith.constant 0 : i32
      %dma_wait3A_54 = arith.constant 0 : i32
      %dma_wait3A_55 = tpu.memref_slice %arg5[%dma_wait3A, %dma_wait3A_53, %dma_wait3A_54] : memref<1x2x128xi32, #tpu.memory_space<vmem>> -> memref<1x1x128xi32, #tpu.memory_space<vmem>>
      %dma_wait3A_56 = tpu.memref_squeeze %dma_wait3A_55 : memref<1x1x128xi32, #tpu.memory_space<vmem>> -> memref<128xi32, #tpu.memory_space<vmem>>
      %dma_wait3A_57 = arith.constant 0 : i32
      %dma_wait3A_58 = arith.constant 0 : i32
      %dma_wait3A_59 = tpu.memref_slice %arg2[%dma_wait3A_57, %dma_wait3A_58] : memref<10000x128xf32, #tpu.memory_space<hbm>> -> memref<10000x128xf32, #tpu.memory_space<hbm>>
      tpu.wait_indirect_dma semaphore(%arg10 : memref<!tpu.dma_semaphore, #tpu.memory_space<semaphore_mem>>) src(%dma_wait3A_59 : memref<10000x128xf32, #tpu.memory_space<hbm>>) dst(%arg7 : memref<128x128xf32, #tpu.memory_space<vmem>>)
      %dma_start3A_60 = arith.constant 0 : i32
      %dma_start3A_61 = arith.constant 1 : i32
      %dma_start3A_62 = arith.constant 0 : i32
      %dma_start3A_63 = tpu.memref_slice %arg5[%dma_start3A_60, %dma_start3A_61, %dma_start3A_62] : memref<1x2x128xi32, #tpu.memory_space<vmem>> -> memref<1x1x128xi32, #tpu.memory_space<vmem>>
      %dma_start3A_64 = tpu.memref_squeeze %dma_start3A_63 : memref<1x1x128xi32, #tpu.memory_space<vmem>> -> memref<128xi32, #tpu.memory_space<vmem>>
      %dma_start3A_65 = arith.constant 0 : i32
      %dma_start3A_66 = arith.constant 0 : i32
      %dma_start3A_67 = tpu.memref_slice %arg9[%dma_start3A_65, %dma_start3A_66] : memref<10240x128xf32, #tpu.memory_space<vmem_shared>> -> memref<10240x128xf32, #tpu.memory_space<vmem_shared>>
      tpu.enqueue_indirect_dma source(%arg7 : memref<128x128xf32, #tpu.memory_space<vmem>>) target(%dma_start3A_67 : memref<10240x128xf32, #tpu.memory_space<vmem_shared>>) offsets(%dma_start3A_64 : memref<128xi32, #tpu.memory_space<vmem>>) semaphore(%arg12 : memref<!tpu.dma_semaphore, #tpu.memory_space<semaphore_mem>>) {add = true}
      %add3A_68 = arith.constant 158 : i32
      %add3A_69 = arith.constant 1 : i32
      %add3A_70 = arith.addi %add3A_68, %add3A_69 : i32
      %add3A_71 = arith.addi %mul3A_24, %add3A_70 : i32
      %dma_wait3A_72 = arith.constant 0 : i32
      %dma_wait3A_73 = arith.constant 0 : i32
      %dma_wait3A_74 = tpu.memref_slice %arg3[%add3A_71, %dma_wait3A_72, %dma_wait3A_73] : memref<2560x2x128xi32, #tpu.memory_space<hbm>> -> memref<1x2x128xi32, #tpu.memory_space<hbm>>
      %dma_wait3A_75 = arith.constant 0 : i32
      %dma_wait3A_76 = arith.constant 0 : i32
      %dma_wait3A_77 = tpu.memref_slice %arg3[%add3A_71, %dma_wait3A_75, %dma_wait3A_76] : memref<2560x2x128xi32, #tpu.memory_space<hbm>> -> memref<1x2x128xi32, #tpu.memory_space<hbm>>
      tpu.wait_dma2 semaphore(%arg15 : memref<!tpu.dma_semaphore, #tpu.memory_space<semaphore_mem>>) src(%dma_wait3A_77 : memref<1x2x128xi32, #tpu.memory_space<hbm>>) dst(%arg6 : memref<1x2x128xi32, #tpu.memory_space<vmem>>)
      %dma_start3A_78 = arith.constant 0 : i32
      %dma_start3A_79 = arith.constant 0 : i32
      %dma_start3A_80 = arith.constant 0 : i32
      %dma_start3A_81 = tpu.memref_slice %arg6[%dma_start3A_78, %dma_start3A_79, %dma_start3A_80] : memref<1x2x128xi32, #tpu.memory_space<vmem>> -> memref<1x1x128xi32, #tpu.memory_space<vmem>>
      %dma_start3A_82 = tpu.memref_squeeze %dma_start3A_81 : memref<1x1x128xi32, #tpu.memory_space<vmem>> -> memref<128xi32, #tpu.memory_space<vmem>>
      %dma_start3A_83 = arith.constant 0 : i32
      %dma_start3A_84 = arith.constant 0 : i32
      %dma_start3A_85 = tpu.memref_slice %arg2[%dma_start3A_83, %dma_start3A_84] : memref<10000x128xf32, #tpu.memory_space<hbm>> -> memref<10000x128xf32, #tpu.memory_space<hbm>>
      tpu.enqueue_indirect_dma source(%dma_start3A_85 : memref<10000x128xf32, #tpu.memory_space<hbm>>) target(%arg8 : memref<128x128xf32, #tpu.memory_space<vmem>>) offsets(%dma_start3A_82 : memref<128xi32, #tpu.memory_space<vmem>>) semaphore(%arg11 : memref<!tpu.dma_semaphore, #tpu.memory_space<semaphore_mem>>)
      %dma_wait3A_86 = arith.constant 0 : i32
      %dma_wait3A_87 = arith.constant 1 : i32
      %dma_wait3A_88 = arith.constant 0 : i32
      %dma_wait3A_89 = tpu.memref_slice %arg5[%dma_wait3A_86, %dma_wait3A_87, %dma_wait3A_88] : memref<1x2x128xi32, #tpu.memory_space<vmem>> -> memref<1x1x128xi32, #tpu.memory_space<vmem>>
      %dma_wait3A_90 = tpu.memref_squeeze %dma_wait3A_89 : memref<1x1x128xi32, #tpu.memory_space<vmem>> -> memref<128xi32, #tpu.memory_space<vmem>>
      %dma_wait3A_91 = arith.constant 0 : i32
      %dma_wait3A_92 = arith.constant 0 : i32
      %dma_wait3A_93 = tpu.memref_slice %arg9[%dma_wait3A_91, %dma_wait3A_92] : memref<10240x128xf32, #tpu.memory_space<vmem_shared>> -> memref<10240x128xf32, #tpu.memory_space<vmem_shared>>
      tpu.wait_indirect_dma semaphore(%arg12 : memref<!tpu.dma_semaphore, #tpu.memory_space<semaphore_mem>>) src(%arg7 : memref<128x128xf32, #tpu.memory_space<vmem>>) dst(%dma_wait3A_93 : memref<10240x128xf32, #tpu.memory_space<vmem_shared>>)
      %dma_wait3A_94 = arith.constant 0 : i32
      %dma_wait3A_95 = arith.constant 0 : i32
      %dma_wait3A_96 = arith.constant 0 : i32
      %dma_wait3A_97 = tpu.memref_slice %arg6[%dma_wait3A_94, %dma_wait3A_95, %dma_wait3A_96] : memref<1x2x128xi32, #tpu.memory_space<vmem>> -> memref<1x1x128xi32, #tpu.memory_space<vmem>>
      %dma_wait3A_98 = tpu.memref_squeeze %dma_wait3A_97 : memref<1x1x128xi32, #tpu.memory_space<vmem>> -> memref<128xi32, #tpu.memory_space<vmem>>
      %dma_wait3A_99 = arith.constant 0 : i32
      %dma_wait3A_100 = arith.constant 0 : i32
      %dma_wait3A_101 = tpu.memref_slice %arg2[%dma_wait3A_99, %dma_wait3A_100] : memref<10000x128xf32, #tpu.memory_space<hbm>> -> memref<10000x128xf32, #tpu.memory_space<hbm>>
      tpu.wait_indirect_dma semaphore(%arg11 : memref<!tpu.dma_semaphore, #tpu.memory_space<semaphore_mem>>) src(%dma_wait3A_101 : memref<10000x128xf32, #tpu.memory_space<hbm>>) dst(%arg8 : memref<128x128xf32, #tpu.memory_space<vmem>>)
      %dma_start3A_102 = arith.constant 0 : i32
      %dma_start3A_103 = arith.constant 1 : i32
      %dma_start3A_104 = arith.constant 0 : i32
      %dma_start3A_105 = tpu.memref_slice %arg6[%dma_start3A_102, %dma_start3A_103, %dma_start3A_104] : memref<1x2x128xi32, #tpu.memory_space<vmem>> -> memref<1x1x128xi32, #tpu.memory_space<vmem>>
      %dma_start3A_106 = tpu.memref_squeeze %dma_start3A_105 : memref<1x1x128xi32, #tpu.memory_space<vmem>> -> memref<128xi32, #tpu.memory_space<vmem>>
      %dma_start3A_107 = arith.constant 0 : i32
      %dma_start3A_108 = arith.constant 0 : i32
      %dma_start3A_109 = tpu.memref_slice %arg9[%dma_start3A_107, %dma_start3A_108] : memref<10240x128xf32, #tpu.memory_space<vmem_shared>> -> memref<10240x128xf32, #tpu.memory_space<vmem_shared>>
      tpu.enqueue_indirect_dma source(%arg8 : memref<128x128xf32, #tpu.memory_space<vmem>>) target(%dma_start3A_109 : memref<10240x128xf32, #tpu.memory_space<vmem_shared>>) offsets(%dma_start3A_106 : memref<128xi32, #tpu.memory_space<vmem>>) semaphore(%arg13 : memref<!tpu.dma_semaphore, #tpu.memory_space<semaphore_mem>>) {add = true}
      %dma_wait3A_110 = arith.constant 0 : i32
      %dma_wait3A_111 = arith.constant 1 : i32
      %dma_wait3A_112 = arith.constant 0 : i32
      %dma_wait3A_113 = tpu.memref_slice %arg6[%dma_wait3A_110, %dma_wait3A_111, %dma_wait3A_112] : memref<1x2x128xi32, #tpu.memory_space<vmem>> -> memref<1x1x128xi32, #tpu.memory_space<vmem>>
      %dma_wait3A_114 = tpu.memref_squeeze %dma_wait3A_113 : memref<1x1x128xi32, #tpu.memory_space<vmem>> -> memref<128xi32, #tpu.memory_space<vmem>>
      %dma_wait3A_115 = arith.constant 0 : i32
      %dma_wait3A_116 = arith.constant 0 : i32
      %dma_wait3A_117 = tpu.memref_slice %arg9[%dma_wait3A_115, %dma_wait3A_116] : memref<10240x128xf32, #tpu.memory_space<vmem_shared>> -> memref<10240x128xf32, #tpu.memory_space<vmem_shared>>
      tpu.wait_indirect_dma semaphore(%arg13 : memref<!tpu.dma_semaphore, #tpu.memory_space<semaphore_mem>>) src(%arg8 : memref<128x128xf32, #tpu.memory_space<vmem>>) dst(%dma_wait3A_117 : memref<10240x128xf32, #tpu.memory_space<vmem_shared>>)
      %barrier3A_118 = arith.constant 0 : index
      tpu.barrier barrier_id(%barrier3A_118)
      "tpu.region"() ({
        %run_scoped3A = tpu.sem_alloc : memref<!tpu.dma_semaphore, #tpu.memory_space<semaphore_mem>>
        %dma_start3A_119 = arith.constant 0 : i32
        %dma_start3A_120 = tpu.memref_slice %arg4[%mul3A_0, %dma_start3A_119] : memref<10240x128xf32, #tpu.memory_space<hbm>> -> memref<640x128xf32, #tpu.memory_space<hbm>>
        %dma_start3A_121 = arith.constant 0 : i32
        %dma_start3A_122 = tpu.memref_slice %arg9[%mul3A_0, %dma_start3A_121] : memref<10240x128xf32, #tpu.memory_space<vmem_shared>> -> memref<640x128xf32, #tpu.memory_space<vmem_shared>>
        tpu.enqueue_dma source(%dma_start3A_122 : memref<640x128xf32, #tpu.memory_space<vmem_shared>>) target(%dma_start3A_120 : memref<640x128xf32, #tpu.memory_space<hbm>>) target_semaphore(%run_scoped3A : memref<!tpu.dma_semaphore, #tpu.memory_space<semaphore_mem>>)
        %dma_wait3A_123 = arith.constant 0 : i32
        %dma_wait3A_124 = tpu.memref_slice %arg4[%mul3A_0, %dma_wait3A_123] : memref<10240x128xf32, #tpu.memory_space<hbm>> -> memref<640x128xf32, #tpu.memory_space<hbm>>
        %dma_wait3A_125 = arith.constant 0 : i32
        %dma_wait3A_126 = tpu.memref_slice %arg9[%mul3A_0, %dma_wait3A_125] : memref<10240x128xf32, #tpu.memory_space<vmem_shared>> -> memref<640x128xf32, #tpu.memory_space<vmem_shared>>
        tpu.wait_dma2 semaphore(%run_scoped3A : memref<!tpu.dma_semaphore, #tpu.memory_space<semaphore_mem>>) src(%dma_wait3A_126 : memref<640x128xf32, #tpu.memory_space<vmem_shared>>) dst(%dma_wait3A_124 : memref<640x128xf32, #tpu.memory_space<hbm>>)
        tpu.yield
      }) : () -> ()
    } else {
    }
    return
  }
}

#map = affine_map<(d0, d1) -> (0, 0)>
#map1 = affine_map<(d0, d1) -> (0, 0, 0)>
module attributes {stable_mosaic.version = 14 : i64} {
  func.func @sc_agg(%arg0: i32, %arg1: i32, %arg2: memref<10000x128xf32, #tpu.memory_space<hbm>>, %arg3: memref<2560x2x128xi32, #tpu.memory_space<hbm>>, %arg4: memref<10240x128xf32, #tpu.memory_space<hbm>>, %arg5: memref<1x2x128xi32, #tpu.memory_space<vmem>>, %arg6: memref<1x2x128xi32, #tpu.memory_space<vmem>>, %arg7: memref<128x128xf32, #tpu.memory_space<vmem>>, %arg8: memref<128x128xf32, #tpu.memory_space<vmem>>, %arg9: memref<10240x128xf32, #tpu.memory_space<vmem_shared>>, %arg10: memref<!tpu.dma_semaphore, #tpu.memory_space<semaphore_mem>>, %arg11: memref<!tpu.dma_semaphore, #tpu.memory_space<semaphore_mem>>, %arg12: memref<!tpu.dma_semaphore, #tpu.memory_space<semaphore_mem>>, %arg13: memref<!tpu.dma_semaphore, #tpu.memory_space<semaphore_mem>>, %arg14: memref<!tpu.dma_semaphore, #tpu.memory_space<semaphore_mem>>, %arg15: memref<!tpu.dma_semaphore, #tpu.memory_space<semaphore_mem>>) attributes {dimension_semantics = [#tpu.dimension_semantics<core_parallel>, #tpu.dimension_semantics<subcore_parallel>], iteration_bounds = array<i64: 2, 16>, scalar_prefetch = 0 : i64, scratch_operands = 11 : i64, tpu.core_type = #tpu.core_type<sc_vector_subcore>, window_params = [{transform_indices = #map}, {transform_indices = #map1}, {transform_indices = #map}]} {
    %mul3A = arith.constant 640 : i32
    %mul3A_0 = arith.muli %arg1, %mul3A : i32
    %eq3A = arith.constant 0 : i32
    %eq3A_1 = arith.cmpi eq, %arg0, %eq3A : i32
    %convert_element_type3A = arith.extui %eq3A_1 : i1 to i32
    %cond3A = arith.constant 0 : i32
    %cond3A_2 = arith.cmpi ne, %convert_element_type3A, %cond3A : i32
    scf.if %cond3A_2 {
      %broadcast_in_dim3A = arith.constant 0.000000e+00 : f32
      %broadcast_in_dim3A_3 = vector.broadcast %broadcast_in_dim3A : f32 to vector<16xf32>
      %while3A = arith.constant 0 : i32
      %while3A_4 = arith.constant 0 : i32
      %while3A_5 = arith.constant 128 : i32
      %while3A_6 = arith.subi %while3A_5, %while3A_4 : i32
      %while3A_7 = arith.addi %while3A_4, %while3A_6 : i32
      %while3A_8 = arith.constant 1 : i32
      %while3A_9 = arith.divsi %while3A_6, %while3A_8 : i32
      %while3A_10 = arith.muli %while3A_9, %while3A_8 : i32
      %while3A_11 = arith.addi %while3A_4, %while3A_10 : i32
      %while3A_12 = arith.constant 1 : i32
      scf.for %while3A_119 = %while3A_4 to %while3A_11 step %while3A_12  : i32 {
        %swap3A = arith.constant 0 : i32
        %swap3A_120 = arith.index_cast %while3A_119 : i32 to index
        %swap3A_121 = arith.index_cast %swap3A : i32 to index
        %swap3A_122 = tpu.vector_load %arg7[%swap3A_120, %swap3A_121] {strides = array<i32>} : memref<128x128xf32, #tpu.memory_space<vmem>>, vector<1x16xf32>,
        %swap3A_123 = vector.shape_cast %swap3A_122 : vector<1x16xf32> to vector<16xf32>
        %swap3A_124 = vector.shape_cast %broadcast_in_dim3A_3 : vector<16xf32> to vector<1x16xf32>
        tpu.vector_store %arg7[%swap3A_120, %swap3A_121], %swap3A_124 {strides = array<i32>} : memref<128x128xf32, #tpu.memory_space<vmem>>, vector<1x16xf32>,
        %swap3A_125 = arith.constant 16 : i32
        %swap3A_126 = arith.index_cast %while3A_119 : i32 to index
        %swap3A_127 = arith.index_cast %swap3A_125 : i32 to index
        %swap3A_128 = tpu.vector_load %arg7[%swap3A_126, %swap3A_127] {strides = array<i32>} : memref<128x128xf32, #tpu.memory_space<vmem>>, vector<1x16xf32>,
        %swap3A_129 = vector.shape_cast %swap3A_128 : vector<1x16xf32> to vector<16xf32>
        %swap3A_130 = vector.shape_cast %broadcast_in_dim3A_3 : vector<16xf32> to vector<1x16xf32>
        tpu.vector_store %arg7[%swap3A_126, %swap3A_127], %swap3A_130 {strides = array<i32>} : memref<128x128xf32, #tpu.memory_space<vmem>>, vector<1x16xf32>,
        %swap3A_131 = arith.constant 32 : i32
        %swap3A_132 = arith.index_cast %while3A_119 : i32 to index
        %swap3A_133 = arith.index_cast %swap3A_131 : i32 to index
        %swap3A_134 = tpu.vector_load %arg7[%swap3A_132, %swap3A_133] {strides = array<i32>} : memref<128x128xf32, #tpu.memory_space<vmem>>, vector<1x16xf32>,
        %swap3A_135 = vector.shape_cast %swap3A_134 : vector<1x16xf32> to vector<16xf32>
        %swap3A_136 = vector.shape_cast %broadcast_in_dim3A_3 : vector<16xf32> to vector<1x16xf32>
        tpu.vector_store %arg7[%swap3A_132, %swap3A_133], %swap3A_136 {strides = array<i32>} : memref<128x128xf32, #tpu.memory_space<vmem>>, vector<1x16xf32>,
        %swap3A_137 = arith.constant 48 : i32
        %swap3A_138 = arith.index_cast %while3A_119 : i32 to index
        %swap3A_139 = arith.index_cast %swap3A_137 : i32 to index
        %swap3A_140 = tpu.vector_load %arg7[%swap3A_138, %swap3A_139] {strides = array<i32>} : memref<128x128xf32, #tpu.memory_space<vmem>>, vector<1x16xf32>,
        %swap3A_141 = vector.shape_cast %swap3A_140 : vector<1x16xf32> to vector<16xf32>
        %swap3A_142 = vector.shape_cast %broadcast_in_dim3A_3 : vector<16xf32> to vector<1x16xf32>
        tpu.vector_store %arg7[%swap3A_138, %swap3A_139], %swap3A_142 {strides = array<i32>} : memref<128x128xf32, #tpu.memory_space<vmem>>, vector<1x16xf32>,
        %swap3A_143 = arith.constant 64 : i32
        %swap3A_144 = arith.index_cast %while3A_119 : i32 to index
        %swap3A_145 = arith.index_cast %swap3A_143 : i32 to index
        %swap3A_146 = tpu.vector_load %arg7[%swap3A_144, %swap3A_145] {strides = array<i32>} : memref<128x128xf32, #tpu.memory_space<vmem>>, vector<1x16xf32>,
        %swap3A_147 = vector.shape_cast %swap3A_146 : vector<1x16xf32> to vector<16xf32>
        %swap3A_148 = vector.shape_cast %broadcast_in_dim3A_3 : vector<16xf32> to vector<1x16xf32>
        tpu.vector_store %arg7[%swap3A_144, %swap3A_145], %swap3A_148 {strides = array<i32>} : memref<128x128xf32, #tpu.memory_space<vmem>>, vector<1x16xf32>,
        %swap3A_149 = arith.constant 80 : i32
        %swap3A_150 = arith.index_cast %while3A_119 : i32 to index
        %swap3A_151 = arith.index_cast %swap3A_149 : i32 to index
        %swap3A_152 = tpu.vector_load %arg7[%swap3A_150, %swap3A_151] {strides = array<i32>} : memref<128x128xf32, #tpu.memory_space<vmem>>, vector<1x16xf32>,
        %swap3A_153 = vector.shape_cast %swap3A_152 : vector<1x16xf32> to vector<16xf32>
        %swap3A_154 = vector.shape_cast %broadcast_in_dim3A_3 : vector<16xf32> to vector<1x16xf32>
        tpu.vector_store %arg7[%swap3A_150, %swap3A_151], %swap3A_154 {strides = array<i32>} : memref<128x128xf32, #tpu.memory_space<vmem>>, vector<1x16xf32>,
        %swap3A_155 = arith.constant 96 : i32
        %swap3A_156 = arith.index_cast %while3A_119 : i32 to index
        %swap3A_157 = arith.index_cast %swap3A_155 : i32 to index
        %swap3A_158 = tpu.vector_load %arg7[%swap3A_156, %swap3A_157] {strides = array<i32>} : memref<128x128xf32, #tpu.memory_space<vmem>>, vector<1x16xf32>,
        %swap3A_159 = vector.shape_cast %swap3A_158 : vector<1x16xf32> to vector<16xf32>
        %swap3A_160 = vector.shape_cast %broadcast_in_dim3A_3 : vector<16xf32> to vector<1x16xf32>
        tpu.vector_store %arg7[%swap3A_156, %swap3A_157], %swap3A_160 {strides = array<i32>} : memref<128x128xf32, #tpu.memory_space<vmem>>, vector<1x16xf32>,
        %swap3A_161 = arith.constant 112 : i32
        %swap3A_162 = arith.index_cast %while3A_119 : i32 to index
        %swap3A_163 = arith.index_cast %swap3A_161 : i32 to index
        %swap3A_164 = tpu.vector_load %arg7[%swap3A_162, %swap3A_163] {strides = array<i32>} : memref<128x128xf32, #tpu.memory_space<vmem>>, vector<1x16xf32>,
        %swap3A_165 = vector.shape_cast %swap3A_164 : vector<1x16xf32> to vector<16xf32>
        %swap3A_166 = vector.shape_cast %broadcast_in_dim3A_3 : vector<16xf32> to vector<1x16xf32>
        tpu.vector_store %arg7[%swap3A_162, %swap3A_163], %swap3A_166 {strides = array<i32>} : memref<128x128xf32, #tpu.memory_space<vmem>>, vector<1x16xf32>,
      }
      %while3A_13 = arith.constant 1 : i32
      scf.for %while3A_119 = %while3A_11 to %while3A_7 step %while3A_13  : i32 {
        %swap3A = arith.constant 0 : i32
        %swap3A_120 = arith.index_cast %while3A_119 : i32 to index
        %swap3A_121 = arith.index_cast %swap3A : i32 to index
        %swap3A_122 = tpu.vector_load %arg7[%swap3A_120, %swap3A_121] {strides = array<i32>} : memref<128x128xf32, #tpu.memory_space<vmem>>, vector<1x16xf32>,
        %swap3A_123 = vector.shape_cast %swap3A_122 : vector<1x16xf32> to vector<16xf32>
        %swap3A_124 = vector.shape_cast %broadcast_in_dim3A_3 : vector<16xf32> to vector<1x16xf32>
        tpu.vector_store %arg7[%swap3A_120, %swap3A_121], %swap3A_124 {strides = array<i32>} : memref<128x128xf32, #tpu.memory_space<vmem>>, vector<1x16xf32>,
        %swap3A_125 = arith.constant 16 : i32
        %swap3A_126 = arith.index_cast %while3A_119 : i32 to index
        %swap3A_127 = arith.index_cast %swap3A_125 : i32 to index
        %swap3A_128 = tpu.vector_load %arg7[%swap3A_126, %swap3A_127] {strides = array<i32>} : memref<128x128xf32, #tpu.memory_space<vmem>>, vector<1x16xf32>,
        %swap3A_129 = vector.shape_cast %swap3A_128 : vector<1x16xf32> to vector<16xf32>
        %swap3A_130 = vector.shape_cast %broadcast_in_dim3A_3 : vector<16xf32> to vector<1x16xf32>
        tpu.vector_store %arg7[%swap3A_126, %swap3A_127], %swap3A_130 {strides = array<i32>} : memref<128x128xf32, #tpu.memory_space<vmem>>, vector<1x16xf32>,
        %swap3A_131 = arith.constant 32 : i32
        %swap3A_132 = arith.index_cast %while3A_119 : i32 to index
        %swap3A_133 = arith.index_cast %swap3A_131 : i32 to index
        %swap3A_134 = tpu.vector_load %arg7[%swap3A_132, %swap3A_133] {strides = array<i32>} : memref<128x128xf32, #tpu.memory_space<vmem>>, vector<1x16xf32>,
        %swap3A_135 = vector.shape_cast %swap3A_134 : vector<1x16xf32> to vector<16xf32>
        %swap3A_136 = vector.shape_cast %broadcast_in_dim3A_3 : vector<16xf32> to vector<1x16xf32>
        tpu.vector_store %arg7[%swap3A_132, %swap3A_133], %swap3A_136 {strides = array<i32>} : memref<128x128xf32, #tpu.memory_space<vmem>>, vector<1x16xf32>,
        %swap3A_137 = arith.constant 48 : i32
        %swap3A_138 = arith.index_cast %while3A_119 : i32 to index
        %swap3A_139 = arith.index_cast %swap3A_137 : i32 to index
        %swap3A_140 = tpu.vector_load %arg7[%swap3A_138, %swap3A_139] {strides = array<i32>} : memref<128x128xf32, #tpu.memory_space<vmem>>, vector<1x16xf32>,
        %swap3A_141 = vector.shape_cast %swap3A_140 : vector<1x16xf32> to vector<16xf32>
        %swap3A_142 = vector.shape_cast %broadcast_in_dim3A_3 : vector<16xf32> to vector<1x16xf32>
        tpu.vector_store %arg7[%swap3A_138, %swap3A_139], %swap3A_142 {strides = array<i32>} : memref<128x128xf32, #tpu.memory_space<vmem>>, vector<1x16xf32>,
        %swap3A_143 = arith.constant 64 : i32
        %swap3A_144 = arith.index_cast %while3A_119 : i32 to index
        %swap3A_145 = arith.index_cast %swap3A_143 : i32 to index
        %swap3A_146 = tpu.vector_load %arg7[%swap3A_144, %swap3A_145] {strides = array<i32>} : memref<128x128xf32, #tpu.memory_space<vmem>>, vector<1x16xf32>,
        %swap3A_147 = vector.shape_cast %swap3A_146 : vector<1x16xf32> to vector<16xf32>
        %swap3A_148 = vector.shape_cast %broadcast_in_dim3A_3 : vector<16xf32> to vector<1x16xf32>
        tpu.vector_store %arg7[%swap3A_144, %swap3A_145], %swap3A_148 {strides = array<i32>} : memref<128x128xf32, #tpu.memory_space<vmem>>, vector<1x16xf32>,
        %swap3A_149 = arith.constant 80 : i32
        %swap3A_150 = arith.index_cast %while3A_119 : i32 to index
        %swap3A_151 = arith.index_cast %swap3A_149 : i32 to index
        %swap3A_152 = tpu.vector_load %arg7[%swap3A_150, %swap3A_151] {strides = array<i32>} : memref<128x128xf32, #tpu.memory_space<vmem>>, vector<1x16xf32>,
        %swap3A_153 = vector.shape_cast %swap3A_152 : vector<1x16xf32> to vector<16xf32>
        %swap3A_154 = vector.shape_cast %broadcast_in_dim3A_3 : vector<16xf32> to vector<1x16xf32>
        tpu.vector_store %arg7[%swap3A_150, %swap3A_151], %swap3A_154 {strides = array<i32>} : memref<128x128xf32, #tpu.memory_space<vmem>>, vector<1x16xf32>,
        %swap3A_155 = arith.constant 96 : i32
        %swap3A_156 = arith.index_cast %while3A_119 : i32 to index
        %swap3A_157 = arith.index_cast %swap3A_155 : i32 to index
        %swap3A_158 = tpu.vector_load %arg7[%swap3A_156, %swap3A_157] {strides = array<i32>} : memref<128x128xf32, #tpu.memory_space<vmem>>, vector<1x16xf32>,
        %swap3A_159 = vector.shape_cast %swap3A_158 : vector<1x16xf32> to vector<16xf32>
        %swap3A_160 = vector.shape_cast %broadcast_in_dim3A_3 : vector<16xf32> to vector<1x16xf32>
        tpu.vector_store %arg7[%swap3A_156, %swap3A_157], %swap3A_160 {strides = array<i32>} : memref<128x128xf32, #tpu.memory_space<vmem>>, vector<1x16xf32>,
        %swap3A_161 = arith.constant 112 : i32
        %swap3A_162 = arith.index_cast %while3A_119 : i32 to index
        %swap3A_163 = arith.index_cast %swap3A_161 : i32 to index
        %swap3A_164 = tpu.vector_load %arg7[%swap3A_162, %swap3A_163] {strides = array<i32>} : memref<128x128xf32, #tpu.memory_space<vmem>>, vector<1x16xf32>,
        %swap3A_165 = vector.shape_cast %swap3A_164 : vector<1x16xf32> to vector<16xf32>
        %swap3A_166 = vector.shape_cast %broadcast_in_dim3A_3 : vector<16xf32> to vector<1x16xf32>
        tpu.vector_store %arg7[%swap3A_162, %swap3A_163], %swap3A_166 {strides = array<i32>} : memref<128x128xf32, #tpu.memory_space<vmem>>, vector<1x16xf32>,
      }
      %add3A = arith.constant 0 : i32
      %add3A_14 = arith.addi %mul3A_0, %add3A : i32
      "tpu.region"() ({
        %run_scoped3A = tpu.sem_alloc : memref<!tpu.dma_semaphore, #tpu.memory_space<semaphore_mem>>
        %dma_start3A_119 = arith.constant 0 : i32
        %dma_start3A_120 = tpu.memref_slice %arg9[%add3A_14, %dma_start3A_119] : memref<10240x128xf32, #tpu.memory_space<vmem_shared>> -> memref<128x128xf32, #tpu.memory_space<vmem_shared>>
        %dma_start3A_121 = arith.constant 0 : i32
        %dma_start3A_122 = tpu.memref_slice %arg9[%add3A_14, %dma_start3A_121] : memref<10240x128xf32, #tpu.memory_space<vmem_shared>> -> memref<128x128xf32, #tpu.memory_space<vmem_shared>>
        tpu.enqueue_dma source(%arg7 : memref<128x128xf32, #tpu.memory_space<vmem>>) target(%dma_start3A_122 : memref<128x128xf32, #tpu.memory_space<vmem_shared>>) target_semaphore(%run_scoped3A : memref<!tpu.dma_semaphore, #tpu.memory_space<semaphore_mem>>)
        %dma_wait3A_123 = arith.constant 0 : i32
        %dma_wait3A_124 = tpu.memref_slice %arg9[%add3A_14, %dma_wait3A_123] : memref<10240x128xf32, #tpu.memory_space<vmem_shared>> -> memref<128x128xf32, #tpu.memory_space<vmem_shared>>
        %dma_wait3A_125 = arith.constant 0 : i32
        %dma_wait3A_126 = tpu.memref_slice %arg9[%add3A_14, %dma_wait3A_125] : memref<10240x128xf32, #tpu.memory_space<vmem_shared>> -> memref<128x128xf32, #tpu.memory_space<vmem_shared>>
        tpu.wait_dma2 semaphore(%run_scoped3A : memref<!tpu.dma_semaphore, #tpu.memory_space<semaphore_mem>>) src(%arg7 : memref<128x128xf32, #tpu.memory_space<vmem>>) dst(%dma_wait3A_126 : memref<128x128xf32, #tpu.memory_space<vmem_shared>>)
        tpu.yield
      }) : () -> ()
      %add3A_15 = arith.constant 128 : i32
      %add3A_16 = arith.addi %mul3A_0, %add3A_15 : i32
      "tpu.region"() ({
        %run_scoped3A = tpu.sem_alloc : memref<!tpu.dma_semaphore, #tpu.memory_space<semaphore_mem>>
        %dma_start3A_119 = arith.constant 0 : i32
        %dma_start3A_120 = tpu.memref_slice %arg9[%add3A_16, %dma_start3A_119] : memref<10240x128xf32, #tpu.memory_space<vmem_shared>> -> memref<128x128xf32, #tpu.memory_space<vmem_shared>>
        %dma_start3A_121 = arith.constant 0 : i32
        %dma_start3A_122 = tpu.memref_slice %arg9[%add3A_16, %dma_start3A_121] : memref<10240x128xf32, #tpu.memory_space<vmem_shared>> -> memref<128x128xf32, #tpu.memory_space<vmem_shared>>
        tpu.enqueue_dma source(%arg7 : memref<128x128xf32, #tpu.memory_space<vmem>>) target(%dma_start3A_122 : memref<128x128xf32, #tpu.memory_space<vmem_shared>>) target_semaphore(%run_scoped3A : memref<!tpu.dma_semaphore, #tpu.memory_space<semaphore_mem>>)
        %dma_wait3A_123 = arith.constant 0 : i32
        %dma_wait3A_124 = tpu.memref_slice %arg9[%add3A_16, %dma_wait3A_123] : memref<10240x128xf32, #tpu.memory_space<vmem_shared>> -> memref<128x128xf32, #tpu.memory_space<vmem_shared>>
        %dma_wait3A_125 = arith.constant 0 : i32
        %dma_wait3A_126 = tpu.memref_slice %arg9[%add3A_16, %dma_wait3A_125] : memref<10240x128xf32, #tpu.memory_space<vmem_shared>> -> memref<128x128xf32, #tpu.memory_space<vmem_shared>>
        tpu.wait_dma2 semaphore(%run_scoped3A : memref<!tpu.dma_semaphore, #tpu.memory_space<semaphore_mem>>) src(%arg7 : memref<128x128xf32, #tpu.memory_space<vmem>>) dst(%dma_wait3A_126 : memref<128x128xf32, #tpu.memory_space<vmem_shared>>)
        tpu.yield
      }) : () -> ()
      %add3A_17 = arith.constant 256 : i32
      %add3A_18 = arith.addi %mul3A_0, %add3A_17 : i32
      "tpu.region"() ({
        %run_scoped3A = tpu.sem_alloc : memref<!tpu.dma_semaphore, #tpu.memory_space<semaphore_mem>>
        %dma_start3A_119 = arith.constant 0 : i32
        %dma_start3A_120 = tpu.memref_slice %arg9[%add3A_18, %dma_start3A_119] : memref<10240x128xf32, #tpu.memory_space<vmem_shared>> -> memref<128x128xf32, #tpu.memory_space<vmem_shared>>
        %dma_start3A_121 = arith.constant 0 : i32
        %dma_start3A_122 = tpu.memref_slice %arg9[%add3A_18, %dma_start3A_121] : memref<10240x128xf32, #tpu.memory_space<vmem_shared>> -> memref<128x128xf32, #tpu.memory_space<vmem_shared>>
        tpu.enqueue_dma source(%arg7 : memref<128x128xf32, #tpu.memory_space<vmem>>) target(%dma_start3A_122 : memref<128x128xf32, #tpu.memory_space<vmem_shared>>) target_semaphore(%run_scoped3A : memref<!tpu.dma_semaphore, #tpu.memory_space<semaphore_mem>>)
        %dma_wait3A_123 = arith.constant 0 : i32
        %dma_wait3A_124 = tpu.memref_slice %arg9[%add3A_18, %dma_wait3A_123] : memref<10240x128xf32, #tpu.memory_space<vmem_shared>> -> memref<128x128xf32, #tpu.memory_space<vmem_shared>>
        %dma_wait3A_125 = arith.constant 0 : i32
        %dma_wait3A_126 = tpu.memref_slice %arg9[%add3A_18, %dma_wait3A_125] : memref<10240x128xf32, #tpu.memory_space<vmem_shared>> -> memref<128x128xf32, #tpu.memory_space<vmem_shared>>
        tpu.wait_dma2 semaphore(%run_scoped3A : memref<!tpu.dma_semaphore, #tpu.memory_space<semaphore_mem>>) src(%arg7 : memref<128x128xf32, #tpu.memory_space<vmem>>) dst(%dma_wait3A_126 : memref<128x128xf32, #tpu.memory_space<vmem_shared>>)
        tpu.yield
      }) : () -> ()
      %add3A_19 = arith.constant 384 : i32
      %add3A_20 = arith.addi %mul3A_0, %add3A_19 : i32
      "tpu.region"() ({
        %run_scoped3A = tpu.sem_alloc : memref<!tpu.dma_semaphore, #tpu.memory_space<semaphore_mem>>
        %dma_start3A_119 = arith.constant 0 : i32
        %dma_start3A_120 = tpu.memref_slice %arg9[%add3A_20, %dma_start3A_119] : memref<10240x128xf32, #tpu.memory_space<vmem_shared>> -> memref<128x128xf32, #tpu.memory_space<vmem_shared>>
        %dma_start3A_121 = arith.constant 0 : i32
        %dma_start3A_122 = tpu.memref_slice %arg9[%add3A_20, %dma_start3A_121] : memref<10240x128xf32, #tpu.memory_space<vmem_shared>> -> memref<128x128xf32, #tpu.memory_space<vmem_shared>>
        tpu.enqueue_dma source(%arg7 : memref<128x128xf32, #tpu.memory_space<vmem>>) target(%dma_start3A_122 : memref<128x128xf32, #tpu.memory_space<vmem_shared>>) target_semaphore(%run_scoped3A : memref<!tpu.dma_semaphore, #tpu.memory_space<semaphore_mem>>)
        %dma_wait3A_123 = arith.constant 0 : i32
        %dma_wait3A_124 = tpu.memref_slice %arg9[%add3A_20, %dma_wait3A_123] : memref<10240x128xf32, #tpu.memory_space<vmem_shared>> -> memref<128x128xf32, #tpu.memory_space<vmem_shared>>
        %dma_wait3A_125 = arith.constant 0 : i32
        %dma_wait3A_126 = tpu.memref_slice %arg9[%add3A_20, %dma_wait3A_125] : memref<10240x128xf32, #tpu.memory_space<vmem_shared>> -> memref<128x128xf32, #tpu.memory_space<vmem_shared>>
        tpu.wait_dma2 semaphore(%run_scoped3A : memref<!tpu.dma_semaphore, #tpu.memory_space<semaphore_mem>>) src(%arg7 : memref<128x128xf32, #tpu.memory_space<vmem>>) dst(%dma_wait3A_126 : memref<128x128xf32, #tpu.memory_space<vmem_shared>>)
        tpu.yield
      }) : () -> ()
      %add3A_21 = arith.constant 512 : i32
      %add3A_22 = arith.addi %mul3A_0, %add3A_21 : i32
      "tpu.region"() ({
        %run_scoped3A = tpu.sem_alloc : memref<!tpu.dma_semaphore, #tpu.memory_space<semaphore_mem>>
        %dma_start3A_119 = arith.constant 0 : i32
        %dma_start3A_120 = tpu.memref_slice %arg9[%add3A_22, %dma_start3A_119] : memref<10240x128xf32, #tpu.memory_space<vmem_shared>> -> memref<128x128xf32, #tpu.memory_space<vmem_shared>>
        %dma_start3A_121 = arith.constant 0 : i32
        %dma_start3A_122 = tpu.memref_slice %arg9[%add3A_22, %dma_start3A_121] : memref<10240x128xf32, #tpu.memory_space<vmem_shared>> -> memref<128x128xf32, #tpu.memory_space<vmem_shared>>
        tpu.enqueue_dma source(%arg7 : memref<128x128xf32, #tpu.memory_space<vmem>>) target(%dma_start3A_122 : memref<128x128xf32, #tpu.memory_space<vmem_shared>>) target_semaphore(%run_scoped3A : memref<!tpu.dma_semaphore, #tpu.memory_space<semaphore_mem>>)
        %dma_wait3A_123 = arith.constant 0 : i32
        %dma_wait3A_124 = tpu.memref_slice %arg9[%add3A_22, %dma_wait3A_123] : memref<10240x128xf32, #tpu.memory_space<vmem_shared>> -> memref<128x128xf32, #tpu.memory_space<vmem_shared>>
        %dma_wait3A_125 = arith.constant 0 : i32
        %dma_wait3A_126 = tpu.memref_slice %arg9[%add3A_22, %dma_wait3A_125] : memref<10240x128xf32, #tpu.memory_space<vmem_shared>> -> memref<128x128xf32, #tpu.memory_space<vmem_shared>>
        tpu.wait_dma2 semaphore(%run_scoped3A : memref<!tpu.dma_semaphore, #tpu.memory_space<semaphore_mem>>) src(%arg7 : memref<128x128xf32, #tpu.memory_space<vmem>>) dst(%dma_wait3A_126 : memref<128x128xf32, #tpu.memory_space<vmem_shared>>)
        tpu.yield
      }) : () -> ()
      %barrier3A = arith.constant 0 : index
      tpu.barrier barrier_id(%barrier3A)
      %mul3A_23 = arith.constant 160 : i32
      %mul3A_24 = arith.muli %arg1, %mul3A_23 : i32
      %add3A_25 = arith.constant 0 : i32
      %add3A_26 = arith.addi %mul3A_24, %add3A_25 : i32
      "tpu.region"() ({
        %run_scoped3A = tpu.sem_alloc : memref<!tpu.dma_semaphore, #tpu.memory_space<semaphore_mem>>
        %dma_start3A_119 = arith.constant 0 : i32
        %dma_start3A_120 = arith.constant 0 : i32
        %dma_start3A_121 = tpu.memref_slice %arg3[%add3A_26, %dma_start3A_119, %dma_start3A_120] : memref<2560x2x128xi32, #tpu.memory_space<hbm>> -> memref<1x2x128xi32, #tpu.memory_space<hbm>>
        %dma_start3A_122 = arith.constant 0 : i32
        %dma_start3A_123 = arith.constant 0 : i32
        %dma_start3A_124 = tpu.memref_slice %arg3[%add3A_26, %dma_start3A_122, %dma_start3A_123] : memref<2560x2x128xi32, #tpu.memory_space<hbm>> -> memref<1x2x128xi32, #tpu.memory_space<hbm>>
        tpu.enqueue_dma source(%dma_start3A_124 : memref<1x2x128xi32, #tpu.memory_space<hbm>>) target(%arg5 : memref<1x2x128xi32, #tpu.memory_space<vmem>>) target_semaphore(%run_scoped3A : memref<!tpu.dma_semaphore, #tpu.memory_space<semaphore_mem>>)
        %dma_wait3A_125 = arith.constant 0 : i32
        %dma_wait3A_126 = arith.constant 0 : i32
        %dma_wait3A_127 = tpu.memref_slice %arg3[%add3A_26, %dma_wait3A_125, %dma_wait3A_126] : memref<2560x2x128xi32, #tpu.memory_space<hbm>> -> memref<1x2x128xi32, #tpu.memory_space<hbm>>
        %dma_wait3A_128 = arith.constant 0 : i32
        %dma_wait3A_129 = arith.constant 0 : i32
        %dma_wait3A_130 = tpu.memref_slice %arg3[%add3A_26, %dma_wait3A_128, %dma_wait3A_129] : memref<2560x2x128xi32, #tpu.memory_space<hbm>> -> memref<1x2x128xi32, #tpu.memory_space<hbm>>
        tpu.wait_dma2 semaphore(%run_scoped3A : memref<!tpu.dma_semaphore, #tpu.memory_space<semaphore_mem>>) src(%dma_wait3A_130 : memref<1x2x128xi32, #tpu.memory_space<hbm>>) dst(%arg5 : memref<1x2x128xi32, #tpu.memory_space<vmem>>)
        tpu.yield
      }) : () -> ()
      %add3A_27 = arith.constant 1 : i32
      %add3A_28 = arith.addi %mul3A_24, %add3A_27 : i32
      %dma_start3A = arith.constant 0 : i32
      %dma_start3A_29 = arith.constant 0 : i32
      %dma_start3A_30 = tpu.memref_slice %arg3[%add3A_28, %dma_start3A, %dma_start3A_29] : memref<2560x2x128xi32, #tpu.memory_space<hbm>> -> memref<1x2x128xi32, #tpu.memory_space<hbm>>
      %dma_start3A_31 = arith.constant 0 : i32
      %dma_start3A_32 = arith.constant 0 : i32
      %dma_start3A_33 = tpu.memref_slice %arg3[%add3A_28, %dma_start3A_31, %dma_start3A_32] : memref<2560x2x128xi32, #tpu.memory_space<hbm>> -> memref<1x2x128xi32, #tpu.memory_space<hbm>>
      tpu.enqueue_dma source(%dma_start3A_33 : memref<1x2x128xi32, #tpu.memory_space<hbm>>) target(%arg6 : memref<1x2x128xi32, #tpu.memory_space<vmem>>) target_semaphore(%arg15 : memref<!tpu.dma_semaphore, #tpu.memory_space<semaphore_mem>>)
      %dma_start3A_34 = arith.constant 0 : i32
      %dma_start3A_35 = arith.constant 0 : i32
      %dma_start3A_36 = arith.constant 0 : i32
      %dma_start3A_37 = tpu.memref_slice %arg5[%dma_start3A_34, %dma_start3A_35, %dma_start3A_36] : memref<1x2x128xi32, #tpu.memory_space<vmem>> -> memref<1x1x128xi32, #tpu.memory_space<vmem>>
      %dma_start3A_38 = tpu.memref_squeeze %dma_start3A_37 : memref<1x1x128xi32, #tpu.memory_space<vmem>> -> memref<128xi32, #tpu.memory_space<vmem>>
      %dma_start3A_39 = arith.constant 0 : i32
      %dma_start3A_40 = arith.constant 0 : i32
      %dma_start3A_41 = tpu.memref_slice %arg2[%dma_start3A_39, %dma_start3A_40] : memref<10000x128xf32, #tpu.memory_space<hbm>> -> memref<10000x128xf32, #tpu.memory_space<hbm>>
      tpu.enqueue_indirect_dma source(%dma_start3A_41 : memref<10000x128xf32, #tpu.memory_space<hbm>>) target(%arg7 : memref<128x128xf32, #tpu.memory_space<vmem>>) offsets(%dma_start3A_38 : memref<128xi32, #tpu.memory_space<vmem>>) semaphore(%arg10 : memref<!tpu.dma_semaphore, #tpu.memory_space<semaphore_mem>>)
      %while3A_42 = arith.constant 0 : i32
      %while3A_43 = arith.constant 0 : i32
      %while3A_44 = arith.constant 79 : i32
      %while3A_45 = arith.subi %while3A_44, %while3A_43 : i32
      %while3A_46 = arith.addi %while3A_43, %while3A_45 : i32
      %while3A_47 = arith.constant 1 : i32
      %while3A_48 = arith.divsi %while3A_45, %while3A_47 : i32
      %while3A_49 = arith.muli %while3A_48, %while3A_47 : i32
      %while3A_50 = arith.addi %while3A_43, %while3A_49 : i32
      %while3A_51 = arith.constant 1 : i32
      scf.for %while3A_119 = %while3A_43 to %while3A_50 step %while3A_51  : i32 {
        %mul3A_120 = arith.constant 2 : i32
        %mul3A_121 = arith.muli %while3A_119, %mul3A_120 : i32
        %dma_wait3A_122 = arith.constant 0 : i32
        %dma_wait3A_123 = arith.constant 0 : i32
        %dma_wait3A_124 = arith.constant 0 : i32
        %dma_wait3A_125 = tpu.memref_slice %arg5[%dma_wait3A_122, %dma_wait3A_123, %dma_wait3A_124] : memref<1x2x128xi32, #tpu.memory_space<vmem>> -> memref<1x1x128xi32, #tpu.memory_space<vmem>>
        %dma_wait3A_126 = tpu.memref_squeeze %dma_wait3A_125 : memref<1x1x128xi32, #tpu.memory_space<vmem>> -> memref<128xi32, #tpu.memory_space<vmem>>
        %dma_wait3A_127 = arith.constant 0 : i32
        %dma_wait3A_128 = arith.constant 0 : i32
        %dma_wait3A_129 = tpu.memref_slice %arg2[%dma_wait3A_127, %dma_wait3A_128] : memref<10000x128xf32, #tpu.memory_space<hbm>> -> memref<10000x128xf32, #tpu.memory_space<hbm>>
        tpu.wait_indirect_dma semaphore(%arg10 : memref<!tpu.dma_semaphore, #tpu.memory_space<semaphore_mem>>) src(%dma_wait3A_129 : memref<10000x128xf32, #tpu.memory_space<hbm>>) dst(%arg7 : memref<128x128xf32, #tpu.memory_space<vmem>>)
        %dma_start3A_130 = arith.constant 0 : i32
        %dma_start3A_131 = arith.constant 1 : i32
        %dma_start3A_132 = arith.constant 0 : i32
        %dma_start3A_133 = tpu.memref_slice %arg5[%dma_start3A_130, %dma_start3A_131, %dma_start3A_132] : memref<1x2x128xi32, #tpu.memory_space<vmem>> -> memref<1x1x128xi32, #tpu.memory_space<vmem>>
        %dma_start3A_134 = tpu.memref_squeeze %dma_start3A_133 : memref<1x1x128xi32, #tpu.memory_space<vmem>> -> memref<128xi32, #tpu.memory_space<vmem>>
        %dma_start3A_135 = arith.constant 0 : i32
        %dma_start3A_136 = arith.constant 0 : i32
        %dma_start3A_137 = tpu.memref_slice %arg9[%dma_start3A_135, %dma_start3A_136] : memref<10240x128xf32, #tpu.memory_space<vmem_shared>> -> memref<10240x128xf32, #tpu.memory_space<vmem_shared>>
        tpu.enqueue_indirect_dma source(%arg7 : memref<128x128xf32, #tpu.memory_space<vmem>>) target(%dma_start3A_137 : memref<10240x128xf32, #tpu.memory_space<vmem_shared>>) offsets(%dma_start3A_134 : memref<128xi32, #tpu.memory_space<vmem>>) semaphore(%arg12 : memref<!tpu.dma_semaphore, #tpu.memory_space<semaphore_mem>>) {add = true}
        %add3A_138 = arith.constant 1 : i32
        %add3A_139 = arith.addi %mul3A_121, %add3A_138 : i32
        %add3A_140 = arith.addi %mul3A_24, %add3A_139 : i32
        %dma_wait3A_141 = arith.constant 0 : i32
        %dma_wait3A_142 = arith.constant 0 : i32
        %dma_wait3A_143 = tpu.memref_slice %arg3[%add3A_140, %dma_wait3A_141, %dma_wait3A_142] : memref<2560x2x128xi32, #tpu.memory_space<hbm>> -> memref<1x2x128xi32, #tpu.memory_space<hbm>>
        %dma_wait3A_144 = arith.constant 0 : i32
        %dma_wait3A_145 = arith.constant 0 : i32
        %dma_wait3A_146 = tpu.memref_slice %arg3[%add3A_140, %dma_wait3A_144, %dma_wait3A_145] : memref<2560x2x128xi32, #tpu.memory_space<hbm>> -> memref<1x2x128xi32, #tpu.memory_space<hbm>>
        tpu.wait_dma2 semaphore(%arg15 : memref<!tpu.dma_semaphore, #tpu.memory_space<semaphore_mem>>) src(%dma_wait3A_146 : memref<1x2x128xi32, #tpu.memory_space<hbm>>) dst(%arg6 : memref<1x2x128xi32, #tpu.memory_space<vmem>>)
        %dma_start3A_147 = arith.constant 0 : i32
        %dma_start3A_148 = arith.constant 0 : i32
        %dma_start3A_149 = arith.constant 0 : i32
        %dma_start3A_150 = tpu.memref_slice %arg6[%dma_start3A_147, %dma_start3A_148, %dma_start3A_149] : memref<1x2x128xi32, #tpu.memory_space<vmem>> -> memref<1x1x128xi32, #tpu.memory_space<vmem>>
        %dma_start3A_151 = tpu.memref_squeeze %dma_start3A_150 : memref<1x1x128xi32, #tpu.memory_space<vmem>> -> memref<128xi32, #tpu.memory_space<vmem>>
        %dma_start3A_152 = arith.constant 0 : i32
        %dma_start3A_153 = arith.constant 0 : i32
        %dma_start3A_154 = tpu.memref_slice %arg2[%dma_start3A_152, %dma_start3A_153] : memref<10000x128xf32, #tpu.memory_space<hbm>> -> memref<10000x128xf32, #tpu.memory_space<hbm>>
        tpu.enqueue_indirect_dma source(%dma_start3A_154 : memref<10000x128xf32, #tpu.memory_space<hbm>>) target(%arg8 : memref<128x128xf32, #tpu.memory_space<vmem>>) offsets(%dma_start3A_151 : memref<128xi32, #tpu.memory_space<vmem>>) semaphore(%arg11 : memref<!tpu.dma_semaphore, #tpu.memory_space<semaphore_mem>>)
        %dma_wait3A_155 = arith.constant 0 : i32
        %dma_wait3A_156 = arith.constant 1 : i32
        %dma_wait3A_157 = arith.constant 0 : i32
        %dma_wait3A_158 = tpu.memref_slice %arg5[%dma_wait3A_155, %dma_wait3A_156, %dma_wait3A_157] : memref<1x2x128xi32, #tpu.memory_space<vmem>> -> memref<1x1x128xi32, #tpu.memory_space<vmem>>
        %dma_wait3A_159 = tpu.memref_squeeze %dma_wait3A_158 : memref<1x1x128xi32, #tpu.memory_space<vmem>> -> memref<128xi32, #tpu.memory_space<vmem>>
        %dma_wait3A_160 = arith.constant 0 : i32
        %dma_wait3A_161 = arith.constant 0 : i32
        %dma_wait3A_162 = tpu.memref_slice %arg9[%dma_wait3A_160, %dma_wait3A_161] : memref<10240x128xf32, #tpu.memory_space<vmem_shared>> -> memref<10240x128xf32, #tpu.memory_space<vmem_shared>>
        tpu.wait_indirect_dma semaphore(%arg12 : memref<!tpu.dma_semaphore, #tpu.memory_space<semaphore_mem>>) src(%arg7 : memref<128x128xf32, #tpu.memory_space<vmem>>) dst(%dma_wait3A_162 : memref<10240x128xf32, #tpu.memory_space<vmem_shared>>)
        %add3A_163 = arith.constant 2 : i32
        %add3A_164 = arith.addi %mul3A_121, %add3A_163 : i32
        %add3A_165 = arith.addi %mul3A_24, %add3A_164 : i32
        %dma_start3A_166 = arith.constant 0 : i32
        %dma_start3A_167 = arith.constant 0 : i32
        %dma_start3A_168 = tpu.memref_slice %arg3[%add3A_165, %dma_start3A_166, %dma_start3A_167] : memref<2560x2x128xi32, #tpu.memory_space<hbm>> -> memref<1x2x128xi32, #tpu.memory_space<hbm>>
        %dma_start3A_169 = arith.constant 0 : i32
        %dma_start3A_170 = arith.constant 0 : i32
        %dma_start3A_171 = tpu.memref_slice %arg3[%add3A_165, %dma_start3A_169, %dma_start3A_170] : memref<2560x2x128xi32, #tpu.memory_space<hbm>> -> memref<1x2x128xi32, #tpu.memory_space<hbm>>
        tpu.enqueue_dma source(%dma_start3A_171 : memref<1x2x128xi32, #tpu.memory_space<hbm>>) target(%arg5 : memref<1x2x128xi32, #tpu.memory_space<vmem>>) target_semaphore(%arg14 : memref<!tpu.dma_semaphore, #tpu.memory_space<semaphore_mem>>)
        %add3A_172 = arith.constant 1 : i32
        %add3A_173 = arith.addi %mul3A_121, %add3A_172 : i32
        %dma_wait3A_174 = arith.constant 0 : i32
        %dma_wait3A_175 = arith.constant 0 : i32
        %dma_wait3A_176 = arith.constant 0 : i32
        %dma_wait3A_177 = tpu.memref_slice %arg6[%dma_wait3A_174, %dma_wait3A_175, %dma_wait3A_176] : memref<1x2x128xi32, #tpu.memory_space<vmem>> -> memref<1x1x128xi32, #tpu.memory_space<vmem>>
        %dma_wait3A_178 = tpu.memref_squeeze %dma_wait3A_177 : memref<1x1x128xi32, #tpu.memory_space<vmem>> -> memref<128xi32, #tpu.memory_space<vmem>>
        %dma_wait3A_179 = arith.constant 0 : i32
        %dma_wait3A_180 = arith.constant 0 : i32
        %dma_wait3A_181 = tpu.memref_slice %arg2[%dma_wait3A_179, %dma_wait3A_180] : memref<10000x128xf32, #tpu.memory_space<hbm>> -> memref<10000x128xf32, #tpu.memory_space<hbm>>
        tpu.wait_indirect_dma semaphore(%arg11 : memref<!tpu.dma_semaphore, #tpu.memory_space<semaphore_mem>>) src(%dma_wait3A_181 : memref<10000x128xf32, #tpu.memory_space<hbm>>) dst(%arg8 : memref<128x128xf32, #tpu.memory_space<vmem>>)
        %dma_start3A_182 = arith.constant 0 : i32
        %dma_start3A_183 = arith.constant 1 : i32
        %dma_start3A_184 = arith.constant 0 : i32
        %dma_start3A_185 = tpu.memref_slice %arg6[%dma_start3A_182, %dma_start3A_183, %dma_start3A_184] : memref<1x2x128xi32, #tpu.memory_space<vmem>> -> memref<1x1x128xi32, #tpu.memory_space<vmem>>
        %dma_start3A_186 = tpu.memref_squeeze %dma_start3A_185 : memref<1x1x128xi32, #tpu.memory_space<vmem>> -> memref<128xi32, #tpu.memory_space<vmem>>
        %dma_start3A_187 = arith.constant 0 : i32
        %dma_start3A_188 = arith.constant 0 : i32
        %dma_start3A_189 = tpu.memref_slice %arg9[%dma_start3A_187, %dma_start3A_188] : memref<10240x128xf32, #tpu.memory_space<vmem_shared>> -> memref<10240x128xf32, #tpu.memory_space<vmem_shared>>
        tpu.enqueue_indirect_dma source(%arg8 : memref<128x128xf32, #tpu.memory_space<vmem>>) target(%dma_start3A_189 : memref<10240x128xf32, #tpu.memory_space<vmem_shared>>) offsets(%dma_start3A_186 : memref<128xi32, #tpu.memory_space<vmem>>) semaphore(%arg13 : memref<!tpu.dma_semaphore, #tpu.memory_space<semaphore_mem>>) {add = true}
        %add3A_190 = arith.constant 1 : i32
        %add3A_191 = arith.addi %add3A_173, %add3A_190 : i32
        %add3A_192 = arith.addi %mul3A_24, %add3A_191 : i32
        %dma_wait3A_193 = arith.constant 0 : i32
        %dma_wait3A_194 = arith.constant 0 : i32
        %dma_wait3A_195 = tpu.memref_slice %arg3[%add3A_192, %dma_wait3A_193, %dma_wait3A_194] : memref<2560x2x128xi32, #tpu.memory_space<hbm>> -> memref<1x2x128xi32, #tpu.memory_space<hbm>>
        %dma_wait3A_196 = arith.constant 0 : i32
        %dma_wait3A_197 = arith.constant 0 : i32
        %dma_wait3A_198 = tpu.memref_slice %arg3[%add3A_192, %dma_wait3A_196, %dma_wait3A_197] : memref<2560x2x128xi32, #tpu.memory_space<hbm>> -> memref<1x2x128xi32, #tpu.memory_space<hbm>>
        tpu.wait_dma2 semaphore(%arg14 : memref<!tpu.dma_semaphore, #tpu.memory_space<semaphore_mem>>) src(%dma_wait3A_198 : memref<1x2x128xi32, #tpu.memory_space<hbm>>) dst(%arg5 : memref<1x2x128xi32, #tpu.memory_space<vmem>>)
        %dma_start3A_199 = arith.constant 0 : i32
        %dma_start3A_200 = arith.constant 0 : i32
        %dma_start3A_201 = arith.constant 0 : i32
        %dma_start3A_202 = tpu.memref_slice %arg5[%dma_start3A_199, %dma_start3A_200, %dma_start3A_201] : memref<1x2x128xi32, #tpu.memory_space<vmem>> -> memref<1x1x128xi32, #tpu.memory_space<vmem>>
        %dma_start3A_203 = tpu.memref_squeeze %dma_start3A_202 : memref<1x1x128xi32, #tpu.memory_space<vmem>> -> memref<128xi32, #tpu.memory_space<vmem>>
        %dma_start3A_204 = arith.constant 0 : i32
        %dma_start3A_205 = arith.constant 0 : i32
        %dma_start3A_206 = tpu.memref_slice %arg2[%dma_start3A_204, %dma_start3A_205] : memref<10000x128xf32, #tpu.memory_space<hbm>> -> memref<10000x128xf32, #tpu.memory_space<hbm>>
        tpu.enqueue_indirect_dma source(%dma_start3A_206 : memref<10000x128xf32, #tpu.memory_space<hbm>>) target(%arg7 : memref<128x128xf32, #tpu.memory_space<vmem>>) offsets(%dma_start3A_203 : memref<128xi32, #tpu.memory_space<vmem>>) semaphore(%arg10 : memref<!tpu.dma_semaphore, #tpu.memory_space<semaphore_mem>>)
        %dma_wait3A_207 = arith.constant 0 : i32
        %dma_wait3A_208 = arith.constant 1 : i32
        %dma_wait3A_209 = arith.constant 0 : i32
        %dma_wait3A_210 = tpu.memref_slice %arg6[%dma_wait3A_207, %dma_wait3A_208, %dma_wait3A_209] : memref<1x2x128xi32, #tpu.memory_space<vmem>> -> memref<1x1x128xi32, #tpu.memory_space<vmem>>
        %dma_wait3A_211 = tpu.memref_squeeze %dma_wait3A_210 : memref<1x1x128xi32, #tpu.memory_space<vmem>> -> memref<128xi32, #tpu.memory_space<vmem>>
        %dma_wait3A_212 = arith.constant 0 : i32
        %dma_wait3A_213 = arith.constant 0 : i32
        %dma_wait3A_214 = tpu.memref_slice %arg9[%dma_wait3A_212, %dma_wait3A_213] : memref<10240x128xf32, #tpu.memory_space<vmem_shared>> -> memref<10240x128xf32, #tpu.memory_space<vmem_shared>>
        tpu.wait_indirect_dma semaphore(%arg13 : memref<!tpu.dma_semaphore, #tpu.memory_space<semaphore_mem>>) src(%arg8 : memref<128x128xf32, #tpu.memory_space<vmem>>) dst(%dma_wait3A_214 : memref<10240x128xf32, #tpu.memory_space<vmem_shared>>)
        %add3A_215 = arith.constant 3 : i32
        %add3A_216 = arith.addi %mul3A_121, %add3A_215 : i32
        %add3A_217 = arith.addi %mul3A_24, %add3A_216 : i32
        %dma_start3A_218 = arith.constant 0 : i32
        %dma_start3A_219 = arith.constant 0 : i32
        %dma_start3A_220 = tpu.memref_slice %arg3[%add3A_217, %dma_start3A_218, %dma_start3A_219] : memref<2560x2x128xi32, #tpu.memory_space<hbm>> -> memref<1x2x128xi32, #tpu.memory_space<hbm>>
        %dma_start3A_221 = arith.constant 0 : i32
        %dma_start3A_222 = arith.constant 0 : i32
        %dma_start3A_223 = tpu.memref_slice %arg3[%add3A_217, %dma_start3A_221, %dma_start3A_222] : memref<2560x2x128xi32, #tpu.memory_space<hbm>> -> memref<1x2x128xi32, #tpu.memory_space<hbm>>
        tpu.enqueue_dma source(%dma_start3A_223 : memref<1x2x128xi32, #tpu.memory_space<hbm>>) target(%arg6 : memref<1x2x128xi32, #tpu.memory_space<vmem>>) target_semaphore(%arg15 : memref<!tpu.dma_semaphore, #tpu.memory_space<semaphore_mem>>)
      }
      %while3A_52 = arith.constant 1 : i32
      scf.for %while3A_119 = %while3A_50 to %while3A_46 step %while3A_52  : i32 {
        %mul3A_120 = arith.constant 2 : i32
        %mul3A_121 = arith.muli %while3A_119, %mul3A_120 : i32
        %dma_wait3A_122 = arith.constant 0 : i32
        %dma_wait3A_123 = arith.constant 0 : i32
        %dma_wait3A_124 = arith.constant 0 : i32
        %dma_wait3A_125 = tpu.memref_slice %arg5[%dma_wait3A_122, %dma_wait3A_123, %dma_wait3A_124] : memref<1x2x128xi32, #tpu.memory_space<vmem>> -> memref<1x1x128xi32, #tpu.memory_space<vmem>>
        %dma_wait3A_126 = tpu.memref_squeeze %dma_wait3A_125 : memref<1x1x128xi32, #tpu.memory_space<vmem>> -> memref<128xi32, #tpu.memory_space<vmem>>
        %dma_wait3A_127 = arith.constant 0 : i32
        %dma_wait3A_128 = arith.constant 0 : i32
        %dma_wait3A_129 = tpu.memref_slice %arg2[%dma_wait3A_127, %dma_wait3A_128] : memref<10000x128xf32, #tpu.memory_space<hbm>> -> memref<10000x128xf32, #tpu.memory_space<hbm>>
        tpu.wait_indirect_dma semaphore(%arg10 : memref<!tpu.dma_semaphore, #tpu.memory_space<semaphore_mem>>) src(%dma_wait3A_129 : memref<10000x128xf32, #tpu.memory_space<hbm>>) dst(%arg7 : memref<128x128xf32, #tpu.memory_space<vmem>>)
        %dma_start3A_130 = arith.constant 0 : i32
        %dma_start3A_131 = arith.constant 1 : i32
        %dma_start3A_132 = arith.constant 0 : i32
        %dma_start3A_133 = tpu.memref_slice %arg5[%dma_start3A_130, %dma_start3A_131, %dma_start3A_132] : memref<1x2x128xi32, #tpu.memory_space<vmem>> -> memref<1x1x128xi32, #tpu.memory_space<vmem>>
        %dma_start3A_134 = tpu.memref_squeeze %dma_start3A_133 : memref<1x1x128xi32, #tpu.memory_space<vmem>> -> memref<128xi32, #tpu.memory_space<vmem>>
        %dma_start3A_135 = arith.constant 0 : i32
        %dma_start3A_136 = arith.constant 0 : i32
        %dma_start3A_137 = tpu.memref_slice %arg9[%dma_start3A_135, %dma_start3A_136] : memref<10240x128xf32, #tpu.memory_space<vmem_shared>> -> memref<10240x128xf32, #tpu.memory_space<vmem_shared>>
        tpu.enqueue_indirect_dma source(%arg7 : memref<128x128xf32, #tpu.memory_space<vmem>>) target(%dma_start3A_137 : memref<10240x128xf32, #tpu.memory_space<vmem_shared>>) offsets(%dma_start3A_134 : memref<128xi32, #tpu.memory_space<vmem>>) semaphore(%arg12 : memref<!tpu.dma_semaphore, #tpu.memory_space<semaphore_mem>>) {add = true}
        %add3A_138 = arith.constant 1 : i32
        %add3A_139 = arith.addi %mul3A_121, %add3A_138 : i32
        %add3A_140 = arith.addi %mul3A_24, %add3A_139 : i32
        %dma_wait3A_141 = arith.constant 0 : i32
        %dma_wait3A_142 = arith.constant 0 : i32
        %dma_wait3A_143 = tpu.memref_slice %arg3[%add3A_140, %dma_wait3A_141, %dma_wait3A_142] : memref<2560x2x128xi32, #tpu.memory_space<hbm>> -> memref<1x2x128xi32, #tpu.memory_space<hbm>>
        %dma_wait3A_144 = arith.constant 0 : i32
        %dma_wait3A_145 = arith.constant 0 : i32
        %dma_wait3A_146 = tpu.memref_slice %arg3[%add3A_140, %dma_wait3A_144, %dma_wait3A_145] : memref<2560x2x128xi32, #tpu.memory_space<hbm>> -> memref<1x2x128xi32, #tpu.memory_space<hbm>>
        tpu.wait_dma2 semaphore(%arg15 : memref<!tpu.dma_semaphore, #tpu.memory_space<semaphore_mem>>) src(%dma_wait3A_146 : memref<1x2x128xi32, #tpu.memory_space<hbm>>) dst(%arg6 : memref<1x2x128xi32, #tpu.memory_space<vmem>>)
        %dma_start3A_147 = arith.constant 0 : i32
        %dma_start3A_148 = arith.constant 0 : i32
        %dma_start3A_149 = arith.constant 0 : i32
        %dma_start3A_150 = tpu.memref_slice %arg6[%dma_start3A_147, %dma_start3A_148, %dma_start3A_149] : memref<1x2x128xi32, #tpu.memory_space<vmem>> -> memref<1x1x128xi32, #tpu.memory_space<vmem>>
        %dma_start3A_151 = tpu.memref_squeeze %dma_start3A_150 : memref<1x1x128xi32, #tpu.memory_space<vmem>> -> memref<128xi32, #tpu.memory_space<vmem>>
        %dma_start3A_152 = arith.constant 0 : i32
        %dma_start3A_153 = arith.constant 0 : i32
        %dma_start3A_154 = tpu.memref_slice %arg2[%dma_start3A_152, %dma_start3A_153] : memref<10000x128xf32, #tpu.memory_space<hbm>> -> memref<10000x128xf32, #tpu.memory_space<hbm>>
        tpu.enqueue_indirect_dma source(%dma_start3A_154 : memref<10000x128xf32, #tpu.memory_space<hbm>>) target(%arg8 : memref<128x128xf32, #tpu.memory_space<vmem>>) offsets(%dma_start3A_151 : memref<128xi32, #tpu.memory_space<vmem>>) semaphore(%arg11 : memref<!tpu.dma_semaphore, #tpu.memory_space<semaphore_mem>>)
        %dma_wait3A_155 = arith.constant 0 : i32
        %dma_wait3A_156 = arith.constant 1 : i32
        %dma_wait3A_157 = arith.constant 0 : i32
        %dma_wait3A_158 = tpu.memref_slice %arg5[%dma_wait3A_155, %dma_wait3A_156, %dma_wait3A_157] : memref<1x2x128xi32, #tpu.memory_space<vmem>> -> memref<1x1x128xi32, #tpu.memory_space<vmem>>
        %dma_wait3A_159 = tpu.memref_squeeze %dma_wait3A_158 : memref<1x1x128xi32, #tpu.memory_space<vmem>> -> memref<128xi32, #tpu.memory_space<vmem>>
        %dma_wait3A_160 = arith.constant 0 : i32
        %dma_wait3A_161 = arith.constant 0 : i32
        %dma_wait3A_162 = tpu.memref_slice %arg9[%dma_wait3A_160, %dma_wait3A_161] : memref<10240x128xf32, #tpu.memory_space<vmem_shared>> -> memref<10240x128xf32, #tpu.memory_space<vmem_shared>>
        tpu.wait_indirect_dma semaphore(%arg12 : memref<!tpu.dma_semaphore, #tpu.memory_space<semaphore_mem>>) src(%arg7 : memref<128x128xf32, #tpu.memory_space<vmem>>) dst(%dma_wait3A_162 : memref<10240x128xf32, #tpu.memory_space<vmem_shared>>)
        %add3A_163 = arith.constant 2 : i32
        %add3A_164 = arith.addi %mul3A_121, %add3A_163 : i32
        %add3A_165 = arith.addi %mul3A_24, %add3A_164 : i32
        %dma_start3A_166 = arith.constant 0 : i32
        %dma_start3A_167 = arith.constant 0 : i32
        %dma_start3A_168 = tpu.memref_slice %arg3[%add3A_165, %dma_start3A_166, %dma_start3A_167] : memref<2560x2x128xi32, #tpu.memory_space<hbm>> -> memref<1x2x128xi32, #tpu.memory_space<hbm>>
        %dma_start3A_169 = arith.constant 0 : i32
        %dma_start3A_170 = arith.constant 0 : i32
        %dma_start3A_171 = tpu.memref_slice %arg3[%add3A_165, %dma_start3A_169, %dma_start3A_170] : memref<2560x2x128xi32, #tpu.memory_space<hbm>> -> memref<1x2x128xi32, #tpu.memory_space<hbm>>
        tpu.enqueue_dma source(%dma_start3A_171 : memref<1x2x128xi32, #tpu.memory_space<hbm>>) target(%arg5 : memref<1x2x128xi32, #tpu.memory_space<vmem>>) target_semaphore(%arg14 : memref<!tpu.dma_semaphore, #tpu.memory_space<semaphore_mem>>)
        %add3A_172 = arith.constant 1 : i32
        %add3A_173 = arith.addi %mul3A_121, %add3A_172 : i32
        %dma_wait3A_174 = arith.constant 0 : i32
        %dma_wait3A_175 = arith.constant 0 : i32
        %dma_wait3A_176 = arith.constant 0 : i32
        %dma_wait3A_177 = tpu.memref_slice %arg6[%dma_wait3A_174, %dma_wait3A_175, %dma_wait3A_176] : memref<1x2x128xi32, #tpu.memory_space<vmem>> -> memref<1x1x128xi32, #tpu.memory_space<vmem>>
        %dma_wait3A_178 = tpu.memref_squeeze %dma_wait3A_177 : memref<1x1x128xi32, #tpu.memory_space<vmem>> -> memref<128xi32, #tpu.memory_space<vmem>>
        %dma_wait3A_179 = arith.constant 0 : i32
        %dma_wait3A_180 = arith.constant 0 : i32
        %dma_wait3A_181 = tpu.memref_slice %arg2[%dma_wait3A_179, %dma_wait3A_180] : memref<10000x128xf32, #tpu.memory_space<hbm>> -> memref<10000x128xf32, #tpu.memory_space<hbm>>
        tpu.wait_indirect_dma semaphore(%arg11 : memref<!tpu.dma_semaphore, #tpu.memory_space<semaphore_mem>>) src(%dma_wait3A_181 : memref<10000x128xf32, #tpu.memory_space<hbm>>) dst(%arg8 : memref<128x128xf32, #tpu.memory_space<vmem>>)
        %dma_start3A_182 = arith.constant 0 : i32
        %dma_start3A_183 = arith.constant 1 : i32
        %dma_start3A_184 = arith.constant 0 : i32
        %dma_start3A_185 = tpu.memref_slice %arg6[%dma_start3A_182, %dma_start3A_183, %dma_start3A_184] : memref<1x2x128xi32, #tpu.memory_space<vmem>> -> memref<1x1x128xi32, #tpu.memory_space<vmem>>
        %dma_start3A_186 = tpu.memref_squeeze %dma_start3A_185 : memref<1x1x128xi32, #tpu.memory_space<vmem>> -> memref<128xi32, #tpu.memory_space<vmem>>
        %dma_start3A_187 = arith.constant 0 : i32
        %dma_start3A_188 = arith.constant 0 : i32
        %dma_start3A_189 = tpu.memref_slice %arg9[%dma_start3A_187, %dma_start3A_188] : memref<10240x128xf32, #tpu.memory_space<vmem_shared>> -> memref<10240x128xf32, #tpu.memory_space<vmem_shared>>
        tpu.enqueue_indirect_dma source(%arg8 : memref<128x128xf32, #tpu.memory_space<vmem>>) target(%dma_start3A_189 : memref<10240x128xf32, #tpu.memory_space<vmem_shared>>) offsets(%dma_start3A_186 : memref<128xi32, #tpu.memory_space<vmem>>) semaphore(%arg13 : memref<!tpu.dma_semaphore, #tpu.memory_space<semaphore_mem>>) {add = true}
        %add3A_190 = arith.constant 1 : i32
        %add3A_191 = arith.addi %add3A_173, %add3A_190 : i32
        %add3A_192 = arith.addi %mul3A_24, %add3A_191 : i32
        %dma_wait3A_193 = arith.constant 0 : i32
        %dma_wait3A_194 = arith.constant 0 : i32
        %dma_wait3A_195 = tpu.memref_slice %arg3[%add3A_192, %dma_wait3A_193, %dma_wait3A_194] : memref<2560x2x128xi32, #tpu.memory_space<hbm>> -> memref<1x2x128xi32, #tpu.memory_space<hbm>>
        %dma_wait3A_196 = arith.constant 0 : i32
        %dma_wait3A_197 = arith.constant 0 : i32
        %dma_wait3A_198 = tpu.memref_slice %arg3[%add3A_192, %dma_wait3A_196, %dma_wait3A_197] : memref<2560x2x128xi32, #tpu.memory_space<hbm>> -> memref<1x2x128xi32, #tpu.memory_space<hbm>>
        tpu.wait_dma2 semaphore(%arg14 : memref<!tpu.dma_semaphore, #tpu.memory_space<semaphore_mem>>) src(%dma_wait3A_198 : memref<1x2x128xi32, #tpu.memory_space<hbm>>) dst(%arg5 : memref<1x2x128xi32, #tpu.memory_space<vmem>>)
        %dma_start3A_199 = arith.constant 0 : i32
        %dma_start3A_200 = arith.constant 0 : i32
        %dma_start3A_201 = arith.constant 0 : i32
        %dma_start3A_202 = tpu.memref_slice %arg5[%dma_start3A_199, %dma_start3A_200, %dma_start3A_201] : memref<1x2x128xi32, #tpu.memory_space<vmem>> -> memref<1x1x128xi32, #tpu.memory_space<vmem>>
        %dma_start3A_203 = tpu.memref_squeeze %dma_start3A_202 : memref<1x1x128xi32, #tpu.memory_space<vmem>> -> memref<128xi32, #tpu.memory_space<vmem>>
        %dma_start3A_204 = arith.constant 0 : i32
        %dma_start3A_205 = arith.constant 0 : i32
        %dma_start3A_206 = tpu.memref_slice %arg2[%dma_start3A_204, %dma_start3A_205] : memref<10000x128xf32, #tpu.memory_space<hbm>> -> memref<10000x128xf32, #tpu.memory_space<hbm>>
        tpu.enqueue_indirect_dma source(%dma_start3A_206 : memref<10000x128xf32, #tpu.memory_space<hbm>>) target(%arg7 : memref<128x128xf32, #tpu.memory_space<vmem>>) offsets(%dma_start3A_203 : memref<128xi32, #tpu.memory_space<vmem>>) semaphore(%arg10 : memref<!tpu.dma_semaphore, #tpu.memory_space<semaphore_mem>>)
        %dma_wait3A_207 = arith.constant 0 : i32
        %dma_wait3A_208 = arith.constant 1 : i32
        %dma_wait3A_209 = arith.constant 0 : i32
        %dma_wait3A_210 = tpu.memref_slice %arg6[%dma_wait3A_207, %dma_wait3A_208, %dma_wait3A_209] : memref<1x2x128xi32, #tpu.memory_space<vmem>> -> memref<1x1x128xi32, #tpu.memory_space<vmem>>
        %dma_wait3A_211 = tpu.memref_squeeze %dma_wait3A_210 : memref<1x1x128xi32, #tpu.memory_space<vmem>> -> memref<128xi32, #tpu.memory_space<vmem>>
        %dma_wait3A_212 = arith.constant 0 : i32
        %dma_wait3A_213 = arith.constant 0 : i32
        %dma_wait3A_214 = tpu.memref_slice %arg9[%dma_wait3A_212, %dma_wait3A_213] : memref<10240x128xf32, #tpu.memory_space<vmem_shared>> -> memref<10240x128xf32, #tpu.memory_space<vmem_shared>>
        tpu.wait_indirect_dma semaphore(%arg13 : memref<!tpu.dma_semaphore, #tpu.memory_space<semaphore_mem>>) src(%arg8 : memref<128x128xf32, #tpu.memory_space<vmem>>) dst(%dma_wait3A_214 : memref<10240x128xf32, #tpu.memory_space<vmem_shared>>)
        %add3A_215 = arith.constant 3 : i32
        %add3A_216 = arith.addi %mul3A_121, %add3A_215 : i32
        %add3A_217 = arith.addi %mul3A_24, %add3A_216 : i32
        %dma_start3A_218 = arith.constant 0 : i32
        %dma_start3A_219 = arith.constant 0 : i32
        %dma_start3A_220 = tpu.memref_slice %arg3[%add3A_217, %dma_start3A_218, %dma_start3A_219] : memref<2560x2x128xi32, #tpu.memory_space<hbm>> -> memref<1x2x128xi32, #tpu.memory_space<hbm>>
        %dma_start3A_221 = arith.constant 0 : i32
        %dma_start3A_222 = arith.constant 0 : i32
        %dma_start3A_223 = tpu.memref_slice %arg3[%add3A_217, %dma_start3A_221, %dma_start3A_222] : memref<2560x2x128xi32, #tpu.memory_space<hbm>> -> memref<1x2x128xi32, #tpu.memory_space<hbm>>
        tpu.enqueue_dma source(%dma_start3A_223 : memref<1x2x128xi32, #tpu.memory_space<hbm>>) target(%arg6 : memref<1x2x128xi32, #tpu.memory_space<vmem>>) target_semaphore(%arg15 : memref<!tpu.dma_semaphore, #tpu.memory_space<semaphore_mem>>)
      }
      %dma_wait3A = arith.constant 0 : i32
      %dma_wait3A_53 = arith.constant 0 : i32
      %dma_wait3A_54 = arith.constant 0 : i32
      %dma_wait3A_55 = tpu.memref_slice %arg5[%dma_wait3A, %dma_wait3A_53, %dma_wait3A_54] : memref<1x2x128xi32, #tpu.memory_space<vmem>> -> memref<1x1x128xi32, #tpu.memory_space<vmem>>
      %dma_wait3A_56 = tpu.memref_squeeze %dma_wait3A_55 : memref<1x1x128xi32, #tpu.memory_space<vmem>> -> memref<128xi32, #tpu.memory_space<vmem>>
      %dma_wait3A_57 = arith.constant 0 : i32
      %dma_wait3A_58 = arith.constant 0 : i32
      %dma_wait3A_59 = tpu.memref_slice %arg2[%dma_wait3A_57, %dma_wait3A_58] : memref<10000x128xf32, #tpu.memory_space<hbm>> -> memref<10000x128xf32, #tpu.memory_space<hbm>>
      tpu.wait_indirect_dma semaphore(%arg10 : memref<!tpu.dma_semaphore, #tpu.memory_space<semaphore_mem>>) src(%dma_wait3A_59 : memref<10000x128xf32, #tpu.memory_space<hbm>>) dst(%arg7 : memref<128x128xf32, #tpu.memory_space<vmem>>)
      %dma_start3A_60 = arith.constant 0 : i32
      %dma_start3A_61 = arith.constant 1 : i32
      %dma_start3A_62 = arith.constant 0 : i32
      %dma_start3A_63 = tpu.memref_slice %arg5[%dma_start3A_60, %dma_start3A_61, %dma_start3A_62] : memref<1x2x128xi32, #tpu.memory_space<vmem>> -> memref<1x1x128xi32, #tpu.memory_space<vmem>>
      %dma_start3A_64 = tpu.memref_squeeze %dma_start3A_63 : memref<1x1x128xi32, #tpu.memory_space<vmem>> -> memref<128xi32, #tpu.memory_space<vmem>>
      %dma_start3A_65 = arith.constant 0 : i32
      %dma_start3A_66 = arith.constant 0 : i32
      %dma_start3A_67 = tpu.memref_slice %arg9[%dma_start3A_65, %dma_start3A_66] : memref<10240x128xf32, #tpu.memory_space<vmem_shared>> -> memref<10240x128xf32, #tpu.memory_space<vmem_shared>>
      tpu.enqueue_indirect_dma source(%arg7 : memref<128x128xf32, #tpu.memory_space<vmem>>) target(%dma_start3A_67 : memref<10240x128xf32, #tpu.memory_space<vmem_shared>>) offsets(%dma_start3A_64 : memref<128xi32, #tpu.memory_space<vmem>>) semaphore(%arg12 : memref<!tpu.dma_semaphore, #tpu.memory_space<semaphore_mem>>) {add = true}
      %add3A_68 = arith.constant 158 : i32
      %add3A_69 = arith.constant 1 : i32
      %add3A_70 = arith.addi %add3A_68, %add3A_69 : i32
      %add3A_71 = arith.addi %mul3A_24, %add3A_70 : i32
      %dma_wait3A_72 = arith.constant 0 : i32
      %dma_wait3A_73 = arith.constant 0 : i32
      %dma_wait3A_74 = tpu.memref_slice %arg3[%add3A_71, %dma_wait3A_72, %dma_wait3A_73] : memref<2560x2x128xi32, #tpu.memory_space<hbm>> -> memref<1x2x128xi32, #tpu.memory_space<hbm>>
      %dma_wait3A_75 = arith.constant 0 : i32
      %dma_wait3A_76 = arith.constant 0 : i32
      %dma_wait3A_77 = tpu.memref_slice %arg3[%add3A_71, %dma_wait3A_75, %dma_wait3A_76] : memref<2560x2x128xi32, #tpu.memory_space<hbm>> -> memref<1x2x128xi32, #tpu.memory_space<hbm>>
      tpu.wait_dma2 semaphore(%arg15 : memref<!tpu.dma_semaphore, #tpu.memory_space<semaphore_mem>>) src(%dma_wait3A_77 : memref<1x2x128xi32, #tpu.memory_space<hbm>>) dst(%arg6 : memref<1x2x128xi32, #tpu.memory_space<vmem>>)
      %dma_start3A_78 = arith.constant 0 : i32
      %dma_start3A_79 = arith.constant 0 : i32
      %dma_start3A_80 = arith.constant 0 : i32
      %dma_start3A_81 = tpu.memref_slice %arg6[%dma_start3A_78, %dma_start3A_79, %dma_start3A_80] : memref<1x2x128xi32, #tpu.memory_space<vmem>> -> memref<1x1x128xi32, #tpu.memory_space<vmem>>
      %dma_start3A_82 = tpu.memref_squeeze %dma_start3A_81 : memref<1x1x128xi32, #tpu.memory_space<vmem>> -> memref<128xi32, #tpu.memory_space<vmem>>
      %dma_start3A_83 = arith.constant 0 : i32
      %dma_start3A_84 = arith.constant 0 : i32
      %dma_start3A_85 = tpu.memref_slice %arg2[%dma_start3A_83, %dma_start3A_84] : memref<10000x128xf32, #tpu.memory_space<hbm>> -> memref<10000x128xf32, #tpu.memory_space<hbm>>
      tpu.enqueue_indirect_dma source(%dma_start3A_85 : memref<10000x128xf32, #tpu.memory_space<hbm>>) target(%arg8 : memref<128x128xf32, #tpu.memory_space<vmem>>) offsets(%dma_start3A_82 : memref<128xi32, #tpu.memory_space<vmem>>) semaphore(%arg11 : memref<!tpu.dma_semaphore, #tpu.memory_space<semaphore_mem>>)
      %dma_wait3A_86 = arith.constant 0 : i32
      %dma_wait3A_87 = arith.constant 1 : i32
      %dma_wait3A_88 = arith.constant 0 : i32
      %dma_wait3A_89 = tpu.memref_slice %arg5[%dma_wait3A_86, %dma_wait3A_87, %dma_wait3A_88] : memref<1x2x128xi32, #tpu.memory_space<vmem>> -> memref<1x1x128xi32, #tpu.memory_space<vmem>>
      %dma_wait3A_90 = tpu.memref_squeeze %dma_wait3A_89 : memref<1x1x128xi32, #tpu.memory_space<vmem>> -> memref<128xi32, #tpu.memory_space<vmem>>
      %dma_wait3A_91 = arith.constant 0 : i32
      %dma_wait3A_92 = arith.constant 0 : i32
      %dma_wait3A_93 = tpu.memref_slice %arg9[%dma_wait3A_91, %dma_wait3A_92] : memref<10240x128xf32, #tpu.memory_space<vmem_shared>> -> memref<10240x128xf32, #tpu.memory_space<vmem_shared>>
      tpu.wait_indirect_dma semaphore(%arg12 : memref<!tpu.dma_semaphore, #tpu.memory_space<semaphore_mem>>) src(%arg7 : memref<128x128xf32, #tpu.memory_space<vmem>>) dst(%dma_wait3A_93 : memref<10240x128xf32, #tpu.memory_space<vmem_shared>>)
      %dma_wait3A_94 = arith.constant 0 : i32
      %dma_wait3A_95 = arith.constant 0 : i32
      %dma_wait3A_96 = arith.constant 0 : i32
      %dma_wait3A_97 = tpu.memref_slice %arg6[%dma_wait3A_94, %dma_wait3A_95, %dma_wait3A_96] : memref<1x2x128xi32, #tpu.memory_space<vmem>> -> memref<1x1x128xi32, #tpu.memory_space<vmem>>
      %dma_wait3A_98 = tpu.memref_squeeze %dma_wait3A_97 : memref<1x1x128xi32, #tpu.memory_space<vmem>> -> memref<128xi32, #tpu.memory_space<vmem>>
      %dma_wait3A_99 = arith.constant 0 : i32
      %dma_wait3A_100 = arith.constant 0 : i32
      %dma_wait3A_101 = tpu.memref_slice %arg2[%dma_wait3A_99, %dma_wait3A_100] : memref<10000x128xf32, #tpu.memory_space<hbm>> -> memref<10000x128xf32, #tpu.memory_space<hbm>>
      tpu.wait_indirect_dma semaphore(%arg11 : memref<!tpu.dma_semaphore, #tpu.memory_space<semaphore_mem>>) src(%dma_wait3A_101 : memref<10000x128xf32, #tpu.memory_space<hbm>>) dst(%arg8 : memref<128x128xf32, #tpu.memory_space<vmem>>)
      %dma_start3A_102 = arith.constant 0 : i32
      %dma_start3A_103 = arith.constant 1 : i32
      %dma_start3A_104 = arith.constant 0 : i32
      %dma_start3A_105 = tpu.memref_slice %arg6[%dma_start3A_102, %dma_start3A_103, %dma_start3A_104] : memref<1x2x128xi32, #tpu.memory_space<vmem>> -> memref<1x1x128xi32, #tpu.memory_space<vmem>>
      %dma_start3A_106 = tpu.memref_squeeze %dma_start3A_105 : memref<1x1x128xi32, #tpu.memory_space<vmem>> -> memref<128xi32, #tpu.memory_space<vmem>>
      %dma_start3A_107 = arith.constant 0 : i32
      %dma_start3A_108 = arith.constant 0 : i32
      %dma_start3A_109 = tpu.memref_slice %arg9[%dma_start3A_107, %dma_start3A_108] : memref<10240x128xf32, #tpu.memory_space<vmem_shared>> -> memref<10240x128xf32, #tpu.memory_space<vmem_shared>>
      tpu.enqueue_indirect_dma source(%arg8 : memref<128x128xf32, #tpu.memory_space<vmem>>) target(%dma_start3A_109 : memref<10240x128xf32, #tpu.memory_space<vmem_shared>>) offsets(%dma_start3A_106 : memref<128xi32, #tpu.memory_space<vmem>>) semaphore(%arg13 : memref<!tpu.dma_semaphore, #tpu.memory_space<semaphore_mem>>) {add = true}
      %dma_wait3A_110 = arith.constant 0 : i32
      %dma_wait3A_111 = arith.constant 1 : i32
      %dma_wait3A_112 = arith.constant 0 : i32
      %dma_wait3A_113 = tpu.memref_slice %arg6[%dma_wait3A_110, %dma_wait3A_111, %dma_wait3A_112] : memref<1x2x128xi32, #tpu.memory_space<vmem>> -> memref<1x1x128xi32, #tpu.memory_space<vmem>>
      %dma_wait3A_114 = tpu.memref_squeeze %dma_wait3A_113 : memref<1x1x128xi32, #tpu.memory_space<vmem>> -> memref<128xi32, #tpu.memory_space<vmem>>
      %dma_wait3A_115 = arith.constant 0 : i32
      %dma_wait3A_116 = arith.constant 0 : i32
      %dma_wait3A_117 = tpu.memref_slice %arg9[%dma_wait3A_115, %dma_wait3A_116] : memref<10240x128xf32, #tpu.memory_space<vmem_shared>> -> memref<10240x128xf32, #tpu.memory_space<vmem_shared>>
      tpu.wait_indirect_dma semaphore(%arg13 : memref<!tpu.dma_semaphore, #tpu.memory_space<semaphore_mem>>) src(%arg8 : memref<128x128xf32, #tpu.memory_space<vmem>>) dst(%dma_wait3A_117 : memref<10240x128xf32, #tpu.memory_space<vmem_shared>>)
      %barrier3A_118 = arith.constant 0 : index
      tpu.barrier barrier_id(%barrier3A_118)
      "tpu.region"() ({
        %run_scoped3A = tpu.sem_alloc : memref<!tpu.dma_semaphore, #tpu.memory_space<semaphore_mem>>
        %dma_start3A_119 = arith.constant 0 : i32
        %dma_start3A_120 = tpu.memref_slice %arg4[%mul3A_0, %dma_start3A_119] : memref<10240x128xf32, #tpu.memory_space<hbm>> -> memref<640x128xf32, #tpu.memory_space<hbm>>
        %dma_start3A_121 = arith.constant 0 : i32
        %dma_start3A_122 = tpu.memref_slice %arg9[%mul3A_0, %dma_start3A_121] : memref<10240x128xf32, #tpu.memory_space<vmem_shared>> -> memref<640x128xf32, #tpu.memory_space<vmem_shared>>
        tpu.enqueue_dma source(%dma_start3A_122 : memref<640x128xf32, #tpu.memory_space<vmem_shared>>) target(%dma_start3A_120 : memref<640x128xf32, #tpu.memory_space<hbm>>) target_semaphore(%run_scoped3A : memref<!tpu.dma_semaphore, #tpu.memory_space<semaphore_mem>>)
        %dma_wait3A_123 = arith.constant 0 : i32
        %dma_wait3A_124 = tpu.memref_slice %arg4[%mul3A_0, %dma_wait3A_123] : memref<10240x128xf32, #tpu.memory_space<hbm>> -> memref<640x128xf32, #tpu.memory_space<hbm>>
        %dma_wait3A_125 = arith.constant 0 : i32
        %dma_wait3A_126 = tpu.memref_slice %arg9[%mul3A_0, %dma_wait3A_125] : memref<10240x128xf32, #tpu.memory_space<vmem_shared>> -> memref<640x128xf32, #tpu.memory_space<vmem_shared>>
        tpu.wait_dma2 semaphore(%run_scoped3A : memref<!tpu.dma_semaphore, #tpu.memory_space<semaphore_mem>>) src(%dma_wait3A_126 : memref<640x128xf32, #tpu.memory_space<vmem_shared>>) dst(%dma_wait3A_124 : memref<640x128xf32, #tpu.memory_space<hbm>>)
        tpu.yield
      }) : () -> ()
    } else {
    }
    return
  }
}

module attributes {stable_mosaic.version = 14 : i64} {
  func.func @body(%arg0: memref<10000x128xf32, #tpu.memory_space<vmem>>, %arg1: memref<10240x128xf32, #tpu.memory_space<vmem>>, %arg2: memref<10000x1xf32, #tpu.memory_space<vmem>>, %arg3: memref<128x128xf32, #tpu.memory_space<vmem>>, %arg4: memref<1x128xf32, #tpu.memory_space<vmem>>, %arg5: memref<1x128xf32, #tpu.memory_space<vmem>>, %arg6: memref<1x128xf32, #tpu.memory_space<vmem>>, %arg7: memref<128x128xf32, #tpu.memory_space<vmem>>, %arg8: memref<1x128xf32, #tpu.memory_space<vmem>>, %arg9: memref<1x128xf32, #tpu.memory_space<vmem>>, %arg10: memref<1x128xf32, #tpu.memory_space<vmem>>, %arg11: memref<10000x128xf32, #tpu.memory_space<vmem>>) attributes {dimension_semantics = [], scalar_prefetch = 0 : i64, scratch_operands = 0 : i64, tpu.core_type = #tpu.core_type<tc>} {
    %get3A = arith.constant 0 : index
    %get3A_0 = arith.constant 0 : index
    %get3A_1 = vector.load %arg1[%get3A, %get3A_0] : memref<10240x128xf32, #tpu.memory_space<vmem>>, vector<10000x128xf32>
    %get3A_2 = arith.constant 0 : index
    %get3A_3 = arith.constant 0 : index
    %get3A_4 = vector.load %arg0[%get3A_2, %get3A_3] : memref<10000x128xf32, #tpu.memory_space<vmem>>, vector<10000x128xf32>
    %get3A_5 = arith.constant 0 : index
    %get3A_6 = arith.constant 0 : index
    %get3A_7 = vector.load %arg2[%get3A_5, %get3A_6] : memref<10000x1xf32, #tpu.memory_space<vmem>>, vector<10000x1xf32>
    %div3A = arith.constant 1.000000e+00 : f32
    %div3A_8 = vector.broadcast %div3A : f32 to vector<10000x1xf32>
    %div3A_9 = arith.divf %div3A_8, %get3A_7 : vector<10000x1xf32>
    %slice3A = vector.extract_strided_slice %get3A_1 {offsets = [0, 3], sizes = [10000, 1], strides = [1, 1]} : vector<10000x128xf32> to vector<10000x1xf32>
    %mul3A = vector.broadcast %slice3A : vector<10000x1xf32> to vector<10000x128xf32>
    %mul3A_10 = arith.mulf %mul3A, %get3A_4 : vector<10000x128xf32>
    %sub3A = arith.subf %get3A_1, %mul3A_10 : vector<10000x128xf32>
    %mul3A_11 = vector.broadcast %div3A_9 : vector<10000x1xf32> to vector<10000x128xf32>
    %mul3A_12 = arith.mulf %sub3A, %mul3A_11 : vector<10000x128xf32>
    %get3A_13 = arith.constant 0 : index
    %get3A_14 = arith.constant 0 : index
    %get3A_15 = vector.load %arg3[%get3A_13, %get3A_14] : memref<128x128xf32, #tpu.memory_space<vmem>>, vector<128x128xf32>
    %dot_general3A = arith.constant dense<0.000000e+00> : vector<10000x128xf32>
    %dot_general3A_16 = tpu.matmul %mul3A_12, %get3A_15, %dot_general3A {dimension_numbers = #tpu.dot_dimension_numbers<[1], [1], [0], [0], [0, 0, 1, 0], [], []>, transpose_lhs_hint = false} : vector<10000x128xf32>, vector<128x128xf32>, vector<10000x128xf32> -> vector<10000x128xf32>
    %get3A_17 = arith.constant 0 : index
    %get3A_18 = arith.constant 0 : index
    %get3A_19 = vector.load %arg4[%get3A_17, %get3A_18] : memref<1x128xf32, #tpu.memory_space<vmem>>, vector<1x128xf32>
    %add3A = vector.broadcast %get3A_19 : vector<1x128xf32> to vector<10000x128xf32>
    %add3A_20 = arith.addf %dot_general3A_16, %add3A : vector<10000x128xf32>
    %reduce_sum3A = arith.constant dense<0.000000e+00> : vector<128xf32>
    %reduce_sum3A_21 = vector.multi_reduction <add>, %add3A_20, %reduce_sum3A [0] : vector<10000x128xf32> to vector<128xf32>
    %broadcast_in_dim3A = vector.shape_cast %reduce_sum3A_21 : vector<128xf32> to vector<1x128xf32>
    %div3A_22 = arith.constant 1.000000e+04 : f32
    %div3A_23 = vector.broadcast %div3A_22 : f32 to vector<1x128xf32>
    %div3A_24 = arith.divf %broadcast_in_dim3A, %div3A_23 : vector<1x128xf32>
    %sub3A_25 = vector.broadcast %div3A_24 : vector<1x128xf32> to vector<10000x128xf32>
    %sub3A_26 = arith.subf %add3A_20, %sub3A_25 : vector<10000x128xf32>
    %integer_pow3A = arith.mulf %sub3A_26, %sub3A_26 : vector<10000x128xf32>
    %reduce_sum3A_27 = arith.constant dense<0.000000e+00> : vector<128xf32>
    %reduce_sum3A_28 = vector.multi_reduction <add>, %integer_pow3A, %reduce_sum3A_27 [0] : vector<10000x128xf32> to vector<128xf32>
    %broadcast_in_dim3A_29 = vector.shape_cast %reduce_sum3A_28 : vector<128xf32> to vector<1x128xf32>
    %div3A_30 = arith.constant 1.000000e+04 : f32
    %div3A_31 = vector.broadcast %div3A_30 : f32 to vector<1x128xf32>
    %div3A_32 = arith.divf %broadcast_in_dim3A_29, %div3A_31 : vector<1x128xf32>
    %sub3A_33 = vector.broadcast %div3A_24 : vector<1x128xf32> to vector<10000x128xf32>
    %sub3A_34 = arith.subf %add3A_20, %sub3A_33 : vector<10000x128xf32>
    %add3A_35 = arith.constant 9.99999974E-6 : f32
    %add3A_36 = vector.broadcast %add3A_35 : f32 to vector<1x128xf32>
    %add3A_37 = arith.addf %div3A_32, %add3A_36 : vector<1x128xf32>
    %rsqrt3A = math.rsqrt %add3A_37 : vector<1x128xf32>
    %mul3A_38 = vector.broadcast %rsqrt3A : vector<1x128xf32> to vector<10000x128xf32>
    %mul3A_39 = arith.mulf %sub3A_34, %mul3A_38 : vector<10000x128xf32>
    %get3A_40 = arith.constant 0 : index
    %get3A_41 = arith.constant 0 : index
    %get3A_42 = vector.load %arg5[%get3A_40, %get3A_41] : memref<1x128xf32, #tpu.memory_space<vmem>>, vector<1x128xf32>
    %mul3A_43 = vector.broadcast %get3A_42 : vector<1x128xf32> to vector<10000x128xf32>
    %mul3A_44 = arith.mulf %mul3A_39, %mul3A_43 : vector<10000x128xf32>
    %get3A_45 = arith.constant 0 : index
    %get3A_46 = arith.constant 0 : index
    %get3A_47 = vector.load %arg6[%get3A_45, %get3A_46] : memref<1x128xf32, #tpu.memory_space<vmem>>, vector<1x128xf32>
    %add3A_48 = vector.broadcast %get3A_47 : vector<1x128xf32> to vector<10000x128xf32>
    %add3A_49 = arith.addf %mul3A_44, %add3A_48 : vector<10000x128xf32>
    %get3A_50 = arith.constant 0 : index
    %get3A_51 = arith.constant 0 : index
    %get3A_52 = vector.load %arg7[%get3A_50, %get3A_51] : memref<128x128xf32, #tpu.memory_space<vmem>>, vector<128x128xf32>
    %dot_general3A_53 = arith.constant dense<0.000000e+00> : vector<10000x128xf32>
    %dot_general3A_54 = tpu.matmul %add3A_49, %get3A_52, %dot_general3A_53 {dimension_numbers = #tpu.dot_dimension_numbers<[1], [1], [0], [0], [0, 0, 1, 0], [], []>, precision = #tpu.contract_precision<fp32>, transpose_lhs_hint = false} : vector<10000x128xf32>, vector<128x128xf32>, vector<10000x128xf32> -> vector<10000x128xf32>
    %get3A_55 = arith.constant 0 : index
    %get3A_56 = arith.constant 0 : index
    %get3A_57 = vector.load %arg8[%get3A_55, %get3A_56] : memref<1x128xf32, #tpu.memory_space<vmem>>, vector<1x128xf32>
    %add3A_58 = vector.broadcast %get3A_57 : vector<1x128xf32> to vector<10000x128xf32>
    %add3A_59 = arith.addf %dot_general3A_54, %add3A_58 : vector<10000x128xf32>
    %reduce_sum3A_60 = arith.constant dense<0.000000e+00> : vector<128xf32>
    %reduce_sum3A_61 = vector.multi_reduction <add>, %add3A_59, %reduce_sum3A_60 [0] : vector<10000x128xf32> to vector<128xf32>
    %broadcast_in_dim3A_62 = vector.shape_cast %reduce_sum3A_61 : vector<128xf32> to vector<1x128xf32>
    %div3A_63 = arith.constant 1.000000e+04 : f32
    %div3A_64 = vector.broadcast %div3A_63 : f32 to vector<1x128xf32>
    %div3A_65 = arith.divf %broadcast_in_dim3A_62, %div3A_64 : vector<1x128xf32>
    %sub3A_66 = vector.broadcast %div3A_65 : vector<1x128xf32> to vector<10000x128xf32>
    %sub3A_67 = arith.subf %add3A_59, %sub3A_66 : vector<10000x128xf32>
    %integer_pow3A_68 = arith.mulf %sub3A_67, %sub3A_67 : vector<10000x128xf32>
    %reduce_sum3A_69 = arith.constant dense<0.000000e+00> : vector<128xf32>
    %reduce_sum3A_70 = vector.multi_reduction <add>, %integer_pow3A_68, %reduce_sum3A_69 [0] : vector<10000x128xf32> to vector<128xf32>
    %broadcast_in_dim3A_71 = vector.shape_cast %reduce_sum3A_70 : vector<128xf32> to vector<1x128xf32>
    %div3A_72 = arith.constant 1.000000e+04 : f32
    %div3A_73 = vector.broadcast %div3A_72 : f32 to vector<1x128xf32>
    %div3A_74 = arith.divf %broadcast_in_dim3A_71, %div3A_73 : vector<1x128xf32>
    %sub3A_75 = vector.broadcast %div3A_65 : vector<1x128xf32> to vector<10000x128xf32>
    %sub3A_76 = arith.subf %add3A_59, %sub3A_75 : vector<10000x128xf32>
    %add3A_77 = arith.constant 9.99999974E-6 : f32
    %add3A_78 = vector.broadcast %add3A_77 : f32 to vector<1x128xf32>
    %add3A_79 = arith.addf %div3A_74, %add3A_78 : vector<1x128xf32>
    %rsqrt3A_80 = math.rsqrt %add3A_79 : vector<1x128xf32>
    %mul3A_81 = vector.broadcast %rsqrt3A_80 : vector<1x128xf32> to vector<10000x128xf32>
    %mul3A_82 = arith.mulf %sub3A_76, %mul3A_81 : vector<10000x128xf32>
    %get3A_83 = arith.constant 0 : index
    %get3A_84 = arith.constant 0 : index
    %get3A_85 = vector.load %arg9[%get3A_83, %get3A_84] : memref<1x128xf32, #tpu.memory_space<vmem>>, vector<1x128xf32>
    %mul3A_86 = vector.broadcast %get3A_85 : vector<1x128xf32> to vector<10000x128xf32>
    %mul3A_87 = arith.mulf %mul3A_82, %mul3A_86 : vector<10000x128xf32>
    %get3A_88 = arith.constant 0 : index
    %get3A_89 = arith.constant 0 : index
    %get3A_90 = vector.load %arg10[%get3A_88, %get3A_89] : memref<1x128xf32, #tpu.memory_space<vmem>>, vector<1x128xf32>
    %add3A_91 = vector.broadcast %get3A_90 : vector<1x128xf32> to vector<10000x128xf32>
    %add3A_92 = arith.addf %mul3A_87, %add3A_91 : vector<10000x128xf32>
    %swap3A = arith.constant 0 : index
    %swap3A_93 = arith.constant 0 : index
    %swap3A_94 = vector.load %arg11[%swap3A, %swap3A_93] : memref<10000x128xf32, #tpu.memory_space<vmem>>, vector<10000x128xf32>
    tpu.vector_store %arg11[%swap3A, %swap3A_93], %add3A_92 {strides = array<i32>} : memref<10000x128xf32, #tpu.memory_space<vmem>>, vector<10000x128xf32>,
    return
  }
}

module attributes {stable_mosaic.version = 14 : i64} {
  func.func @body(%arg0: memref<10000x128xf32, #tpu.memory_space<vmem>>, %arg1: memref<10240x128xf32, #tpu.memory_space<vmem>>, %arg2: memref<10000x1xf32, #tpu.memory_space<vmem>>, %arg3: memref<128x128xf32, #tpu.memory_space<vmem>>, %arg4: memref<1x128xf32, #tpu.memory_space<vmem>>, %arg5: memref<1x128xf32, #tpu.memory_space<vmem>>, %arg6: memref<1x128xf32, #tpu.memory_space<vmem>>, %arg7: memref<128x128xf32, #tpu.memory_space<vmem>>, %arg8: memref<1x128xf32, #tpu.memory_space<vmem>>, %arg9: memref<1x128xf32, #tpu.memory_space<vmem>>, %arg10: memref<1x128xf32, #tpu.memory_space<vmem>>, %arg11: memref<10000x128xf32, #tpu.memory_space<vmem>>) attributes {dimension_semantics = [], scalar_prefetch = 0 : i64, scratch_operands = 0 : i64, tpu.core_type = #tpu.core_type<tc>} {
    %get3A = arith.constant 0 : index
    %get3A_0 = arith.constant 0 : index
    %get3A_1 = vector.load %arg1[%get3A, %get3A_0] : memref<10240x128xf32, #tpu.memory_space<vmem>>, vector<10000x128xf32>
    %get3A_2 = arith.constant 0 : index
    %get3A_3 = arith.constant 0 : index
    %get3A_4 = vector.load %arg0[%get3A_2, %get3A_3] : memref<10000x128xf32, #tpu.memory_space<vmem>>, vector<10000x128xf32>
    %get3A_5 = arith.constant 0 : index
    %get3A_6 = arith.constant 0 : index
    %get3A_7 = vector.load %arg2[%get3A_5, %get3A_6] : memref<10000x1xf32, #tpu.memory_space<vmem>>, vector<10000x1xf32>
    %div3A = arith.constant 1.000000e+00 : f32
    %div3A_8 = vector.broadcast %div3A : f32 to vector<10000x1xf32>
    %div3A_9 = arith.divf %div3A_8, %get3A_7 : vector<10000x1xf32>
    %mul3A = vector.broadcast %div3A_9 : vector<10000x1xf32> to vector<10000x128xf32>
    %mul3A_10 = arith.mulf %get3A_1, %mul3A : vector<10000x128xf32>
    %add3A = arith.addf %get3A_4, %mul3A_10 : vector<10000x128xf32>
    %get3A_11 = arith.constant 0 : index
    %get3A_12 = arith.constant 0 : index
    %get3A_13 = vector.load %arg3[%get3A_11, %get3A_12] : memref<128x128xf32, #tpu.memory_space<vmem>>, vector<128x128xf32>
    %dot_general3A = arith.constant dense<0.000000e+00> : vector<10000x128xf32>
    %dot_general3A_14 = tpu.matmul %add3A, %get3A_13, %dot_general3A {dimension_numbers = #tpu.dot_dimension_numbers<[1], [1], [0], [0], [0, 0, 1, 0], [], []>, precision = #tpu.contract_precision<fp32>, transpose_lhs_hint = false} : vector<10000x128xf32>, vector<128x128xf32>, vector<10000x128xf32> -> vector<10000x128xf32>
    %get3A_15 = arith.constant 0 : index
    %get3A_16 = arith.constant 0 : index
    %get3A_17 = vector.load %arg4[%get3A_15, %get3A_16] : memref<1x128xf32, #tpu.memory_space<vmem>>, vector<1x128xf32>
    %add3A_18 = vector.broadcast %get3A_17 : vector<1x128xf32> to vector<10000x128xf32>
    %add3A_19 = arith.addf %dot_general3A_14, %add3A_18 : vector<10000x128xf32>
    %reduce_sum3A = arith.constant dense<0.000000e+00> : vector<128xf32>
    %reduce_sum3A_20 = vector.multi_reduction <add>, %add3A_19, %reduce_sum3A [0] : vector<10000x128xf32> to vector<128xf32>
    %broadcast_in_dim3A = vector.shape_cast %reduce_sum3A_20 : vector<128xf32> to vector<1x128xf32>
    %div3A_21 = arith.constant 1.000000e+04 : f32
    %div3A_22 = vector.broadcast %div3A_21 : f32 to vector<1x128xf32>
    %div3A_23 = arith.divf %broadcast_in_dim3A, %div3A_22 : vector<1x128xf32>
    %sub3A = vector.broadcast %div3A_23 : vector<1x128xf32> to vector<10000x128xf32>
    %sub3A_24 = arith.subf %add3A_19, %sub3A : vector<10000x128xf32>
    %integer_pow3A = arith.mulf %sub3A_24, %sub3A_24 : vector<10000x128xf32>
    %reduce_sum3A_25 = arith.constant dense<0.000000e+00> : vector<128xf32>
    %reduce_sum3A_26 = vector.multi_reduction <add>, %integer_pow3A, %reduce_sum3A_25 [0] : vector<10000x128xf32> to vector<128xf32>
    %broadcast_in_dim3A_27 = vector.shape_cast %reduce_sum3A_26 : vector<128xf32> to vector<1x128xf32>
    %div3A_28 = arith.constant 1.000000e+04 : f32
    %div3A_29 = vector.broadcast %div3A_28 : f32 to vector<1x128xf32>
    %div3A_30 = arith.divf %broadcast_in_dim3A_27, %div3A_29 : vector<1x128xf32>
    %sub3A_31 = vector.broadcast %div3A_23 : vector<1x128xf32> to vector<10000x128xf32>
    %sub3A_32 = arith.subf %add3A_19, %sub3A_31 : vector<10000x128xf32>
    %add3A_33 = arith.constant 9.99999974E-6 : f32
    %add3A_34 = vector.broadcast %add3A_33 : f32 to vector<1x128xf32>
    %add3A_35 = arith.addf %div3A_30, %add3A_34 : vector<1x128xf32>
    %rsqrt3A = math.rsqrt %add3A_35 : vector<1x128xf32>
    %mul3A_36 = vector.broadcast %rsqrt3A : vector<1x128xf32> to vector<10000x128xf32>
    %mul3A_37 = arith.mulf %sub3A_32, %mul3A_36 : vector<10000x128xf32>
    %get3A_38 = arith.constant 0 : index
    %get3A_39 = arith.constant 0 : index
    %get3A_40 = vector.load %arg5[%get3A_38, %get3A_39] : memref<1x128xf32, #tpu.memory_space<vmem>>, vector<1x128xf32>
    %mul3A_41 = vector.broadcast %get3A_40 : vector<1x128xf32> to vector<10000x128xf32>
    %mul3A_42 = arith.mulf %mul3A_37, %mul3A_41 : vector<10000x128xf32>
    %get3A_43 = arith.constant 0 : index
    %get3A_44 = arith.constant 0 : index
    %get3A_45 = vector.load %arg6[%get3A_43, %get3A_44] : memref<1x128xf32, #tpu.memory_space<vmem>>, vector<1x128xf32>
    %add3A_46 = vector.broadcast %get3A_45 : vector<1x128xf32> to vector<10000x128xf32>
    %add3A_47 = arith.addf %mul3A_42, %add3A_46 : vector<10000x128xf32>
    %get3A_48 = arith.constant 0 : index
    %get3A_49 = arith.constant 0 : index
    %get3A_50 = vector.load %arg7[%get3A_48, %get3A_49] : memref<128x128xf32, #tpu.memory_space<vmem>>, vector<128x128xf32>
    %dot_general3A_51 = arith.constant dense<0.000000e+00> : vector<10000x128xf32>
    %dot_general3A_52 = tpu.matmul %add3A_47, %get3A_50, %dot_general3A_51 {dimension_numbers = #tpu.dot_dimension_numbers<[1], [1], [0], [0], [0, 0, 1, 0], [], []>, precision = #tpu.contract_precision<fp32>, transpose_lhs_hint = false} : vector<10000x128xf32>, vector<128x128xf32>, vector<10000x128xf32> -> vector<10000x128xf32>
    %get3A_53 = arith.constant 0 : index
    %get3A_54 = arith.constant 0 : index
    %get3A_55 = vector.load %arg8[%get3A_53, %get3A_54] : memref<1x128xf32, #tpu.memory_space<vmem>>, vector<1x128xf32>
    %add3A_56 = vector.broadcast %get3A_55 : vector<1x128xf32> to vector<10000x128xf32>
    %add3A_57 = arith.addf %dot_general3A_52, %add3A_56 : vector<10000x128xf32>
    %reduce_sum3A_58 = arith.constant dense<0.000000e+00> : vector<128xf32>
    %reduce_sum3A_59 = vector.multi_reduction <add>, %add3A_57, %reduce_sum3A_58 [0] : vector<10000x128xf32> to vector<128xf32>
    %broadcast_in_dim3A_60 = vector.shape_cast %reduce_sum3A_59 : vector<128xf32> to vector<1x128xf32>
    %div3A_61 = arith.constant 1.000000e+04 : f32
    %div3A_62 = vector.broadcast %div3A_61 : f32 to vector<1x128xf32>
    %div3A_63 = arith.divf %broadcast_in_dim3A_60, %div3A_62 : vector<1x128xf32>
    %sub3A_64 = vector.broadcast %div3A_63 : vector<1x128xf32> to vector<10000x128xf32>
    %sub3A_65 = arith.subf %add3A_57, %sub3A_64 : vector<10000x128xf32>
    %integer_pow3A_66 = arith.mulf %sub3A_65, %sub3A_65 : vector<10000x128xf32>
    %reduce_sum3A_67 = arith.constant dense<0.000000e+00> : vector<128xf32>
    %reduce_sum3A_68 = vector.multi_reduction <add>, %integer_pow3A_66, %reduce_sum3A_67 [0] : vector<10000x128xf32> to vector<128xf32>
    %broadcast_in_dim3A_69 = vector.shape_cast %reduce_sum3A_68 : vector<128xf32> to vector<1x128xf32>
    %div3A_70 = arith.constant 1.000000e+04 : f32
    %div3A_71 = vector.broadcast %div3A_70 : f32 to vector<1x128xf32>
    %div3A_72 = arith.divf %broadcast_in_dim3A_69, %div3A_71 : vector<1x128xf32>
    %sub3A_73 = vector.broadcast %div3A_63 : vector<1x128xf32> to vector<10000x128xf32>
    %sub3A_74 = arith.subf %add3A_57, %sub3A_73 : vector<10000x128xf32>
    %add3A_75 = arith.constant 9.99999974E-6 : f32
    %add3A_76 = vector.broadcast %add3A_75 : f32 to vector<1x128xf32>
    %add3A_77 = arith.addf %div3A_72, %add3A_76 : vector<1x128xf32>
    %rsqrt3A_78 = math.rsqrt %add3A_77 : vector<1x128xf32>
    %mul3A_79 = vector.broadcast %rsqrt3A_78 : vector<1x128xf32> to vector<10000x128xf32>
    %mul3A_80 = arith.mulf %sub3A_74, %mul3A_79 : vector<10000x128xf32>
    %get3A_81 = arith.constant 0 : index
    %get3A_82 = arith.constant 0 : index
    %get3A_83 = vector.load %arg9[%get3A_81, %get3A_82] : memref<1x128xf32, #tpu.memory_space<vmem>>, vector<1x128xf32>
    %mul3A_84 = vector.broadcast %get3A_83 : vector<1x128xf32> to vector<10000x128xf32>
    %mul3A_85 = arith.mulf %mul3A_80, %mul3A_84 : vector<10000x128xf32>
    %get3A_86 = arith.constant 0 : index
    %get3A_87 = arith.constant 0 : index
    %get3A_88 = vector.load %arg10[%get3A_86, %get3A_87] : memref<1x128xf32, #tpu.memory_space<vmem>>, vector<1x128xf32>
    %add3A_89 = vector.broadcast %get3A_88 : vector<1x128xf32> to vector<10000x128xf32>
    %add3A_90 = arith.addf %mul3A_85, %add3A_89 : vector<10000x128xf32>
    %max3A = arith.constant 0.000000e+00 : f32
    %max3A_91 = vector.broadcast %max3A : f32 to vector<10000x128xf32>
    %max3A_92 = arith.maximumf %add3A_90, %max3A_91 : vector<10000x128xf32>
    %swap3A = arith.constant 0 : index
    %swap3A_93 = arith.constant 0 : index
    %swap3A_94 = vector.load %arg11[%swap3A, %swap3A_93] : memref<10000x128xf32, #tpu.memory_space<vmem>>, vector<10000x128xf32>
    tpu.vector_store %arg11[%swap3A, %swap3A_93], %max3A_92 {strides = array<i32>} : memref<10000x128xf32, #tpu.memory_space<vmem>>, vector<10000x128xf32>,
    return
  }
}

module attributes {stable_mosaic.version = 14 : i64} {
  func.func @body(%arg0: memref<10000x128xf32, #tpu.memory_space<vmem>>, %arg1: memref<10240x128xf32, #tpu.memory_space<vmem>>, %arg2: memref<10000x1xf32, #tpu.memory_space<vmem>>, %arg3: memref<128x128xf32, #tpu.memory_space<vmem>>, %arg4: memref<1x128xf32, #tpu.memory_space<vmem>>, %arg5: memref<1x128xf32, #tpu.memory_space<vmem>>, %arg6: memref<1x128xf32, #tpu.memory_space<vmem>>, %arg7: memref<128x128xf32, #tpu.memory_space<vmem>>, %arg8: memref<1x128xf32, #tpu.memory_space<vmem>>, %arg9: memref<1x128xf32, #tpu.memory_space<vmem>>, %arg10: memref<1x128xf32, #tpu.memory_space<vmem>>, %arg11: memref<10000x128xf32, #tpu.memory_space<vmem>>) attributes {dimension_semantics = [], scalar_prefetch = 0 : i64, scratch_operands = 0 : i64, tpu.core_type = #tpu.core_type<tc>} {
    %get3A = arith.constant 0 : index
    %get3A_0 = arith.constant 0 : index
    %get3A_1 = vector.load %arg1[%get3A, %get3A_0] : memref<10240x128xf32, #tpu.memory_space<vmem>>, vector<10000x128xf32>
    %get3A_2 = arith.constant 0 : index
    %get3A_3 = arith.constant 0 : index
    %get3A_4 = vector.load %arg0[%get3A_2, %get3A_3] : memref<10000x128xf32, #tpu.memory_space<vmem>>, vector<10000x128xf32>
    %get3A_5 = arith.constant 0 : index
    %get3A_6 = arith.constant 0 : index
    %get3A_7 = vector.load %arg2[%get3A_5, %get3A_6] : memref<10000x1xf32, #tpu.memory_space<vmem>>, vector<10000x1xf32>
    %div3A = arith.constant 1.000000e+00 : f32
    %div3A_8 = vector.broadcast %div3A : f32 to vector<10000x1xf32>
    %div3A_9 = arith.divf %div3A_8, %get3A_7 : vector<10000x1xf32>
    %mul3A = vector.broadcast %div3A_9 : vector<10000x1xf32> to vector<10000x128xf32>
    %mul3A_10 = arith.mulf %get3A_1, %mul3A : vector<10000x128xf32>
    %add3A = arith.addf %get3A_4, %mul3A_10 : vector<10000x128xf32>
    %get3A_11 = arith.constant 0 : index
    %get3A_12 = arith.constant 0 : index
    %get3A_13 = vector.load %arg3[%get3A_11, %get3A_12] : memref<128x128xf32, #tpu.memory_space<vmem>>, vector<128x128xf32>
    %dot_general3A = arith.constant dense<0.000000e+00> : vector<10000x128xf32>
    %dot_general3A_14 = tpu.matmul %add3A, %get3A_13, %dot_general3A {dimension_numbers = #tpu.dot_dimension_numbers<[1], [1], [0], [0], [0, 0, 1, 0], [], []>, precision = #tpu.contract_precision<fp32>, transpose_lhs_hint = false} : vector<10000x128xf32>, vector<128x128xf32>, vector<10000x128xf32> -> vector<10000x128xf32>
    %get3A_15 = arith.constant 0 : index
    %get3A_16 = arith.constant 0 : index
    %get3A_17 = vector.load %arg4[%get3A_15, %get3A_16] : memref<1x128xf32, #tpu.memory_space<vmem>>, vector<1x128xf32>
    %add3A_18 = vector.broadcast %get3A_17 : vector<1x128xf32> to vector<10000x128xf32>
    %add3A_19 = arith.addf %dot_general3A_14, %add3A_18 : vector<10000x128xf32>
    %reduce_sum3A = arith.constant dense<0.000000e+00> : vector<128xf32>
    %reduce_sum3A_20 = vector.multi_reduction <add>, %add3A_19, %reduce_sum3A [0] : vector<10000x128xf32> to vector<128xf32>
    %broadcast_in_dim3A = vector.shape_cast %reduce_sum3A_20 : vector<128xf32> to vector<1x128xf32>
    %div3A_21 = arith.constant 1.000000e+04 : f32
    %div3A_22 = vector.broadcast %div3A_21 : f32 to vector<1x128xf32>
    %div3A_23 = arith.divf %broadcast_in_dim3A, %div3A_22 : vector<1x128xf32>
    %sub3A = vector.broadcast %div3A_23 : vector<1x128xf32> to vector<10000x128xf32>
    %sub3A_24 = arith.subf %add3A_19, %sub3A : vector<10000x128xf32>
    %integer_pow3A = arith.mulf %sub3A_24, %sub3A_24 : vector<10000x128xf32>
    %reduce_sum3A_25 = arith.constant dense<0.000000e+00> : vector<128xf32>
    %reduce_sum3A_26 = vector.multi_reduction <add>, %integer_pow3A, %reduce_sum3A_25 [0] : vector<10000x128xf32> to vector<128xf32>
    %broadcast_in_dim3A_27 = vector.shape_cast %reduce_sum3A_26 : vector<128xf32> to vector<1x128xf32>
    %div3A_28 = arith.constant 1.000000e+04 : f32
    %div3A_29 = vector.broadcast %div3A_28 : f32 to vector<1x128xf32>
    %div3A_30 = arith.divf %broadcast_in_dim3A_27, %div3A_29 : vector<1x128xf32>
    %sub3A_31 = vector.broadcast %div3A_23 : vector<1x128xf32> to vector<10000x128xf32>
    %sub3A_32 = arith.subf %add3A_19, %sub3A_31 : vector<10000x128xf32>
    %add3A_33 = arith.constant 9.99999974E-6 : f32
    %add3A_34 = vector.broadcast %add3A_33 : f32 to vector<1x128xf32>
    %add3A_35 = arith.addf %div3A_30, %add3A_34 : vector<1x128xf32>
    %rsqrt3A = math.rsqrt %add3A_35 : vector<1x128xf32>
    %mul3A_36 = vector.broadcast %rsqrt3A : vector<1x128xf32> to vector<10000x128xf32>
    %mul3A_37 = arith.mulf %sub3A_32, %mul3A_36 : vector<10000x128xf32>
    %get3A_38 = arith.constant 0 : index
    %get3A_39 = arith.constant 0 : index
    %get3A_40 = vector.load %arg5[%get3A_38, %get3A_39] : memref<1x128xf32, #tpu.memory_space<vmem>>, vector<1x128xf32>
    %mul3A_41 = vector.broadcast %get3A_40 : vector<1x128xf32> to vector<10000x128xf32>
    %mul3A_42 = arith.mulf %mul3A_37, %mul3A_41 : vector<10000x128xf32>
    %get3A_43 = arith.constant 0 : index
    %get3A_44 = arith.constant 0 : index
    %get3A_45 = vector.load %arg6[%get3A_43, %get3A_44] : memref<1x128xf32, #tpu.memory_space<vmem>>, vector<1x128xf32>
    %add3A_46 = vector.broadcast %get3A_45 : vector<1x128xf32> to vector<10000x128xf32>
    %add3A_47 = arith.addf %mul3A_42, %add3A_46 : vector<10000x128xf32>
    %get3A_48 = arith.constant 0 : index
    %get3A_49 = arith.constant 0 : index
    %get3A_50 = vector.load %arg7[%get3A_48, %get3A_49] : memref<128x128xf32, #tpu.memory_space<vmem>>, vector<128x128xf32>
    %dot_general3A_51 = arith.constant dense<0.000000e+00> : vector<10000x128xf32>
    %dot_general3A_52 = tpu.matmul %add3A_47, %get3A_50, %dot_general3A_51 {dimension_numbers = #tpu.dot_dimension_numbers<[1], [1], [0], [0], [0, 0, 1, 0], [], []>, precision = #tpu.contract_precision<fp32>, transpose_lhs_hint = false} : vector<10000x128xf32>, vector<128x128xf32>, vector<10000x128xf32> -> vector<10000x128xf32>
    %get3A_53 = arith.constant 0 : index
    %get3A_54 = arith.constant 0 : index
    %get3A_55 = vector.load %arg8[%get3A_53, %get3A_54] : memref<1x128xf32, #tpu.memory_space<vmem>>, vector<1x128xf32>
    %add3A_56 = vector.broadcast %get3A_55 : vector<1x128xf32> to vector<10000x128xf32>
    %add3A_57 = arith.addf %dot_general3A_52, %add3A_56 : vector<10000x128xf32>
    %reduce_sum3A_58 = arith.constant dense<0.000000e+00> : vector<128xf32>
    %reduce_sum3A_59 = vector.multi_reduction <add>, %add3A_57, %reduce_sum3A_58 [0] : vector<10000x128xf32> to vector<128xf32>
    %broadcast_in_dim3A_60 = vector.shape_cast %reduce_sum3A_59 : vector<128xf32> to vector<1x128xf32>
    %div3A_61 = arith.constant 1.000000e+04 : f32
    %div3A_62 = vector.broadcast %div3A_61 : f32 to vector<1x128xf32>
    %div3A_63 = arith.divf %broadcast_in_dim3A_60, %div3A_62 : vector<1x128xf32>
    %sub3A_64 = vector.broadcast %div3A_63 : vector<1x128xf32> to vector<10000x128xf32>
    %sub3A_65 = arith.subf %add3A_57, %sub3A_64 : vector<10000x128xf32>
    %integer_pow3A_66 = arith.mulf %sub3A_65, %sub3A_65 : vector<10000x128xf32>
    %reduce_sum3A_67 = arith.constant dense<0.000000e+00> : vector<128xf32>
    %reduce_sum3A_68 = vector.multi_reduction <add>, %integer_pow3A_66, %reduce_sum3A_67 [0] : vector<10000x128xf32> to vector<128xf32>
    %broadcast_in_dim3A_69 = vector.shape_cast %reduce_sum3A_68 : vector<128xf32> to vector<1x128xf32>
    %div3A_70 = arith.constant 1.000000e+04 : f32
    %div3A_71 = vector.broadcast %div3A_70 : f32 to vector<1x128xf32>
    %div3A_72 = arith.divf %broadcast_in_dim3A_69, %div3A_71 : vector<1x128xf32>
    %sub3A_73 = vector.broadcast %div3A_63 : vector<1x128xf32> to vector<10000x128xf32>
    %sub3A_74 = arith.subf %add3A_57, %sub3A_73 : vector<10000x128xf32>
    %add3A_75 = arith.constant 9.99999974E-6 : f32
    %add3A_76 = vector.broadcast %add3A_75 : f32 to vector<1x128xf32>
    %add3A_77 = arith.addf %div3A_72, %add3A_76 : vector<1x128xf32>
    %rsqrt3A_78 = math.rsqrt %add3A_77 : vector<1x128xf32>
    %mul3A_79 = vector.broadcast %rsqrt3A_78 : vector<1x128xf32> to vector<10000x128xf32>
    %mul3A_80 = arith.mulf %sub3A_74, %mul3A_79 : vector<10000x128xf32>
    %get3A_81 = arith.constant 0 : index
    %get3A_82 = arith.constant 0 : index
    %get3A_83 = vector.load %arg9[%get3A_81, %get3A_82] : memref<1x128xf32, #tpu.memory_space<vmem>>, vector<1x128xf32>
    %mul3A_84 = vector.broadcast %get3A_83 : vector<1x128xf32> to vector<10000x128xf32>
    %mul3A_85 = arith.mulf %mul3A_80, %mul3A_84 : vector<10000x128xf32>
    %get3A_86 = arith.constant 0 : index
    %get3A_87 = arith.constant 0 : index
    %get3A_88 = vector.load %arg10[%get3A_86, %get3A_87] : memref<1x128xf32, #tpu.memory_space<vmem>>, vector<1x128xf32>
    %add3A_89 = vector.broadcast %get3A_88 : vector<1x128xf32> to vector<10000x128xf32>
    %add3A_90 = arith.addf %mul3A_85, %add3A_89 : vector<10000x128xf32>
    %swap3A = arith.constant 0 : index
    %swap3A_91 = arith.constant 0 : index
    %swap3A_92 = vector.load %arg11[%swap3A, %swap3A_91] : memref<10000x128xf32, #tpu.memory_space<vmem>>, vector<10000x128xf32>
    tpu.vector_store %arg11[%swap3A, %swap3A_91], %add3A_90 {strides = array<i32>} : memref<10000x128xf32, #tpu.memory_space<vmem>>, vector<10000x128xf32>,
    return
  }
}

</mosaic_0001>

<sc_bundles>
// kernel: kernel.11.cloned.1.call-start
scs
__scs_entry_jumppad:
0x0: {  	(pc) =	sbr.rel $0x88, $3  }
0x1: {  	(tag) =	ssettag $0x0;
	lr =	simm.s32 $0x1  }
0x2: {  	[smem:$0x3F98] =	sst lr;
	_ =	strace $0xD0000000  }
0x3: {  	_ = 	snop  }
0x4: {  	_ = 	snop  }
0x5: {  	_ = 	snop  }
0x6: {  	_ = 	snop  }
0x7: {  	_ = 	snop  }
__scs_overlays_trampoline_lowered:
0x8: {  	[smem:$0x3FA7] =	sst s0  }
0x9: {  	[smem:$0x3FA8] =	sst s1  }
0xa: {  	[smem:$0x3FA9] =	sst s2  }
0xb: {  	[smem:$0x3FAA] =	sst s3  }
0xc: {  	[smem:$0x3FAB] =	sst s4  }
0xd: {  	[smem:$0x3FAC] =	sst s5  }
0xe: {  	[smem:$0x3FAD] =	sst s6  }
0xf: {  	[smem:$0x3FAE] =	sst s7  }
0x10: {  	[smem:$0x3FAF] =	sst s8  }
0x11: {  	[smem:$0x3FB0] =	sst s9;
	s0 =	simm.s32 @!p0 $0x0  }
0x12: {  	s1 =	sld [smem:$0x3F96];
	s0 =	simm.s32 @p0 $0x1  }
0x13: {  	[smem:$0x3FB1] =	sst s0;
	s0 =	simm.s32 @!p1 $0x0  }
0x14: {  	s2 =	sld [smem:$0x3F95];
	s0 =	simm.s32 @p1 $0x1  }
0x15: {  	[smem:$0x3FB2] =	sst s0;
	s0 =	simm.s32 @!p2 $0x0  }
0x16: {  	s3 =	sld [smem:$0x3FDB];
	s0 =	simm.s32 @p2 $0x1  }
0x17: {  	s4 =	simm.s32 $0x1BF5;
	[smem:$0x3FB4] =	sst s0  }
0x18: {  	s0 =	sld [smem:$0x3F97];
	_ =	swait.ge [sflag:s4], $0x0  }
0x19: {  	s7 =	sld [smem:$0x3F98]  }
0x1a: {  	s8 =	sadd.s32 $0xFFFFE003, lr  }
0x1b: {  	s9 =	sadd.s32 $0xFFFFFEF7, lr;
	s5 =	simm.s32 $0xFFFFFFFF;
	p2 =	slt.u32 s8, $0xFFFFF086  }
0x1c: {  	p1 =	slt.u32 s9, $0xF7A;
	s5 =	simm.s32 @!p2 $0x0  }
0x1d: {  	s5 =	simm.s32 @p1 $0x1;
	p0 =	seq.s32 s7, s2  }
0x1e: {  	s7 =	smul.u32 @!p0 $0xF7A, s2;
	p2 =	seq.s32 @!p0 s5, $0x0  }
0x1f: {  	s9 =	smul.u32 $0xF7A, s1;
	s8 =	simm.s32 @!p0 $0x1BF5;
	p2 =	por !p2, p0  }
0x20: {  	[sflag:s8] =	ssyncset.s32 @!p0 $0xFFFFF086;
	s6 =	sadd.s32 @!p0 s3, s7;
	s7 =	simm.s32 @!p0 $0x108  }
0x21: {  	s3 =	sadd.s32 s3, s9;
	s6 =	sadd.s32 @!p0 $0x88, s6;
	s7 =	simm.s32 @p2 $0x1082  }
0x22: {  	[simem:s7], [sflag:s8] =	dma.local @!p0 [hbm:s6], $0xF7A  }
0x23: {  	s9 =	sor.u32 $0xD0000000, s2;
	s6 =	simm.s32 $0x108;
	_ =	swait.ge @!p0 [sflag:s8], $0x0  }
0x24: {  	s3 =	sadd.s32 $0x88, s3;
	s6 =	simm.s32 @!p1 $0x1082;
	[sflag:s4] =	ssyncset.s32 $0xFFFFF086  }
0x25: {  	[simem:s6], [sflag:s4] =	dma.local [hbm:s3], $0xF7A  }
0x26: {  	[smem:$0x3F98] =	sst s1;
	(tag) =	ssettag s2;
	_ =	strace s9  }
0x27: {  	s1 =	sld [smem:$0x3FA8]  }
0x28: {  	s2 =	sld [smem:$0x3FA9]  }
0x29: {  	s4 =	sld [smem:$0x3FAB]  }
0x2a: {  	p0 =	seq.s32 s5, $0x0;
	s5 =	sld [smem:$0x3FAC]  }
0x2b: {  	s6 =	sld [smem:$0x3FAD]  }
0x2c: {  	s7 =	sld [smem:$0x3FAE]  }
0x2d: {  	s3 =	simm.s32 $0x108;
	s8 =	sld [smem:$0x3FAF]  }
0x2e: {  	s3 =	simm.s32 @!p0 $0x1082;
	s9 =	sld [smem:$0x3FB0]  }
0x2f: {  	lr =	sadd.s32 s0, s3;
	s0 =	sld [smem:$0x3FA7]  }
0x30: {  	s3 =	sld [smem:$0x3FAA]  }
0x31: {  	[smem:$0x3FB3] =	sst s10  }
0x32: {  	s10 =	sld [smem:$0x3FB1];
	_ =	sdelay $0x3  }
0x33: {  	p0 =	seq.s32 s10, $0x1;
	s10 =	sld [smem:$0x3FB3];
	_ =	sdelay $0x3  }
0x34: {  	[smem:$0x3FB3] =	sst s10  }
0x35: {  	s10 =	sld [smem:$0x3FB2];
	_ =	sdelay $0x3  }
0x36: {  	p1 =	seq.s32 s10, $0x1;
	s10 =	sld [smem:$0x3FB3];
	_ =	sdelay $0x3  }
0x37: {  	[smem:$0x3FB3] =	sst s10  }
0x38: {  	s10 =	sld [smem:$0x3FB4]  }
0x39: {  	_ = 	snop;
	(pc) =	sbr.ind lr, $3  }
0x3a: {  	_ = 	snop  }
0x3b: {  	_ = 	snop  }
0x3c: {  	p2 =	seq.s32 s10, $0x1;
	s10 =	sld [smem:$0x3FB3]  }
0x3d: {  	_ =	shalt  }
0x3e: {  	_ =	shalt  }
0x3f: {  	_ =	shalt  }
0x40: {  	_ =	shalt  }
0x41: {  	_ =	shalt  }
0x42: {  	_ =	shalt  }
0x43: {  	_ =	shalt  }
0x44: {  	_ =	shalt  }
0x45: {  	_ =	shalt  }
0x46: {  	_ =	shalt  }
0x47: {  	_ =	shalt  }
0x48: {  	_ =	shalt  }
0x49: {  	_ =	shalt  }
0x4a: {  	_ =	shalt  }
0x4b: {  	_ =	shalt  }
0x4c: {  	_ =	shalt  }
0x4d: {  	_ =	shalt  }
0x4e: {  	_ =	shalt  }
0x4f: {  	_ =	shalt  }
0x50: {  	_ =	shalt  }
0x51: {  	_ =	shalt  }
0x52: {  	_ =	shalt  }
0x53: {  	_ =	shalt  }
0x54: {  	_ =	shalt  }
0x55: {  	_ =	shalt  }
0x56: {  	_ =	shalt  }
0x57: {  	_ =	shalt  }
0x58: {  	_ =	shalt  }
0x59: {  	_ =	shalt  }
0x5a: {  	_ =	shalt  }
0x5b: {  	_ =	shalt  }
0x5c: {  	_ =	shalt  }
0x5d: {  	_ =	shalt  }
0x5e: {  	_ =	shalt  }
0x5f: {  	_ =	shalt  }
0x60: {  	_ =	shalt  }
0x61: {  	_ =	shalt  }
0x62: {  	_ =	shalt  }
0x63: {  	_ =	shalt  }
0x64: {  	_ =	shalt  }
0x65: {  	_ =	shalt  }
0x66: {  	_ =	shalt  }
0x67: {  	_ =	shalt  }
0x68: {  	_ =	shalt  }
0x69: {  	_ =	shalt  }
0x6a: {  	_ =	shalt  }
0x6b: {  	_ =	shalt  }
0x6c: {  	_ =	shalt  }
0x6d: {  	_ =	shalt  }
0x6e: {  	_ =	shalt  }
0x6f: {  	_ =	shalt  }
0x70: {  	_ =	shalt  }
0x71: {  	_ =	shalt  }
0x72: {  	_ =	shalt  }
0x73: {  	_ =	shalt  }
0x74: {  	_ =	shalt  }
0x75: {  	_ =	shalt  }
0x76: {  	_ =	shalt  }
0x77: {  	_ =	shalt  }
0x78: {  	_ =	shalt  }
0x79: {  	_ =	shalt  }
0x7a: {  	_ =	shalt  }
0x7b: {  	_ =	shalt  }
0x7c: {  	_ =	shalt  }
0x7d: {  	_ =	shalt  }
0x7e: {  	_ =	shalt  }
0x7f: {  	_ =	shalt  }
0x80: {  	_ =	shalt  }
0x81: {  	_ =	shalt  }
0x82: {  	_ =	shalt  }
0x83: {  	_ =	shalt  }
0x84: {  	_ =	shalt  }
0x85: {  	_ =	shalt  }
0x86: {  	_ =	shalt  }
0x87: {  	_ =	shalt  }
.Lfunc_end0:
.L_simem_size_0:
called_computation.1_lowered:
.L_overlay_start_0:
0x88: {  	s2 =	sld [smem:$0x3FD9]  }
0x89: {  	s3 =	sld [smem:$0x3FFE];
	_ =	sdelay $0x1  }
0x8a: {  	s1 =	srdreg.scid  }
0x8b: {  	s0 =	sand.u32 $0x1, s1  }
0x8c: {  	s17 =	sshll.u32 s0, $0xA;
	s2 =	sadd.s32 s3, s2  }
0x8d: {  	s2 =	sadd.s32 s2, s17  }
0x8e: {  	[smem:$0x3FBF] =	sst s2  }
0x8f: {  	_ = 	snop  }
0x90: {  	s2 =	sld [smem:$0x3FD0];
	(tm) =	ssettm $0x1  }
0x91: {  	s18 =	sld [smem:$0x3FFB];
	_ =	sdelay $0x3  }
0x92: {  	_ =	strace s18  }
0x93: {  	s3 =	sld [smem:$0x3FFC];
	_ =	sdelay $0x3  }
0x94: {  	_ =	strace s3  }
0x95: {  	s3 =	sld [smem:$0x3FFD];
	_ =	sdelay $0x3  }
0x96: {  	_ =	strace s3  }
0x97: {  	_ =	strace $0x8FFFFFFF  }
0x98: {  	s19 =	sld [smem:$0x3FDB];
	_ =	sdelay $0x1  }
0x99: {  	s4 =	simm.s32 $_scs_section_size  }
0x9a: {  	s5 =	simm.s32 $_size__tile_overlayer_lowered;
	s6 =	simm.s32 $_tile_overlayer_lowered  }
0x9b: {  	s22 =	simm.s32 $0x1BFF;
	s21 =	sshll.u32 s6, $0x1;
	s3 =	sadd.s32 s4, s19  }
0x9c: {  	s7 =	simm.s32 $0x0;
	s20 =	sshll.u32 s5, $0x1;
	s5 =	sadd.s32 s21, s3  }
0x9d: {  	[timem:s7], [sflag:s22] =	dma.local [hbm:s5], s20  }
0x9e: {  	_ =	swait.ge [sflag:s22], s20  }
0x9f: {  	s4 =	ssub.s32 $0x0, s20;
	[sflag:s22] =	ssyncset.done $0x0  }
0xa0: {  	[sflag:s22] =	ssyncadd.s32 s4;
	_ =	sdelay $0x1  }
0xa1: {  	s23 =	simm.s32 $0x1B8B  }
0xa2: {  	_ =	swait.ge [sflag:s23], $0x1  }
0xa3: {  	[sflag:s23] =	ssyncset.done $0x0  }
0xa4: {  	s25 =	simm.s32 $0x1B8E;
	s24 =	sld [smem:$0x3FFE];
	[sflag:s23] =	ssyncadd.s32 $0xFFFFFFFF  }
0xa5: {  	s26 =	simm.s32 $execute0_lowered;
	[smem:$0x3FD2] =	sst s25  }
0xa6: {  	s5 =	sshll.u32 s26, $0x1;
	_ =	strace $0x80000049;
	[dreg:$0x1] =	wrdreg $0xFFFFFFFF  }
0xa7: {  	s28 =	simm.s32 $_size_execute0_lowered;
	s3 =	sadd.s32 s3, s5;
	[dreg:$0x0] =	wrdreg $0x0  }
0xa8: {  	s5 =	sshll.u32 s28, $0x1;
	[dreg:$0x2] =	wrdreg s3  }
0xa9: {  	[dreg:$0x3] =	wrdreg s5  }
0xaa: {  	[dreg:$0x4] =	wrdreg $0xC0  }
0xab: {  	_ =	task [dreg:s7], $0x5FFFF  }
0xac: {  	[dreg:$0x1] =	wrdreg $0xFFFFFFFF  }
0xad: {  	[dreg:$0x0] =	wrdreg $0x60  }
0xae: {  	[dreg:$0x2] =	wrdreg s24  }
0xaf: {  	[dreg:$0x3] =	wrdreg s2  }
0xb0: {  	[dreg:$0x4] =	wrdreg $0x82000  }
0xb1: {  	[dreg:$0x5] =	wrdreg $0x9  }
0xb2: {  	_ =	task.clear_ibuf [dreg:s7], $0x6FFFF;
	_ =	strace $0x90000049  }
0xb3: {  	s29 =	simm.s32 $0x9;
	_ =	strace $0x8000004B  }
0xb4: {  	_ =	swait.ge [sflag:s29], $0x1  }
0xb5: {  	[sflag:s29] =	ssyncadd.s32 $0xFFFFFFFF  }
0xb6: {  	_ =	strace $0x9000004B  }
0xb7: {  	_ =	sfence  }
0xb8: {  	s30 =	sld [smem:$0x0];
	_ =	sdelay $0x2  }
0xb9: {  	s31 =	sshll.u32 s1, $0xD;
	s1 =	sshrl.u32 s1, $0x2  }
0xba: {  	s3 =	sand.u32 $0x4000, s31;
	s1 =	sadd.s32 s1, s30  }
0xbb: {  	s0 =	sor.u32 s3, s0;
	s1 =	sshll.u32 s1, $0x11  }
0xbc: {  	s0 =	sor.u32 s1, s0  }
0xbd: {  	s0 =	sadd.s32 $0x8F2B, s0  }
0xbe: {  	[sflag:s0] =	ssyncadd.remote.s32 $0x1  }
0xbf: {  	_ =	sfence.sel $0xFFFF  }
0xc0: {  	[dreg:$0x0] =	wrdreg $0xFFFFFFFF;
	(pc) =	sbr.abs _section_cstart, $3  }
0xc1: {  	[dreg:$0x1] =	wrdreg $0xFFFFFFFF  }
0xc2: {  	_ =	task.clear_ibuf [dreg:s7], $0x2FFFF;
	_ =	strace $0x9FFFFFFF  }
0xc3: {  	(tm) =	ssettm $0x7FFFFFFF  }
tec
execute0_lowered:
.L_overlay_start_1:
0x0: {  	(tag) =	ssettag $0x1  }
0x1: {  	s1 =	srdreg.scid  }
0x2: {  	s1 =	sand.u32 $0x1, s1  }
0x3: {  	p0 =	seq.s32 s1, $0x1  }
.Ltmp0:
0x4: {  	s6 =	rddreg [dreg:$0x0];
	(pc) =	sbr.rel @p0 .LBB2_6-.Ltmp0, $4  }
0x5: {  	s4 =	rddreg [dreg:$0x1]  }
0x6: {  	s2 =	rddreg [dreg:$0x2];
	s3 =	simm.s32 $0x0  }
0x7: {  	[smem:$0x7FF] =	sst s3  }
0x8: {  	s0 =	rddreg [dreg:$0x3];
	_ =	strace $0x8000004A;
	s1 =	stileid.u32  }
0x9: {  	s3 =	smul.u32 $0x50000, s1  }
0xa: {  	s12 =	smul.u32 $0x1400, s1;
	s5 =	sadd.s32 $0x16E00, s6;
	s13 =	sadd.s32 $0x2E00, s6  }
0xb: {  	s31 =	smul.u32 $0x2800, s1;
	s6 =	simm.s32 $0x0;
	s3 =	sshrl.u32 s3, $0x2  }
0xc: {  	s15 =	simm.s32 $0x200;
	s8 =	sadd.s32 s13, s12;
	s3 =	sadd.s32 s3, s2  }
0xd: {  	s4 =	sadd.s32 s4, s31;
	s9 =	sadd.s32 $0x20, s8;
	s14 =	sadd.s32 $0x4000, s3  }
0xe: {  	v0 =	vimm.f32 $0.0e+00;
	s11 =	sadd.s32 $0x8000, s3;
	s10 =	sadd.s32 $0xC000, s3;
	s7 =	sadd.s32 $0x10000, s3  }
.LBB2_2:
0xf: {  	p0 =	sne.s32 s15, $0xFE00;
	[tilespmem:s6+$0x270] =	vst v0  }
0x10: {  	[tilespmem:s6+$0x200] =	vst v0  }
0x11: {  	[tilespmem:s6+$0x210] =	vst v0  }
.Ltmp1:
0x12: {  	[tilespmem:s6+$0x220] =	vst v0;
	(pc) =	sbr.rel @p0 .LBB2_2-.Ltmp1, $4  }
0x13: {  	[tilespmem:s6+$0x230] =	vst v0  }
0x14: {  	[tilespmem:s6+$0x240] =	vst v0  }
0x15: {  	[tilespmem:s6+$0x250] =	vst v0  }
0x16: {  	[tilespmem:s6+$0x260] =	vst v0;
	s6 =	sshra.s32 s15, $0x2;
	s15 =	sadd.s32 $0x200, s15  }
0x17: {  	[tilespmem:s6+$0x270] =	vst v0  }
0x18: {  	[tilespmem:s6+$0x200] =	vst v0  }
0x19: {  	[tilespmem:s6+$0x210] =	vst v0  }
0x1a: {  	[tilespmem:s6+$0x220] =	vst v0  }
0x1b: {  	[tilespmem:s6+$0x230] =	vst v0  }
0x1c: {  	[tilespmem:s6+$0x240] =	vst v0  }
0x1d: {  	[tilespmem:s6+$0x250] =	vst v0  }
0x1e: {  	[tilespmem:s6+$0x260] =	vst v0;
	s6 =	simm.s32 $0x200;
	s15 =	simm.s32 $0x7  }
0x1f: {  	[spmem:s3] =	stream.linear.scatter [tilespmem:s6], [sflag:$0x7], $0x4000, $0x38;
	[tilespmem:$0x1C200] =	vst v63  }
0x20: {  	_ =	swait.ge [sflag:s15], $0x4000  }
0x21: {  	[sflag:s15] =	ssyncset.done $0x0  }
0x22: {  	[sflag:s15] =	ssyncadd.s32 $0xFFFFC000  }
0x23: {  	[spmem:s14] =	stream.linear.scatter [tilespmem:s6], [sflag:$0x7], $0x4000, $0x38;
	[tilespmem:$0x1C200] =	vst v63  }
0x24: {  	_ =	swait.ge [sflag:s15], $0x4000  }
0x25: {  	[sflag:s15] =	ssyncset.done $0x0  }
0x26: {  	[sflag:s15] =	ssyncadd.s32 $0xFFFFC000  }
0x27: {  	[spmem:s11] =	stream.linear.scatter [tilespmem:s6], [sflag:$0x7], $0x4000, $0x38;
	[tilespmem:$0x1C200] =	vst v63  }
0x28: {  	_ =	swait.ge [sflag:s15], $0x4000  }
0x29: {  	[sflag:s15] =	ssyncset.done $0x0  }
0x2a: {  	[sflag:s15] =	ssyncadd.s32 $0xFFFFC000  }
0x2b: {  	[spmem:s10] =	stream.linear.scatter [tilespmem:s6], [sflag:$0x7], $0x4000, $0x38;
	[tilespmem:$0x1C200] =	vst v63  }
0x2c: {  	_ =	swait.ge [sflag:s15], $0x4000  }
0x2d: {  	[sflag:s15] =	ssyncset.done $0x0  }
0x2e: {  	[sflag:s15] =	ssyncadd.s32 $0xFFFFC000  }
0x2f: {  	[spmem:s7] =	stream.linear.scatter [tilespmem:s6], [sflag:$0x7], $0x4000, $0x38;
	[tilespmem:$0x1C200] =	vst v63  }
0x30: {  	_ =	swait.ge [sflag:s15], $0x4000  }
0x31: {  	[sflag:s15] =	ssyncset.done $0x0  }
0x32: {  	[sflag:s15] =	ssyncadd.s32 $0xFFFFC000  }
0x33: {  	s7 =	simm.s32 $0x0;
	[bflag:$0x0] =	sbarrier.arrive $0xFFFF  }
0x34: {  	[tilespmem:s7], [sflag:$0x7] =	stream.linear.gather [hbm4b:s8+s7], $0x100, $0x38;
	[tilespmem:$0x1C200] =	vst v63  }
0x35: {  	_ =	swait.ge [sflag:s15], $0x100  }
0x36: {  	[sflag:s15] =	ssyncset.done $0x0  }
0x37: {  	s8 =	simm.s32 $0x100;
	[sflag:s15] =	ssyncadd.s32 $0xFFFFFF00  }
0x38: {  	[tilespmem:s8], [sflag:$0x6] =	stream.linear.gather [hbm4b:s9+s7], $0x100, $0x38;
	[tilespmem:$0x1C200] =	vst v63  }
0x39: {  	s10 =	simm.s32 $0x1;
	s9 =	simm.s32 $0x80  }
0x3a: {  	[tilespmem:s6], [sflag:$0x1] =	stream.indirect.gather [hbm4b:s5+s9], $0x80, s7, s9, $0xb8;
	[tilespmem:$0x1C200] =	vst v63  }
0x3b: {  	_ =	swait.ge [sflag:s10], $0x4000  }
0x3c: {  	[sflag:s10] =	ssyncset.done $0x0  }
0x3d: {  	s11 =	simm.s32 $0x6;
	[sflag:s10] =	ssyncadd.s32 $0xFFFFC000  }
0x3e: {  	[spmem:s2] =	stream.indirect.scatter.add.f32 [tilespmem:s6], [sflag:$0x3], $0x80, s9, s9, $0xb8;
	[tilespmem:$0x1C200] =	vst v63  }
0x3f: {  	_ =	swait.ge [sflag:s11], $0x100  }
0x40: {  	[sflag:s11] =	ssyncset.done $0x0  }
0x41: {  	s14 =	simm.s32 $0x4200;
	s15 =	simm.s32 $0x3;
	[sflag:s11] =	ssyncadd.s32 $0xFFFFFF00  }
0x42: {  	[tilespmem:s14], [sflag:$0x2] =	stream.indirect.gather [hbm4b:s5+s9], $0x80, s8, s9, $0xb8;
	[tilespmem:$0x1C200] =	vst v63  }
0x43: {  	s12 =	sadd.s32 s12, s13;
	_ =	swait.ge [sflag:s15], $0x4000  }
0x44: {  	s20 =	sadd.s32 $0xFFFFEC40, s12;
	[sflag:s15] =	ssyncset.done $0x0  }
0x45: {  	s13 =	simm.s32 $0x2;
	s16 =	sadd.s32 $0x1400, s20;
	[sflag:s15] =	ssyncadd.s32 $0xFFFFC000  }
0x46: {  	[tilespmem:s7], [sflag:$0x5] =	stream.linear.gather [hbm4b:s16+s7], $0x100, $0x38;
	[tilespmem:$0x1C200] =	vst v63  }
0x47: {  	_ =	swait.ge [sflag:s13], $0x4000  }
0x48: {  	[sflag:s13] =	ssyncset.done $0x0  }
0x49: {  	s17 =	simm.s32 $0x5;
	s16 =	simm.s32 $0x180;
	[sflag:s13] =	ssyncadd.s32 $0xFFFFC000  }
0x4a: {  	[spmem:s2] =	stream.indirect.scatter.add.f32 [tilespmem:s14], [sflag:$0x4], $0x80, s16, s9, $0xb8;
	[tilespmem:$0x1C200] =	vst v63  }
0x4b: {  	_ =	swait.ge [sflag:s17], $0x100  }
0x4c: {  	[sflag:s17] =	ssyncset.done $0x0  }
0x4d: {  	s18 =	simm.s32 $0x4;
	[sflag:s17] =	ssyncadd.s32 $0xFFFFFF00  }
0x4e: {  	[tilespmem:s6], [sflag:$0x1] =	stream.indirect.gather [hbm4b:s5+s9], $0x80, s7, s9, $0xb8;
	[tilespmem:$0x1C200] =	vst v63  }
0x4f: {  	_ =	swait.ge [sflag:s18], $0x4000  }
0x50: {  	[sflag:s18] =	ssyncset.done $0x0  }
0x51: {  	s19 =	simm.s32 $0xFFFFEC80;
	s20 =	sadd.s32 $0x1420, s20;
	[sflag:s18] =	ssyncadd.s32 $0xFFFFC000  }
.LBB2_4:
0x52: {  	[tilespmem:s8], [sflag:$0x6] =	stream.linear.gather [hbm4b:s20+s7], $0x100, $0x38;
	[tilespmem:$0x1C200] =	vst v63  }
0x53: {  	s20 =	smov.u32 s19  }
0x54: {  	p0 =	sne.s32 s19, $0xFFFFFFC0;
	s19 =	sadd.s32 $0x40, s19;
	_ =	swait.ge [sflag:s10], $0x4000  }
0x55: {  	[sflag:s10] =	ssyncset.done $0x0  }
0x56: {  	[sflag:s10] =	ssyncadd.s32 $0xFFFFC000  }
0x57: {  	[spmem:s2] =	stream.indirect.scatter.add.f32 [tilespmem:s6], [sflag:$0x3], $0x80, s9, s9, $0xb8;
	[tilespmem:$0x1C200] =	vst v63  }
0x58: {  	_ =	swait.ge [sflag:s11], $0x100  }
0x59: {  	[sflag:s11] =	ssyncset.done $0x0  }
0x5a: {  	[sflag:s11] =	ssyncadd.s32 $0xFFFFFF00  }
0x5b: {  	[tilespmem:s14], [sflag:$0x2] =	stream.indirect.gather [hbm4b:s5+s9], $0x80, s8, s9, $0xb8;
	[tilespmem:$0x1C200] =	vst v63  }
0x5c: {  	_ =	swait.ge [sflag:s15], $0x4000  }
0x5d: {  	s20 =	sadd.s32 s20, s12;
	[sflag:s15] =	ssyncset.done $0x0  }
0x5e: {  	s21 =	sadd.s32 $0x1400, s20;
	[sflag:s15] =	ssyncadd.s32 $0xFFFFC000  }
0x5f: {  	[tilespmem:s7], [sflag:$0x5] =	stream.linear.gather [hbm4b:s21+s7], $0x100, $0x38;
	[tilespmem:$0x1C200] =	vst v63  }
0x60: {  	_ =	swait.ge [sflag:s13], $0x4000  }
0x61: {  	[sflag:s13] =	ssyncset.done $0x0  }
0x62: {  	[sflag:s13] =	ssyncadd.s32 $0xFFFFC000  }
0x63: {  	[spmem:s2] =	stream.indirect.scatter.add.f32 [tilespmem:s14], [sflag:$0x4], $0x80, s16, s9, $0xb8;
	[tilespmem:$0x1C200] =	vst v63  }
0x64: {  	_ =	swait.ge [sflag:s17], $0x100  }
0x65: {  	[sflag:s17] =	ssyncset.done $0x0  }
.Ltmp2:
0x66: {  	[sflag:s17] =	ssyncadd.s32 $0xFFFFFF00;
	(pc) =	sbr.rel @p0 .LBB2_4-.Ltmp2, $4  }
0x67: {  	[tilespmem:s6], [sflag:$0x1] =	stream.indirect.gather [hbm4b:s5+s9], $0x80, s7, s9, $0xb8;
	[tilespmem:$0x1C200] =	vst v63  }
0x68: {  	_ =	swait.ge [sflag:s18], $0x4000  }
0x69: {  	[sflag:s18] =	ssyncset.done $0x0  }
0x6a: {  	s20 =	sadd.s32 $0x1420, s20;
	[sflag:s18] =	ssyncadd.s32 $0xFFFFC000  }
0x6b: {  	[tilespmem:s8], [sflag:$0x6] =	stream.linear.gather [hbm4b:s20+s7], $0x100, $0x38;
	[tilespmem:$0x1C200] =	vst v63  }
0x6c: {  	s6 =	simm.s32 $0x1  }
0x6d: {  	_ =	swait.ge [sflag:s6], $0x4000  }
0x6e: {  	s20 =	simm.s32 $0x80;
	[sflag:s6] =	ssyncset.done $0x0  }
0x6f: {  	s21 =	simm.s32 $0x200;
	s22 =	simm.s32 $0x6;
	[sflag:s6] =	ssyncadd.s32 $0xFFFFC000  }
0x70: {  	[spmem:s2] =	stream.indirect.scatter.add.f32 [tilespmem:s21], [sflag:$0x3], $0x80, s20, s20, $0xb8;
	[tilespmem:$0x1C200] =	vst v63  }
0x71: {  	_ =	swait.ge [sflag:s22], $0x100  }
0x72: {  	s23 =	simm.s32 $0x100;
	[sflag:s22] =	ssyncset.done $0x0  }
0x73: {  	s24 =	simm.s32 $0x4200;
	s25 =	simm.s32 $0x3;
	[sflag:s22] =	ssyncadd.s32 $0xFFFFFF00  }
0x74: {  	[tilespmem:s24], [sflag:$0x2] =	stream.indirect.gather [hbm4b:s5+s20], $0x80, s23, s20, $0xb8;
	[tilespmem:$0x1C200] =	vst v63  }
0x75: {  	_ =	swait.ge [sflag:s25], $0x4000  }
0x76: {  	[sflag:s25] =	ssyncset.done $0x0  }
0x77: {  	s26 =	simm.s32 $0x2;
	[sflag:s25] =	ssyncadd.s32 $0xFFFFC000  }
0x78: {  	_ =	swait.ge [sflag:s26], $0x4000  }
0x79: {  	[sflag:s26] =	ssyncset.done $0x0  }
0x7a: {  	s28 =	simm.s32 $0x180;
	s29 =	simm.s32 $0x4;
	[sflag:s26] =	ssyncadd.s32 $0xFFFFC000  }
0x7b: {  	[spmem:s2] =	stream.indirect.scatter.add.f32 [tilespmem:s24], [sflag:$0x4], $0x80, s28, s20, $0xb8;
	[tilespmem:$0x1C200] =	vst v63  }
0x7c: {  	_ =	swait.ge [sflag:s29], $0x4000  }
0x7d: {  	[sflag:s29] =	ssyncset.done $0x0  }
0x7e: {  	s30 =	sshll.u32 s1, $0x6;
	s3 =	sshrl.u32 s3, $0x3;
	[sflag:s29] =	ssyncadd.s32 $0xFFFFC000  }
0x7f: {  	s31 =	simm.s32 $0x7;
	s2 =	sor.u32 $0x1C07, s30;
	[bflag:$0x0] =	sbarrier.arrive $0xFFFF  }
0x80: {  	[hbm:s4], [sflag:s2] =	dma.local [spmem:s3], $0x2800  }
0x81: {  	_ =	swait.ge [sflag:s31], $0x2800  }
0x82: {  	[sflag:s31] =	ssyncset.done $0x0  }
0x83: {  	[sflag:s31] =	ssyncadd.s32 $0xFFFFD800  }
.LBB2_6:
0x84: {  	_ =	sfence.sel $0x180000  }
0x85: {  	[bflag:$0x0] =	sbarrier.arrive $0xFFFF  }
0x86: {  	p0 =	sne.s32 s1, $0x0;
	_ =	strace $0x9000004A  }
0x87: {  	s0 =	sadd.s32 @!p0 $0x100000, s0;
	[bflag:$0x2] =	sbarrier.arrive $0xFFFF  }
0x88: {  	[sflag:s0] =	ssyncadd.tile.s32 @!p0 $0x1;
	_ =	shalt  }
.Lfunc_end2:
_tile_overlayer_lowered:
.L_overlay_start_2:
0x89: {  	(tag) =	ssettag $0x2  }
0x8a: {  	s0 =	rddreg [dreg:$0x0];
	s2 =	stileid.u32  }
0x8b: {  	s1 =	rddreg [dreg:$0x1];
	p0 =	sne.s32 s2, $0x0  }
0x8c: {  	s3 =	rddreg [dreg:$0x2];
	[bflag:$0x3] =	sbarrier.arrive $0xFFFF;
	s2 =	simm.s32 @!p0 $0x1C07  }
0x8d: {  	[timem:s3], [sflag:s2] =	dma.local @!p0 [hbm:s0], s1  }
0x8e: {  	s0 =	simm.s32 @!p0 $0x7  }
0x8f: {  	_ =	swait.ge @!p0 [sflag:s0], s1  }
0x90: {  	s1 =	ssub.s32 @!p0 $0x0, s1;
	[sflag:s0] =	ssyncset.done @!p0 $0x0  }
0x91: {  	[sflag:s0] =	ssyncadd.s32 @!p0 s1  }
0x92: {  	[bflag:$0x3] =	sbarrier.arrive $0xFFFF  }
0x93: {  	_ =	shalt  }

// kernel: kernel.14.cloned.1.call-start
scs
__scs_entry_jumppad:
0x0: {  	(pc) =	sbr.rel $0x88, $3  }
0x1: {  	(tag) =	ssettag $0x0;
	lr =	simm.s32 $0x1  }
0x2: {  	[smem:$0x3F98] =	sst lr;
	_ =	strace $0xD0000000  }
0x3: {  	_ = 	snop  }
0x4: {  	_ = 	snop  }
0x5: {  	_ = 	snop  }
0x6: {  	_ = 	snop  }
0x7: {  	_ = 	snop  }
__scs_overlays_trampoline_lowered:
0x8: {  	[smem:$0x3FA7] =	sst s0  }
0x9: {  	[smem:$0x3FA8] =	sst s1  }
0xa: {  	[smem:$0x3FA9] =	sst s2  }
0xb: {  	[smem:$0x3FAA] =	sst s3  }
0xc: {  	[smem:$0x3FAB] =	sst s4  }
0xd: {  	[smem:$0x3FAC] =	sst s5  }
0xe: {  	[smem:$0x3FAD] =	sst s6  }
0xf: {  	[smem:$0x3FAE] =	sst s7  }
0x10: {  	[smem:$0x3FAF] =	sst s8  }
0x11: {  	[smem:$0x3FB0] =	sst s9;
	s0 =	simm.s32 @!p0 $0x0  }
0x12: {  	s1 =	sld [smem:$0x3F96];
	s0 =	simm.s32 @p0 $0x1  }
0x13: {  	[smem:$0x3FB1] =	sst s0;
	s0 =	simm.s32 @!p1 $0x0  }
0x14: {  	s2 =	sld [smem:$0x3F95];
	s0 =	simm.s32 @p1 $0x1  }
0x15: {  	[smem:$0x3FB2] =	sst s0;
	s0 =	simm.s32 @!p2 $0x0  }
0x16: {  	s3 =	sld [smem:$0x3FDB];
	s0 =	simm.s32 @p2 $0x1  }
0x17: {  	s4 =	simm.s32 $0x1BF5;
	[smem:$0x3FB4] =	sst s0  }
0x18: {  	s0 =	sld [smem:$0x3F97];
	_ =	swait.ge [sflag:s4], $0x0  }
0x19: {  	s7 =	sld [smem:$0x3F98]  }
0x1a: {  	s8 =	sadd.s32 $0xFFFFE003, lr  }
0x1b: {  	s9 =	sadd.s32 $0xFFFFFEF7, lr;
	s5 =	simm.s32 $0xFFFFFFFF;
	p2 =	slt.u32 s8, $0xFFFFF086  }
0x1c: {  	p1 =	slt.u32 s9, $0xF7A;
	s5 =	simm.s32 @!p2 $0x0  }
0x1d: {  	s5 =	simm.s32 @p1 $0x1;
	p0 =	seq.s32 s7, s2  }
0x1e: {  	s7 =	smul.u32 @!p0 $0xF7A, s2;
	p2 =	seq.s32 @!p0 s5, $0x0  }
0x1f: {  	s9 =	smul.u32 $0xF7A, s1;
	s8 =	simm.s32 @!p0 $0x1BF5;
	p2 =	por !p2, p0  }
0x20: {  	[sflag:s8] =	ssyncset.s32 @!p0 $0xFFFFF086;
	s6 =	sadd.s32 @!p0 s3, s7;
	s7 =	simm.s32 @!p0 $0x108  }
0x21: {  	s3 =	sadd.s32 s3, s9;
	s6 =	sadd.s32 @!p0 $0x88, s6;
	s7 =	simm.s32 @p2 $0x1082  }
0x22: {  	[simem:s7], [sflag:s8] =	dma.local @!p0 [hbm:s6], $0xF7A  }
0x23: {  	s9 =	sor.u32 $0xD0000000, s2;
	s6 =	simm.s32 $0x108;
	_ =	swait.ge @!p0 [sflag:s8], $0x0  }
0x24: {  	s3 =	sadd.s32 $0x88, s3;
	s6 =	simm.s32 @!p1 $0x1082;
	[sflag:s4] =	ssyncset.s32 $0xFFFFF086  }
0x25: {  	[simem:s6], [sflag:s4] =	dma.local [hbm:s3], $0xF7A  }
0x26: {  	[smem:$0x3F98] =	sst s1;
	(tag) =	ssettag s2;
	_ =	strace s9  }
0x27: {  	s1 =	sld [smem:$0x3FA8]  }
0x28: {  	s2 =	sld [smem:$0x3FA9]  }
0x29: {  	s4 =	sld [smem:$0x3FAB]  }
0x2a: {  	p0 =	seq.s32 s5, $0x0;
	s5 =	sld [smem:$0x3FAC]  }
0x2b: {  	s6 =	sld [smem:$0x3FAD]  }
0x2c: {  	s7 =	sld [smem:$0x3FAE]  }
0x2d: {  	s3 =	simm.s32 $0x108;
	s8 =	sld [smem:$0x3FAF]  }
0x2e: {  	s3 =	simm.s32 @!p0 $0x1082;
	s9 =	sld [smem:$0x3FB0]  }
0x2f: {  	lr =	sadd.s32 s0, s3;
	s0 =	sld [smem:$0x3FA7]  }
0x30: {  	s3 =	sld [smem:$0x3FAA]  }
0x31: {  	[smem:$0x3FB3] =	sst s10  }
0x32: {  	s10 =	sld [smem:$0x3FB1];
	_ =	sdelay $0x3  }
0x33: {  	p0 =	seq.s32 s10, $0x1;
	s10 =	sld [smem:$0x3FB3];
	_ =	sdelay $0x3  }
0x34: {  	[smem:$0x3FB3] =	sst s10  }
0x35: {  	s10 =	sld [smem:$0x3FB2];
	_ =	sdelay $0x3  }
0x36: {  	p1 =	seq.s32 s10, $0x1;
	s10 =	sld [smem:$0x3FB3];
	_ =	sdelay $0x3  }
0x37: {  	[smem:$0x3FB3] =	sst s10  }
0x38: {  	s10 =	sld [smem:$0x3FB4]  }
0x39: {  	_ = 	snop;
	(pc) =	sbr.ind lr, $3  }
0x3a: {  	_ = 	snop  }
0x3b: {  	_ = 	snop  }
0x3c: {  	p2 =	seq.s32 s10, $0x1;
	s10 =	sld [smem:$0x3FB3]  }
0x3d: {  	_ =	shalt  }
0x3e: {  	_ =	shalt  }
0x3f: {  	_ =	shalt  }
0x40: {  	_ =	shalt  }
0x41: {  	_ =	shalt  }
0x42: {  	_ =	shalt  }
0x43: {  	_ =	shalt  }
0x44: {  	_ =	shalt  }
0x45: {  	_ =	shalt  }
0x46: {  	_ =	shalt  }
0x47: {  	_ =	shalt  }
0x48: {  	_ =	shalt  }
0x49: {  	_ =	shalt  }
0x4a: {  	_ =	shalt  }
0x4b: {  	_ =	shalt  }
0x4c: {  	_ =	shalt  }
0x4d: {  	_ =	shalt  }
0x4e: {  	_ =	shalt  }
0x4f: {  	_ =	shalt  }
0x50: {  	_ =	shalt  }
0x51: {  	_ =	shalt  }
0x52: {  	_ =	shalt  }
0x53: {  	_ =	shalt  }
0x54: {  	_ =	shalt  }
0x55: {  	_ =	shalt  }
0x56: {  	_ =	shalt  }
0x57: {  	_ =	shalt  }
0x58: {  	_ =	shalt  }
0x59: {  	_ =	shalt  }
0x5a: {  	_ =	shalt  }
0x5b: {  	_ =	shalt  }
0x5c: {  	_ =	shalt  }
0x5d: {  	_ =	shalt  }
0x5e: {  	_ =	shalt  }
0x5f: {  	_ =	shalt  }
0x60: {  	_ =	shalt  }
0x61: {  	_ =	shalt  }
0x62: {  	_ =	shalt  }
0x63: {  	_ =	shalt  }
0x64: {  	_ =	shalt  }
0x65: {  	_ =	shalt  }
0x66: {  	_ =	shalt  }
0x67: {  	_ =	shalt  }
0x68: {  	_ =	shalt  }
0x69: {  	_ =	shalt  }
0x6a: {  	_ =	shalt  }
0x6b: {  	_ =	shalt  }
0x6c: {  	_ =	shalt  }
0x6d: {  	_ =	shalt  }
0x6e: {  	_ =	shalt  }
0x6f: {  	_ =	shalt  }
0x70: {  	_ =	shalt  }
0x71: {  	_ =	shalt  }
0x72: {  	_ =	shalt  }
0x73: {  	_ =	shalt  }
0x74: {  	_ =	shalt  }
0x75: {  	_ =	shalt  }
0x76: {  	_ =	shalt  }
0x77: {  	_ =	shalt  }
0x78: {  	_ =	shalt  }
0x79: {  	_ =	shalt  }
0x7a: {  	_ =	shalt  }
0x7b: {  	_ =	shalt  }
0x7c: {  	_ =	shalt  }
0x7d: {  	_ =	shalt  }
0x7e: {  	_ =	shalt  }
0x7f: {  	_ =	shalt  }
0x80: {  	_ =	shalt  }
0x81: {  	_ =	shalt  }
0x82: {  	_ =	shalt  }
0x83: {  	_ =	shalt  }
0x84: {  	_ =	shalt  }
0x85: {  	_ =	shalt  }
0x86: {  	_ =	shalt  }
0x87: {  	_ =	shalt  }
.Lfunc_end0:
.L_simem_size_0:
called_computation.2_lowered:
.L_overlay_start_0:
0x88: {  	s2 =	sld [smem:$0x3FD9]  }
0x89: {  	s3 =	sld [smem:$0x3FFE];
	_ =	sdelay $0x1  }
0x8a: {  	s1 =	srdreg.scid  }
0x8b: {  	s0 =	sand.u32 $0x1, s1  }
0x8c: {  	s17 =	sshll.u32 s0, $0xA;
	s2 =	sadd.s32 s3, s2  }
0x8d: {  	s2 =	sadd.s32 s2, s17  }
0x8e: {  	[smem:$0x3FBF] =	sst s2  }
0x8f: {  	_ = 	snop  }
0x90: {  	s2 =	sld [smem:$0x3FD0];
	(tm) =	ssettm $0x1  }
0x91: {  	s18 =	sld [smem:$0x3FFB];
	_ =	sdelay $0x3  }
0x92: {  	_ =	strace s18  }
0x93: {  	s3 =	sld [smem:$0x3FFC];
	_ =	sdelay $0x3  }
0x94: {  	_ =	strace s3  }
0x95: {  	s3 =	sld [smem:$0x3FFD];
	_ =	sdelay $0x3  }
0x96: {  	_ =	strace s3  }
0x97: {  	_ =	strace $0x8FFFFFFF  }
0x98: {  	s19 =	sld [smem:$0x3FDB];
	_ =	sdelay $0x1  }
0x99: {  	s4 =	simm.s32 $_scs_section_size  }
0x9a: {  	s5 =	simm.s32 $_size__tile_overlayer_lowered;
	s6 =	simm.s32 $_tile_overlayer_lowered  }
0x9b: {  	s22 =	simm.s32 $0x1BFF;
	s21 =	sshll.u32 s6, $0x1;
	s3 =	sadd.s32 s4, s19  }
0x9c: {  	s7 =	simm.s32 $0x0;
	s20 =	sshll.u32 s5, $0x1;
	s5 =	sadd.s32 s21, s3  }
0x9d: {  	[timem:s7], [sflag:s22] =	dma.local [hbm:s5], s20  }
0x9e: {  	_ =	swait.ge [sflag:s22], s20  }
0x9f: {  	s4 =	ssub.s32 $0x0, s20;
	[sflag:s22] =	ssyncset.done $0x0  }
0xa0: {  	[sflag:s22] =	ssyncadd.s32 s4;
	_ =	sdelay $0x1  }
0xa1: {  	s23 =	simm.s32 $0x1B8B  }
0xa2: {  	_ =	swait.ge [sflag:s23], $0x1  }
0xa3: {  	[sflag:s23] =	ssyncset.done $0x0  }
0xa4: {  	s25 =	simm.s32 $0x1B8E;
	s24 =	sld [smem:$0x3FFE];
	[sflag:s23] =	ssyncadd.s32 $0xFFFFFFFF  }
0xa5: {  	s26 =	simm.s32 $execute0_lowered;
	[smem:$0x3FD2] =	sst s25  }
0xa6: {  	s5 =	sshll.u32 s26, $0x1;
	_ =	strace $0x8000004C;
	[dreg:$0x1] =	wrdreg $0xFFFFFFFF  }
0xa7: {  	s28 =	simm.s32 $_size_execute0_lowered;
	s3 =	sadd.s32 s3, s5;
	[dreg:$0x0] =	wrdreg $0x0  }
0xa8: {  	s5 =	sshll.u32 s28, $0x1;
	[dreg:$0x2] =	wrdreg s3  }
0xa9: {  	[dreg:$0x3] =	wrdreg s5  }
0xaa: {  	[dreg:$0x4] =	wrdreg $0xC0  }
0xab: {  	_ =	task [dreg:s7], $0x5FFFF  }
0xac: {  	[dreg:$0x1] =	wrdreg $0xFFFFFFFF  }
0xad: {  	[dreg:$0x0] =	wrdreg $0x60  }
0xae: {  	[dreg:$0x2] =	wrdreg s24  }
0xaf: {  	[dreg:$0x3] =	wrdreg s2  }
0xb0: {  	[dreg:$0x4] =	wrdreg $0x82000  }
0xb1: {  	[dreg:$0x5] =	wrdreg $0x9  }
0xb2: {  	_ =	task.clear_ibuf [dreg:s7], $0x6FFFF;
	_ =	strace $0x9000004C  }
0xb3: {  	s29 =	simm.s32 $0x9;
	_ =	strace $0x8000004E  }
0xb4: {  	_ =	swait.ge [sflag:s29], $0x1  }
0xb5: {  	[sflag:s29] =	ssyncadd.s32 $0xFFFFFFFF  }
0xb6: {  	_ =	strace $0x9000004E  }
0xb7: {  	_ =	sfence  }
0xb8: {  	s30 =	sld [smem:$0x0];
	_ =	sdelay $0x2  }
0xb9: {  	s31 =	sshll.u32 s1, $0xD;
	s1 =	sshrl.u32 s1, $0x2  }
0xba: {  	s3 =	sand.u32 $0x4000, s31;
	s1 =	sadd.s32 s1, s30  }
0xbb: {  	s0 =	sor.u32 s3, s0;
	s1 =	sshll.u32 s1, $0x11  }
0xbc: {  	s0 =	sor.u32 s1, s0  }
0xbd: {  	s0 =	sadd.s32 $0x8F2B, s0  }
0xbe: {  	[sflag:s0] =	ssyncadd.remote.s32 $0x1  }
0xbf: {  	_ =	sfence.sel $0xFFFF  }
0xc0: {  	[dreg:$0x0] =	wrdreg $0xFFFFFFFF;
	(pc) =	sbr.abs _section_cstart, $3  }
0xc1: {  	[dreg:$0x1] =	wrdreg $0xFFFFFFFF  }
0xc2: {  	_ =	task.clear_ibuf [dreg:s7], $0x2FFFF;
	_ =	strace $0x9FFFFFFF  }
0xc3: {  	(tm) =	ssettm $0x7FFFFFFF  }
tec
execute0_lowered:
.L_overlay_start_1:
0x0: {  	(tag) =	ssettag $0x1  }
0x1: {  	s1 =	srdreg.scid  }
0x2: {  	s1 =	sand.u32 $0x1, s1  }
0x3: {  	p0 =	seq.s32 s1, $0x1  }
.Ltmp0:
0x4: {  	s6 =	rddreg [dreg:$0x0];
	(pc) =	sbr.rel @p0 .LBB2_6-.Ltmp0, $4  }
0x5: {  	s4 =	rddreg [dreg:$0x1]  }
0x6: {  	s2 =	rddreg [dreg:$0x2];
	s3 =	simm.s32 $0x0  }
0x7: {  	[smem:$0x7FF] =	sst s3  }
0x8: {  	s0 =	rddreg [dreg:$0x3];
	_ =	strace $0x8000004D;
	s1 =	stileid.u32  }
0x9: {  	s3 =	smul.u32 $0x50000, s1  }
0xa: {  	s12 =	smul.u32 $0x1400, s1;
	s5 =	sadd.s32 $0x16E00, s6;
	s13 =	sadd.s32 $0x2E00, s6  }
0xb: {  	s31 =	smul.u32 $0x2800, s1;
	s6 =	simm.s32 $0x0;
	s3 =	sshrl.u32 s3, $0x2  }
0xc: {  	s15 =	simm.s32 $0x200;
	s8 =	sadd.s32 s13, s12;
	s3 =	sadd.s32 s3, s2  }
0xd: {  	s4 =	sadd.s32 s4, s31;
	s9 =	sadd.s32 $0x20, s8;
	s14 =	sadd.s32 $0x4000, s3  }
0xe: {  	v0 =	vimm.f32 $0.0e+00;
	s11 =	sadd.s32 $0x8000, s3;
	s10 =	sadd.s32 $0xC000, s3;
	s7 =	sadd.s32 $0x10000, s3  }
.LBB2_2:
0xf: {  	p0 =	sne.s32 s15, $0xFE00;
	[tilespmem:s6+$0x270] =	vst v0  }
0x10: {  	[tilespmem:s6+$0x200] =	vst v0  }
0x11: {  	[tilespmem:s6+$0x210] =	vst v0  }
.Ltmp1:
0x12: {  	[tilespmem:s6+$0x220] =	vst v0;
	(pc) =	sbr.rel @p0 .LBB2_2-.Ltmp1, $4  }
0x13: {  	[tilespmem:s6+$0x230] =	vst v0  }
0x14: {  	[tilespmem:s6+$0x240] =	vst v0  }
0x15: {  	[tilespmem:s6+$0x250] =	vst v0  }
0x16: {  	[tilespmem:s6+$0x260] =	vst v0;
	s6 =	sshra.s32 s15, $0x2;
	s15 =	sadd.s32 $0x200, s15  }
0x17: {  	[tilespmem:s6+$0x270] =	vst v0  }
0x18: {  	[tilespmem:s6+$0x200] =	vst v0  }
0x19: {  	[tilespmem:s6+$0x210] =	vst v0  }
0x1a: {  	[tilespmem:s6+$0x220] =	vst v0  }
0x1b: {  	[tilespmem:s6+$0x230] =	vst v0  }
0x1c: {  	[tilespmem:s6+$0x240] =	vst v0  }
0x1d: {  	[tilespmem:s6+$0x250] =	vst v0  }
0x1e: {  	[tilespmem:s6+$0x260] =	vst v0;
	s6 =	simm.s32 $0x200;
	s15 =	simm.s32 $0x7  }
0x1f: {  	[spmem:s3] =	stream.linear.scatter [tilespmem:s6], [sflag:$0x7], $0x4000, $0x38;
	[tilespmem:$0x1C200] =	vst v63  }
0x20: {  	_ =	swait.ge [sflag:s15], $0x4000  }
0x21: {  	[sflag:s15] =	ssyncset.done $0x0  }
0x22: {  	[sflag:s15] =	ssyncadd.s32 $0xFFFFC000  }
0x23: {  	[spmem:s14] =	stream.linear.scatter [tilespmem:s6], [sflag:$0x7], $0x4000, $0x38;
	[tilespmem:$0x1C200] =	vst v63  }
0x24: {  	_ =	swait.ge [sflag:s15], $0x4000  }
0x25: {  	[sflag:s15] =	ssyncset.done $0x0  }
0x26: {  	[sflag:s15] =	ssyncadd.s32 $0xFFFFC000  }
0x27: {  	[spmem:s11] =	stream.linear.scatter [tilespmem:s6], [sflag:$0x7], $0x4000, $0x38;
	[tilespmem:$0x1C200] =	vst v63  }
0x28: {  	_ =	swait.ge [sflag:s15], $0x4000  }
0x29: {  	[sflag:s15] =	ssyncset.done $0x0  }
0x2a: {  	[sflag:s15] =	ssyncadd.s32 $0xFFFFC000  }
0x2b: {  	[spmem:s10] =	stream.linear.scatter [tilespmem:s6], [sflag:$0x7], $0x4000, $0x38;
	[tilespmem:$0x1C200] =	vst v63  }
0x2c: {  	_ =	swait.ge [sflag:s15], $0x4000  }
0x2d: {  	[sflag:s15] =	ssyncset.done $0x0  }
0x2e: {  	[sflag:s15] =	ssyncadd.s32 $0xFFFFC000  }
0x2f: {  	[spmem:s7] =	stream.linear.scatter [tilespmem:s6], [sflag:$0x7], $0x4000, $0x38;
	[tilespmem:$0x1C200] =	vst v63  }
0x30: {  	_ =	swait.ge [sflag:s15], $0x4000  }
0x31: {  	[sflag:s15] =	ssyncset.done $0x0  }
0x32: {  	[sflag:s15] =	ssyncadd.s32 $0xFFFFC000  }
0x33: {  	s7 =	simm.s32 $0x0;
	[bflag:$0x0] =	sbarrier.arrive $0xFFFF  }
0x34: {  	[tilespmem:s7], [sflag:$0x7] =	stream.linear.gather [hbm4b:s8+s7], $0x100, $0x38;
	[tilespmem:$0x1C200] =	vst v63  }
0x35: {  	_ =	swait.ge [sflag:s15], $0x100  }
0x36: {  	[sflag:s15] =	ssyncset.done $0x0  }
0x37: {  	s8 =	simm.s32 $0x100;
	[sflag:s15] =	ssyncadd.s32 $0xFFFFFF00  }
0x38: {  	[tilespmem:s8], [sflag:$0x6] =	stream.linear.gather [hbm4b:s9+s7], $0x100, $0x38;
	[tilespmem:$0x1C200] =	vst v63  }
0x39: {  	s10 =	simm.s32 $0x1;
	s9 =	simm.s32 $0x80  }
0x3a: {  	[tilespmem:s6], [sflag:$0x1] =	stream.indirect.gather [hbm4b:s5+s9], $0x80, s7, s9, $0xb8;
	[tilespmem:$0x1C200] =	vst v63  }
0x3b: {  	_ =	swait.ge [sflag:s10], $0x4000  }
0x3c: {  	[sflag:s10] =	ssyncset.done $0x0  }
0x3d: {  	s11 =	simm.s32 $0x6;
	[sflag:s10] =	ssyncadd.s32 $0xFFFFC000  }
0x3e: {  	[spmem:s2] =	stream.indirect.scatter.add.f32 [tilespmem:s6], [sflag:$0x3], $0x80, s9, s9, $0xb8;
	[tilespmem:$0x1C200] =	vst v63  }
0x3f: {  	_ =	swait.ge [sflag:s11], $0x100  }
0x40: {  	[sflag:s11] =	ssyncset.done $0x0  }
0x41: {  	s14 =	simm.s32 $0x4200;
	s15 =	simm.s32 $0x3;
	[sflag:s11] =	ssyncadd.s32 $0xFFFFFF00  }
0x42: {  	[tilespmem:s14], [sflag:$0x2] =	stream.indirect.gather [hbm4b:s5+s9], $0x80, s8, s9, $0xb8;
	[tilespmem:$0x1C200] =	vst v63  }
0x43: {  	s12 =	sadd.s32 s12, s13;
	_ =	swait.ge [sflag:s15], $0x4000  }
0x44: {  	s20 =	sadd.s32 $0xFFFFEC40, s12;
	[sflag:s15] =	ssyncset.done $0x0  }
0x45: {  	s13 =	simm.s32 $0x2;
	s16 =	sadd.s32 $0x1400, s20;
	[sflag:s15] =	ssyncadd.s32 $0xFFFFC000  }
0x46: {  	[tilespmem:s7], [sflag:$0x5] =	stream.linear.gather [hbm4b:s16+s7], $0x100, $0x38;
	[tilespmem:$0x1C200] =	vst v63  }
0x47: {  	_ =	swait.ge [sflag:s13], $0x4000  }
0x48: {  	[sflag:s13] =	ssyncset.done $0x0  }
0x49: {  	s17 =	simm.s32 $0x5;
	s16 =	simm.s32 $0x180;
	[sflag:s13] =	ssyncadd.s32 $0xFFFFC000  }
0x4a: {  	[spmem:s2] =	stream.indirect.scatter.add.f32 [tilespmem:s14], [sflag:$0x4], $0x80, s16, s9, $0xb8;
	[tilespmem:$0x1C200] =	vst v63  }
0x4b: {  	_ =	swait.ge [sflag:s17], $0x100  }
0x4c: {  	[sflag:s17] =	ssyncset.done $0x0  }
0x4d: {  	s18 =	simm.s32 $0x4;
	[sflag:s17] =	ssyncadd.s32 $0xFFFFFF00  }
0x4e: {  	[tilespmem:s6], [sflag:$0x1] =	stream.indirect.gather [hbm4b:s5+s9], $0x80, s7, s9, $0xb8;
	[tilespmem:$0x1C200] =	vst v63  }
0x4f: {  	_ =	swait.ge [sflag:s18], $0x4000  }
0x50: {  	[sflag:s18] =	ssyncset.done $0x0  }
0x51: {  	s19 =	simm.s32 $0xFFFFEC80;
	s20 =	sadd.s32 $0x1420, s20;
	[sflag:s18] =	ssyncadd.s32 $0xFFFFC000  }
.LBB2_4:
0x52: {  	[tilespmem:s8], [sflag:$0x6] =	stream.linear.gather [hbm4b:s20+s7], $0x100, $0x38;
	[tilespmem:$0x1C200] =	vst v63  }
0x53: {  	s20 =	smov.u32 s19  }
0x54: {  	p0 =	sne.s32 s19, $0xFFFFFFC0;
	s19 =	sadd.s32 $0x40, s19;
	_ =	swait.ge [sflag:s10], $0x4000  }
0x55: {  	[sflag:s10] =	ssyncset.done $0x0  }
0x56: {  	[sflag:s10] =	ssyncadd.s32 $0xFFFFC000  }
0x57: {  	[spmem:s2] =	stream.indirect.scatter.add.f32 [tilespmem:s6], [sflag:$0x3], $0x80, s9, s9, $0xb8;
	[tilespmem:$0x1C200] =	vst v63  }
0x58: {  	_ =	swait.ge [sflag:s11], $0x100  }
0x59: {  	[sflag:s11] =	ssyncset.done $0x0  }
0x5a: {  	[sflag:s11] =	ssyncadd.s32 $0xFFFFFF00  }
0x5b: {  	[tilespmem:s14], [sflag:$0x2] =	stream.indirect.gather [hbm4b:s5+s9], $0x80, s8, s9, $0xb8;
	[tilespmem:$0x1C200] =	vst v63  }
0x5c: {  	_ =	swait.ge [sflag:s15], $0x4000  }
0x5d: {  	s20 =	sadd.s32 s20, s12;
	[sflag:s15] =	ssyncset.done $0x0  }
0x5e: {  	s21 =	sadd.s32 $0x1400, s20;
	[sflag:s15] =	ssyncadd.s32 $0xFFFFC000  }
0x5f: {  	[tilespmem:s7], [sflag:$0x5] =	stream.linear.gather [hbm4b:s21+s7], $0x100, $0x38;
	[tilespmem:$0x1C200] =	vst v63  }
0x60: {  	_ =	swait.ge [sflag:s13], $0x4000  }
0x61: {  	[sflag:s13] =	ssyncset.done $0x0  }
0x62: {  	[sflag:s13] =	ssyncadd.s32 $0xFFFFC000  }
0x63: {  	[spmem:s2] =	stream.indirect.scatter.add.f32 [tilespmem:s14], [sflag:$0x4], $0x80, s16, s9, $0xb8;
	[tilespmem:$0x1C200] =	vst v63  }
0x64: {  	_ =	swait.ge [sflag:s17], $0x100  }
0x65: {  	[sflag:s17] =	ssyncset.done $0x0  }
.Ltmp2:
0x66: {  	[sflag:s17] =	ssyncadd.s32 $0xFFFFFF00;
	(pc) =	sbr.rel @p0 .LBB2_4-.Ltmp2, $4  }
0x67: {  	[tilespmem:s6], [sflag:$0x1] =	stream.indirect.gather [hbm4b:s5+s9], $0x80, s7, s9, $0xb8;
	[tilespmem:$0x1C200] =	vst v63  }
0x68: {  	_ =	swait.ge [sflag:s18], $0x4000  }
0x69: {  	[sflag:s18] =	ssyncset.done $0x0  }
0x6a: {  	s20 =	sadd.s32 $0x1420, s20;
	[sflag:s18] =	ssyncadd.s32 $0xFFFFC000  }
0x6b: {  	[tilespmem:s8], [sflag:$0x6] =	stream.linear.gather [hbm4b:s20+s7], $0x100, $0x38;
	[tilespmem:$0x1C200] =	vst v63  }
0x6c: {  	s6 =	simm.s32 $0x1  }
0x6d: {  	_ =	swait.ge [sflag:s6], $0x4000  }
0x6e: {  	s20 =	simm.s32 $0x80;
	[sflag:s6] =	ssyncset.done $0x0  }
0x6f: {  	s21 =	simm.s32 $0x200;
	s22 =	simm.s32 $0x6;
	[sflag:s6] =	ssyncadd.s32 $0xFFFFC000  }
0x70: {  	[spmem:s2] =	stream.indirect.scatter.add.f32 [tilespmem:s21], [sflag:$0x3], $0x80, s20, s20, $0xb8;
	[tilespmem:$0x1C200] =	vst v63  }
0x71: {  	_ =	swait.ge [sflag:s22], $0x100  }
0x72: {  	s23 =	simm.s32 $0x100;
	[sflag:s22] =	ssyncset.done $0x0  }
0x73: {  	s24 =	simm.s32 $0x4200;
	s25 =	simm.s32 $0x3;
	[sflag:s22] =	ssyncadd.s32 $0xFFFFFF00  }
0x74: {  	[tilespmem:s24], [sflag:$0x2] =	stream.indirect.gather [hbm4b:s5+s20], $0x80, s23, s20, $0xb8;
	[tilespmem:$0x1C200] =	vst v63  }
0x75: {  	_ =	swait.ge [sflag:s25], $0x4000  }
0x76: {  	[sflag:s25] =	ssyncset.done $0x0  }
0x77: {  	s26 =	simm.s32 $0x2;
	[sflag:s25] =	ssyncadd.s32 $0xFFFFC000  }
0x78: {  	_ =	swait.ge [sflag:s26], $0x4000  }
0x79: {  	[sflag:s26] =	ssyncset.done $0x0  }
0x7a: {  	s28 =	simm.s32 $0x180;
	s29 =	simm.s32 $0x4;
	[sflag:s26] =	ssyncadd.s32 $0xFFFFC000  }
0x7b: {  	[spmem:s2] =	stream.indirect.scatter.add.f32 [tilespmem:s24], [sflag:$0x4], $0x80, s28, s20, $0xb8;
	[tilespmem:$0x1C200] =	vst v63  }
0x7c: {  	_ =	swait.ge [sflag:s29], $0x4000  }
0x7d: {  	[sflag:s29] =	ssyncset.done $0x0  }
0x7e: {  	s30 =	sshll.u32 s1, $0x6;
	s3 =	sshrl.u32 s3, $0x3;
	[sflag:s29] =	ssyncadd.s32 $0xFFFFC000  }
0x7f: {  	s31 =	simm.s32 $0x7;
	s2 =	sor.u32 $0x1C07, s30;
	[bflag:$0x0] =	sbarrier.arrive $0xFFFF  }
0x80: {  	[hbm:s4], [sflag:s2] =	dma.local [spmem:s3], $0x2800  }
0x81: {  	_ =	swait.ge [sflag:s31], $0x2800  }
0x82: {  	[sflag:s31] =	ssyncset.done $0x0  }
0x83: {  	[sflag:s31] =	ssyncadd.s32 $0xFFFFD800  }
.LBB2_6:
0x84: {  	_ =	sfence.sel $0x180000  }
0x85: {  	[bflag:$0x0] =	sbarrier.arrive $0xFFFF  }
0x86: {  	p0 =	sne.s32 s1, $0x0;
	_ =	strace $0x9000004D  }
0x87: {  	s0 =	sadd.s32 @!p0 $0x100000, s0;
	[bflag:$0x2] =	sbarrier.arrive $0xFFFF  }
0x88: {  	[sflag:s0] =	ssyncadd.tile.s32 @!p0 $0x1;
	_ =	shalt  }
.Lfunc_end2:
_tile_overlayer_lowered:
.L_overlay_start_2:
0x89: {  	(tag) =	ssettag $0x2  }
0x8a: {  	s0 =	rddreg [dreg:$0x0];
	s2 =	stileid.u32  }
0x8b: {  	s1 =	rddreg [dreg:$0x1];
	p0 =	sne.s32 s2, $0x0  }
0x8c: {  	s3 =	rddreg [dreg:$0x2];
	[bflag:$0x3] =	sbarrier.arrive $0xFFFF;
	s2 =	simm.s32 @!p0 $0x1C07  }
0x8d: {  	[timem:s3], [sflag:s2] =	dma.local @!p0 [hbm:s0], s1  }
0x8e: {  	s0 =	simm.s32 @!p0 $0x7  }
0x8f: {  	_ =	swait.ge @!p0 [sflag:s0], s1  }
0x90: {  	s1 =	ssub.s32 @!p0 $0x0, s1;
	[sflag:s0] =	ssyncset.done @!p0 $0x0  }
0x91: {  	[sflag:s0] =	ssyncadd.s32 @!p0 s1  }
0x92: {  	[bflag:$0x3] =	sbarrier.arrive $0xFFFF  }
0x93: {  	_ =	shalt  }

// kernel: kernel.8.cloned.1.call-start
scs
__scs_entry_jumppad:
0x0: {  	(pc) =	sbr.rel $0x88, $3  }
0x1: {  	(tag) =	ssettag $0x0;
	lr =	simm.s32 $0x1  }
0x2: {  	[smem:$0x3F98] =	sst lr;
	_ =	strace $0xD0000000  }
0x3: {  	_ = 	snop  }
0x4: {  	_ = 	snop  }
0x5: {  	_ = 	snop  }
0x6: {  	_ = 	snop  }
0x7: {  	_ = 	snop  }
__scs_overlays_trampoline_lowered:
0x8: {  	[smem:$0x3FA7] =	sst s0  }
0x9: {  	[smem:$0x3FA8] =	sst s1  }
0xa: {  	[smem:$0x3FA9] =	sst s2  }
0xb: {  	[smem:$0x3FAA] =	sst s3  }
0xc: {  	[smem:$0x3FAB] =	sst s4  }
0xd: {  	[smem:$0x3FAC] =	sst s5  }
0xe: {  	[smem:$0x3FAD] =	sst s6  }
0xf: {  	[smem:$0x3FAE] =	sst s7  }
0x10: {  	[smem:$0x3FAF] =	sst s8  }
0x11: {  	[smem:$0x3FB0] =	sst s9;
	s0 =	simm.s32 @!p0 $0x0  }
0x12: {  	s1 =	sld [smem:$0x3F96];
	s0 =	simm.s32 @p0 $0x1  }
0x13: {  	[smem:$0x3FB1] =	sst s0;
	s0 =	simm.s32 @!p1 $0x0  }
0x14: {  	s2 =	sld [smem:$0x3F95];
	s0 =	simm.s32 @p1 $0x1  }
0x15: {  	[smem:$0x3FB2] =	sst s0;
	s0 =	simm.s32 @!p2 $0x0  }
0x16: {  	s3 =	sld [smem:$0x3FDB];
	s0 =	simm.s32 @p2 $0x1  }
0x17: {  	s4 =	simm.s32 $0x1BF5;
	[smem:$0x3FB4] =	sst s0  }
0x18: {  	s0 =	sld [smem:$0x3F97];
	_ =	swait.ge [sflag:s4], $0x0  }
0x19: {  	s7 =	sld [smem:$0x3F98]  }
0x1a: {  	s8 =	sadd.s32 $0xFFFFE003, lr  }
0x1b: {  	s9 =	sadd.s32 $0xFFFFFEF7, lr;
	s5 =	simm.s32 $0xFFFFFFFF;
	p2 =	slt.u32 s8, $0xFFFFF086  }
0x1c: {  	p1 =	slt.u32 s9, $0xF7A;
	s5 =	simm.s32 @!p2 $0x0  }
0x1d: {  	s5 =	simm.s32 @p1 $0x1;
	p0 =	seq.s32 s7, s2  }
0x1e: {  	s7 =	smul.u32 @!p0 $0xF7A, s2;
	p2 =	seq.s32 @!p0 s5, $0x0  }
0x1f: {  	s9 =	smul.u32 $0xF7A, s1;
	s8 =	simm.s32 @!p0 $0x1BF5;
	p2 =	por !p2, p0  }
0x20: {  	[sflag:s8] =	ssyncset.s32 @!p0 $0xFFFFF086;
	s6 =	sadd.s32 @!p0 s3, s7;
	s7 =	simm.s32 @!p0 $0x108  }
0x21: {  	s3 =	sadd.s32 s3, s9;
	s6 =	sadd.s32 @!p0 $0x88, s6;
	s7 =	simm.s32 @p2 $0x1082  }
0x22: {  	[simem:s7], [sflag:s8] =	dma.local @!p0 [hbm:s6], $0xF7A  }
0x23: {  	s9 =	sor.u32 $0xD0000000, s2;
	s6 =	simm.s32 $0x108;
	_ =	swait.ge @!p0 [sflag:s8], $0x0  }
0x24: {  	s3 =	sadd.s32 $0x88, s3;
	s6 =	simm.s32 @!p1 $0x1082;
	[sflag:s4] =	ssyncset.s32 $0xFFFFF086  }
0x25: {  	[simem:s6], [sflag:s4] =	dma.local [hbm:s3], $0xF7A  }
0x26: {  	[smem:$0x3F98] =	sst s1;
	(tag) =	ssettag s2;
	_ =	strace s9  }
0x27: {  	s1 =	sld [smem:$0x3FA8]  }
0x28: {  	s2 =	sld [smem:$0x3FA9]  }
0x29: {  	s4 =	sld [smem:$0x3FAB]  }
0x2a: {  	p0 =	seq.s32 s5, $0x0;
	s5 =	sld [smem:$0x3FAC]  }
0x2b: {  	s6 =	sld [smem:$0x3FAD]  }
0x2c: {  	s7 =	sld [smem:$0x3FAE]  }
0x2d: {  	s3 =	simm.s32 $0x108;
	s8 =	sld [smem:$0x3FAF]  }
0x2e: {  	s3 =	simm.s32 @!p0 $0x1082;
	s9 =	sld [smem:$0x3FB0]  }
0x2f: {  	lr =	sadd.s32 s0, s3;
	s0 =	sld [smem:$0x3FA7]  }
0x30: {  	s3 =	sld [smem:$0x3FAA]  }
0x31: {  	[smem:$0x3FB3] =	sst s10  }
0x32: {  	s10 =	sld [smem:$0x3FB1];
	_ =	sdelay $0x3  }
0x33: {  	p0 =	seq.s32 s10, $0x1;
	s10 =	sld [smem:$0x3FB3];
	_ =	sdelay $0x3  }
0x34: {  	[smem:$0x3FB3] =	sst s10  }
0x35: {  	s10 =	sld [smem:$0x3FB2];
	_ =	sdelay $0x3  }
0x36: {  	p1 =	seq.s32 s10, $0x1;
	s10 =	sld [smem:$0x3FB3];
	_ =	sdelay $0x3  }
0x37: {  	[smem:$0x3FB3] =	sst s10  }
0x38: {  	s10 =	sld [smem:$0x3FB4]  }
0x39: {  	_ = 	snop;
	(pc) =	sbr.ind lr, $3  }
0x3a: {  	_ = 	snop  }
0x3b: {  	_ = 	snop  }
0x3c: {  	p2 =	seq.s32 s10, $0x1;
	s10 =	sld [smem:$0x3FB3]  }
0x3d: {  	_ =	shalt  }
0x3e: {  	_ =	shalt  }
0x3f: {  	_ =	shalt  }
0x40: {  	_ =	shalt  }
0x41: {  	_ =	shalt  }
0x42: {  	_ =	shalt  }
0x43: {  	_ =	shalt  }
0x44: {  	_ =	shalt  }
0x45: {  	_ =	shalt  }
0x46: {  	_ =	shalt  }
0x47: {  	_ =	shalt  }
0x48: {  	_ =	shalt  }
0x49: {  	_ =	shalt  }
0x4a: {  	_ =	shalt  }
0x4b: {  	_ =	shalt  }
0x4c: {  	_ =	shalt  }
0x4d: {  	_ =	shalt  }
0x4e: {  	_ =	shalt  }
0x4f: {  	_ =	shalt  }
0x50: {  	_ =	shalt  }
0x51: {  	_ =	shalt  }
0x52: {  	_ =	shalt  }
0x53: {  	_ =	shalt  }
0x54: {  	_ =	shalt  }
0x55: {  	_ =	shalt  }
0x56: {  	_ =	shalt  }
0x57: {  	_ =	shalt  }
0x58: {  	_ =	shalt  }
0x59: {  	_ =	shalt  }
0x5a: {  	_ =	shalt  }
0x5b: {  	_ =	shalt  }
0x5c: {  	_ =	shalt  }
0x5d: {  	_ =	shalt  }
0x5e: {  	_ =	shalt  }
0x5f: {  	_ =	shalt  }
0x60: {  	_ =	shalt  }
0x61: {  	_ =	shalt  }
0x62: {  	_ =	shalt  }
0x63: {  	_ =	shalt  }
0x64: {  	_ =	shalt  }
0x65: {  	_ =	shalt  }
0x66: {  	_ =	shalt  }
0x67: {  	_ =	shalt  }
0x68: {  	_ =	shalt  }
0x69: {  	_ =	shalt  }
0x6a: {  	_ =	shalt  }
0x6b: {  	_ =	shalt  }
0x6c: {  	_ =	shalt  }
0x6d: {  	_ =	shalt  }
0x6e: {  	_ =	shalt  }
0x6f: {  	_ =	shalt  }
0x70: {  	_ =	shalt  }
0x71: {  	_ =	shalt  }
0x72: {  	_ =	shalt  }
0x73: {  	_ =	shalt  }
0x74: {  	_ =	shalt  }
0x75: {  	_ =	shalt  }
0x76: {  	_ =	shalt  }
0x77: {  	_ =	shalt  }
0x78: {  	_ =	shalt  }
0x79: {  	_ =	shalt  }
0x7a: {  	_ =	shalt  }
0x7b: {  	_ =	shalt  }
0x7c: {  	_ =	shalt  }
0x7d: {  	_ =	shalt  }
0x7e: {  	_ =	shalt  }
0x7f: {  	_ =	shalt  }
0x80: {  	_ =	shalt  }
0x81: {  	_ =	shalt  }
0x82: {  	_ =	shalt  }
0x83: {  	_ =	shalt  }
0x84: {  	_ =	shalt  }
0x85: {  	_ =	shalt  }
0x86: {  	_ =	shalt  }
0x87: {  	_ =	shalt  }
.Lfunc_end0:
.L_simem_size_0:
called_computation_lowered:
.L_overlay_start_0:
0x88: {  	s2 =	sld [smem:$0x3FD9]  }
0x89: {  	s3 =	sld [smem:$0x3FFE];
	_ =	sdelay $0x1  }
0x8a: {  	s1 =	srdreg.scid  }
0x8b: {  	s0 =	sand.u32 $0x1, s1  }
0x8c: {  	s17 =	sshll.u32 s0, $0xA;
	s2 =	sadd.s32 s3, s2  }
0x8d: {  	s2 =	sadd.s32 s2, s17  }
0x8e: {  	[smem:$0x3FBF] =	sst s2  }
0x8f: {  	_ = 	snop  }
0x90: {  	s2 =	sld [smem:$0x3FD0];
	(tm) =	ssettm $0x1  }
0x91: {  	s18 =	sld [smem:$0x3FFB];
	_ =	sdelay $0x3  }
0x92: {  	_ =	strace s18  }
0x93: {  	s3 =	sld [smem:$0x3FFC];
	_ =	sdelay $0x3  }
0x94: {  	_ =	strace s3  }
0x95: {  	s3 =	sld [smem:$0x3FFD];
	_ =	sdelay $0x3  }
0x96: {  	_ =	strace s3  }
0x97: {  	_ =	strace $0x8FFFFFFF  }
0x98: {  	s19 =	sld [smem:$0x3FDB];
	_ =	sdelay $0x1  }
0x99: {  	s4 =	simm.s32 $_scs_section_size  }
0x9a: {  	s5 =	simm.s32 $_size__tile_overlayer_lowered;
	s6 =	simm.s32 $_tile_overlayer_lowered  }
0x9b: {  	s22 =	simm.s32 $0x1BFF;
	s21 =	sshll.u32 s6, $0x1;
	s3 =	sadd.s32 s4, s19  }
0x9c: {  	s7 =	simm.s32 $0x0;
	s20 =	sshll.u32 s5, $0x1;
	s5 =	sadd.s32 s21, s3  }
0x9d: {  	[timem:s7], [sflag:s22] =	dma.local [hbm:s5], s20  }
0x9e: {  	_ =	swait.ge [sflag:s22], s20  }
0x9f: {  	s4 =	ssub.s32 $0x0, s20;
	[sflag:s22] =	ssyncset.done $0x0  }
0xa0: {  	[sflag:s22] =	ssyncadd.s32 s4;
	_ =	sdelay $0x1  }
0xa1: {  	s23 =	simm.s32 $0x1B8B  }
0xa2: {  	_ =	swait.ge [sflag:s23], $0x1  }
0xa3: {  	[sflag:s23] =	ssyncset.done $0x0  }
0xa4: {  	s25 =	simm.s32 $0x1B8E;
	s24 =	sld [smem:$0x3FFE];
	[sflag:s23] =	ssyncadd.s32 $0xFFFFFFFF  }
0xa5: {  	s26 =	simm.s32 $execute0_lowered;
	[smem:$0x3FD2] =	sst s25  }
0xa6: {  	s5 =	sshll.u32 s26, $0x1;
	_ =	strace $0x80000046;
	[dreg:$0x1] =	wrdreg $0xFFFFFFFF  }
0xa7: {  	s28 =	simm.s32 $_size_execute0_lowered;
	s3 =	sadd.s32 s3, s5;
	[dreg:$0x0] =	wrdreg $0x0  }
0xa8: {  	s5 =	sshll.u32 s28, $0x1;
	[dreg:$0x2] =	wrdreg s3  }
0xa9: {  	[dreg:$0x3] =	wrdreg s5  }
0xaa: {  	[dreg:$0x4] =	wrdreg $0xC0  }
0xab: {  	_ =	task [dreg:s7], $0x5FFFF  }
0xac: {  	[dreg:$0x1] =	wrdreg $0xFFFFFFFF  }
0xad: {  	[dreg:$0x0] =	wrdreg $0x60  }
0xae: {  	[dreg:$0x2] =	wrdreg s24  }
0xaf: {  	[dreg:$0x3] =	wrdreg s2  }
0xb0: {  	[dreg:$0x4] =	wrdreg $0x82000  }
0xb1: {  	[dreg:$0x5] =	wrdreg $0x9  }
0xb2: {  	_ =	task.clear_ibuf [dreg:s7], $0x6FFFF;
	_ =	strace $0x90000046  }
0xb3: {  	s29 =	simm.s32 $0x9;
	_ =	strace $0x80000048  }
0xb4: {  	_ =	swait.ge [sflag:s29], $0x1  }
0xb5: {  	[sflag:s29] =	ssyncadd.s32 $0xFFFFFFFF  }
0xb6: {  	_ =	strace $0x90000048  }
0xb7: {  	_ =	sfence  }
0xb8: {  	s30 =	sld [smem:$0x0];
	_ =	sdelay $0x2  }
0xb9: {  	s31 =	sshll.u32 s1, $0xD;
	s1 =	sshrl.u32 s1, $0x2  }
0xba: {  	s3 =	sand.u32 $0x4000, s31;
	s1 =	sadd.s32 s1, s30  }
0xbb: {  	s0 =	sor.u32 s3, s0;
	s1 =	sshll.u32 s1, $0x11  }
0xbc: {  	s0 =	sor.u32 s1, s0  }
0xbd: {  	s0 =	sadd.s32 $0x8F2B, s0  }
0xbe: {  	[sflag:s0] =	ssyncadd.remote.s32 $0x1  }
0xbf: {  	_ =	sfence.sel $0xFFFF  }
0xc0: {  	[dreg:$0x0] =	wrdreg $0xFFFFFFFF;
	(pc) =	sbr.abs _section_cstart, $3  }
0xc1: {  	[dreg:$0x1] =	wrdreg $0xFFFFFFFF  }
0xc2: {  	_ =	task.clear_ibuf [dreg:s7], $0x2FFFF;
	_ =	strace $0x9FFFFFFF  }
0xc3: {  	(tm) =	ssettm $0x7FFFFFFF  }
tec
execute0_lowered:
.L_overlay_start_1:
0x0: {  	(tag) =	ssettag $0x1  }
0x1: {  	s1 =	srdreg.scid  }
0x2: {  	s1 =	sand.u32 $0x1, s1  }
0x3: {  	p0 =	seq.s32 s1, $0x1  }
.Ltmp0:
0x4: {  	s6 =	rddreg [dreg:$0x0];
	(pc) =	sbr.rel @p0 .LBB2_6-.Ltmp0, $4  }
0x5: {  	s4 =	rddreg [dreg:$0x1]  }
0x6: {  	s2 =	rddreg [dreg:$0x2];
	s3 =	simm.s32 $0x0  }
0x7: {  	[smem:$0x7FF] =	sst s3  }
0x8: {  	s0 =	rddreg [dreg:$0x3];
	_ =	strace $0x80000047;
	s1 =	stileid.u32  }
0x9: {  	s3 =	smul.u32 $0x50000, s1  }
0xa: {  	s12 =	smul.u32 $0x1400, s1;
	s5 =	sadd.s32 $0x16E00, s6;
	s13 =	sadd.s32 $0x2E00, s6  }
0xb: {  	s31 =	smul.u32 $0x2800, s1;
	s6 =	simm.s32 $0x0;
	s3 =	sshrl.u32 s3, $0x2  }
0xc: {  	s15 =	simm.s32 $0x200;
	s8 =	sadd.s32 s13, s12;
	s3 =	sadd.s32 s3, s2  }
0xd: {  	s4 =	sadd.s32 s4, s31;
	s9 =	sadd.s32 $0x20, s8;
	s14 =	sadd.s32 $0x4000, s3  }
0xe: {  	v0 =	vimm.f32 $0.0e+00;
	s11 =	sadd.s32 $0x8000, s3;
	s10 =	sadd.s32 $0xC000, s3;
	s7 =	sadd.s32 $0x10000, s3  }
.LBB2_2:
0xf: {  	p0 =	sne.s32 s15, $0xFE00;
	[tilespmem:s6+$0x270] =	vst v0  }
0x10: {  	[tilespmem:s6+$0x200] =	vst v0  }
0x11: {  	[tilespmem:s6+$0x210] =	vst v0  }
.Ltmp1:
0x12: {  	[tilespmem:s6+$0x220] =	vst v0;
	(pc) =	sbr.rel @p0 .LBB2_2-.Ltmp1, $4  }
0x13: {  	[tilespmem:s6+$0x230] =	vst v0  }
0x14: {  	[tilespmem:s6+$0x240] =	vst v0  }
0x15: {  	[tilespmem:s6+$0x250] =	vst v0  }
0x16: {  	[tilespmem:s6+$0x260] =	vst v0;
	s6 =	sshra.s32 s15, $0x2;
	s15 =	sadd.s32 $0x200, s15  }
0x17: {  	[tilespmem:s6+$0x270] =	vst v0  }
0x18: {  	[tilespmem:s6+$0x200] =	vst v0  }
0x19: {  	[tilespmem:s6+$0x210] =	vst v0  }
0x1a: {  	[tilespmem:s6+$0x220] =	vst v0  }
0x1b: {  	[tilespmem:s6+$0x230] =	vst v0  }
0x1c: {  	[tilespmem:s6+$0x240] =	vst v0  }
0x1d: {  	[tilespmem:s6+$0x250] =	vst v0  }
0x1e: {  	[tilespmem:s6+$0x260] =	vst v0;
	s6 =	simm.s32 $0x200;
	s15 =	simm.s32 $0x7  }
0x1f: {  	[spmem:s3] =	stream.linear.scatter [tilespmem:s6], [sflag:$0x7], $0x4000, $0x38;
	[tilespmem:$0x1C200] =	vst v63  }
0x20: {  	_ =	swait.ge [sflag:s15], $0x4000  }
0x21: {  	[sflag:s15] =	ssyncset.done $0x0  }
0x22: {  	[sflag:s15] =	ssyncadd.s32 $0xFFFFC000  }
0x23: {  	[spmem:s14] =	stream.linear.scatter [tilespmem:s6], [sflag:$0x7], $0x4000, $0x38;
	[tilespmem:$0x1C200] =	vst v63  }
0x24: {  	_ =	swait.ge [sflag:s15], $0x4000  }
0x25: {  	[sflag:s15] =	ssyncset.done $0x0  }
0x26: {  	[sflag:s15] =	ssyncadd.s32 $0xFFFFC000  }
0x27: {  	[spmem:s11] =	stream.linear.scatter [tilespmem:s6], [sflag:$0x7], $0x4000, $0x38;
	[tilespmem:$0x1C200] =	vst v63  }
0x28: {  	_ =	swait.ge [sflag:s15], $0x4000  }
0x29: {  	[sflag:s15] =	ssyncset.done $0x0  }
0x2a: {  	[sflag:s15] =	ssyncadd.s32 $0xFFFFC000  }
0x2b: {  	[spmem:s10] =	stream.linear.scatter [tilespmem:s6], [sflag:$0x7], $0x4000, $0x38;
	[tilespmem:$0x1C200] =	vst v63  }
0x2c: {  	_ =	swait.ge [sflag:s15], $0x4000  }
0x2d: {  	[sflag:s15] =	ssyncset.done $0x0  }
0x2e: {  	[sflag:s15] =	ssyncadd.s32 $0xFFFFC000  }
0x2f: {  	[spmem:s7] =	stream.linear.scatter [tilespmem:s6], [sflag:$0x7], $0x4000, $0x38;
	[tilespmem:$0x1C200] =	vst v63  }
0x30: {  	_ =	swait.ge [sflag:s15], $0x4000  }
0x31: {  	[sflag:s15] =	ssyncset.done $0x0  }
0x32: {  	[sflag:s15] =	ssyncadd.s32 $0xFFFFC000  }
0x33: {  	s7 =	simm.s32 $0x0;
	[bflag:$0x0] =	sbarrier.arrive $0xFFFF  }
0x34: {  	[tilespmem:s7], [sflag:$0x7] =	stream.linear.gather [hbm4b:s8+s7], $0x100, $0x38;
	[tilespmem:$0x1C200] =	vst v63  }
0x35: {  	_ =	swait.ge [sflag:s15], $0x100  }
0x36: {  	[sflag:s15] =	ssyncset.done $0x0  }
0x37: {  	s8 =	simm.s32 $0x100;
	[sflag:s15] =	ssyncadd.s32 $0xFFFFFF00  }
0x38: {  	[tilespmem:s8], [sflag:$0x6] =	stream.linear.gather [hbm4b:s9+s7], $0x100, $0x38;
	[tilespmem:$0x1C200] =	vst v63  }
0x39: {  	s10 =	simm.s32 $0x1;
	s9 =	simm.s32 $0x80  }
0x3a: {  	[tilespmem:s6], [sflag:$0x1] =	stream.indirect.gather [hbm4b:s5+s9], $0x80, s7, s9, $0xb8;
	[tilespmem:$0x1C200] =	vst v63  }
0x3b: {  	_ =	swait.ge [sflag:s10], $0x4000  }
0x3c: {  	[sflag:s10] =	ssyncset.done $0x0  }
0x3d: {  	s11 =	simm.s32 $0x6;
	[sflag:s10] =	ssyncadd.s32 $0xFFFFC000  }
0x3e: {  	[spmem:s2] =	stream.indirect.scatter.add.f32 [tilespmem:s6], [sflag:$0x3], $0x80, s9, s9, $0xb8;
	[tilespmem:$0x1C200] =	vst v63  }
0x3f: {  	_ =	swait.ge [sflag:s11], $0x100  }
0x40: {  	[sflag:s11] =	ssyncset.done $0x0  }
0x41: {  	s14 =	simm.s32 $0x4200;
	s15 =	simm.s32 $0x3;
	[sflag:s11] =	ssyncadd.s32 $0xFFFFFF00  }
0x42: {  	[tilespmem:s14], [sflag:$0x2] =	stream.indirect.gather [hbm4b:s5+s9], $0x80, s8, s9, $0xb8;
	[tilespmem:$0x1C200] =	vst v63  }
0x43: {  	s12 =	sadd.s32 s12, s13;
	_ =	swait.ge [sflag:s15], $0x4000  }
0x44: {  	s20 =	sadd.s32 $0xFFFFEC40, s12;
	[sflag:s15] =	ssyncset.done $0x0  }
0x45: {  	s13 =	simm.s32 $0x2;
	s16 =	sadd.s32 $0x1400, s20;
	[sflag:s15] =	ssyncadd.s32 $0xFFFFC000  }
0x46: {  	[tilespmem:s7], [sflag:$0x5] =	stream.linear.gather [hbm4b:s16+s7], $0x100, $0x38;
	[tilespmem:$0x1C200] =	vst v63  }
0x47: {  	_ =	swait.ge [sflag:s13], $0x4000  }
0x48: {  	[sflag:s13] =	ssyncset.done $0x0  }
0x49: {  	s17 =	simm.s32 $0x5;
	s16 =	simm.s32 $0x180;
	[sflag:s13] =	ssyncadd.s32 $0xFFFFC000  }
0x4a: {  	[spmem:s2] =	stream.indirect.scatter.add.f32 [tilespmem:s14], [sflag:$0x4], $0x80, s16, s9, $0xb8;
	[tilespmem:$0x1C200] =	vst v63  }
0x4b: {  	_ =	swait.ge [sflag:s17], $0x100  }
0x4c: {  	[sflag:s17] =	ssyncset.done $0x0  }
0x4d: {  	s18 =	simm.s32 $0x4;
	[sflag:s17] =	ssyncadd.s32 $0xFFFFFF00  }
0x4e: {  	[tilespmem:s6], [sflag:$0x1] =	stream.indirect.gather [hbm4b:s5+s9], $0x80, s7, s9, $0xb8;
	[tilespmem:$0x1C200] =	vst v63  }
0x4f: {  	_ =	swait.ge [sflag:s18], $0x4000  }
0x50: {  	[sflag:s18] =	ssyncset.done $0x0  }
0x51: {  	s19 =	simm.s32 $0xFFFFEC80;
	s20 =	sadd.s32 $0x1420, s20;
	[sflag:s18] =	ssyncadd.s32 $0xFFFFC000  }
.LBB2_4:
0x52: {  	[tilespmem:s8], [sflag:$0x6] =	stream.linear.gather [hbm4b:s20+s7], $0x100, $0x38;
	[tilespmem:$0x1C200] =	vst v63  }
0x53: {  	s20 =	smov.u32 s19  }
0x54: {  	p0 =	sne.s32 s19, $0xFFFFFFC0;
	s19 =	sadd.s32 $0x40, s19;
	_ =	swait.ge [sflag:s10], $0x4000  }
0x55: {  	[sflag:s10] =	ssyncset.done $0x0  }
0x56: {  	[sflag:s10] =	ssyncadd.s32 $0xFFFFC000  }
0x57: {  	[spmem:s2] =	stream.indirect.scatter.add.f32 [tilespmem:s6], [sflag:$0x3], $0x80, s9, s9, $0xb8;
	[tilespmem:$0x1C200] =	vst v63  }
0x58: {  	_ =	swait.ge [sflag:s11], $0x100  }
0x59: {  	[sflag:s11] =	ssyncset.done $0x0  }
0x5a: {  	[sflag:s11] =	ssyncadd.s32 $0xFFFFFF00  }
0x5b: {  	[tilespmem:s14], [sflag:$0x2] =	stream.indirect.gather [hbm4b:s5+s9], $0x80, s8, s9, $0xb8;
	[tilespmem:$0x1C200] =	vst v63  }
0x5c: {  	_ =	swait.ge [sflag:s15], $0x4000  }
0x5d: {  	s20 =	sadd.s32 s20, s12;
	[sflag:s15] =	ssyncset.done $0x0  }
0x5e: {  	s21 =	sadd.s32 $0x1400, s20;
	[sflag:s15] =	ssyncadd.s32 $0xFFFFC000  }
0x5f: {  	[tilespmem:s7], [sflag:$0x5] =	stream.linear.gather [hbm4b:s21+s7], $0x100, $0x38;
	[tilespmem:$0x1C200] =	vst v63  }
0x60: {  	_ =	swait.ge [sflag:s13], $0x4000  }
0x61: {  	[sflag:s13] =	ssyncset.done $0x0  }
0x62: {  	[sflag:s13] =	ssyncadd.s32 $0xFFFFC000  }
0x63: {  	[spmem:s2] =	stream.indirect.scatter.add.f32 [tilespmem:s14], [sflag:$0x4], $0x80, s16, s9, $0xb8;
	[tilespmem:$0x1C200] =	vst v63  }
0x64: {  	_ =	swait.ge [sflag:s17], $0x100  }
0x65: {  	[sflag:s17] =	ssyncset.done $0x0  }
.Ltmp2:
0x66: {  	[sflag:s17] =	ssyncadd.s32 $0xFFFFFF00;
	(pc) =	sbr.rel @p0 .LBB2_4-.Ltmp2, $4  }
0x67: {  	[tilespmem:s6], [sflag:$0x1] =	stream.indirect.gather [hbm4b:s5+s9], $0x80, s7, s9, $0xb8;
	[tilespmem:$0x1C200] =	vst v63  }
0x68: {  	_ =	swait.ge [sflag:s18], $0x4000  }
0x69: {  	[sflag:s18] =	ssyncset.done $0x0  }
0x6a: {  	s20 =	sadd.s32 $0x1420, s20;
	[sflag:s18] =	ssyncadd.s32 $0xFFFFC000  }
0x6b: {  	[tilespmem:s8], [sflag:$0x6] =	stream.linear.gather [hbm4b:s20+s7], $0x100, $0x38;
	[tilespmem:$0x1C200] =	vst v63  }
0x6c: {  	s6 =	simm.s32 $0x1  }
0x6d: {  	_ =	swait.ge [sflag:s6], $0x4000  }
0x6e: {  	s20 =	simm.s32 $0x80;
	[sflag:s6] =	ssyncset.done $0x0  }
0x6f: {  	s21 =	simm.s32 $0x200;
	s22 =	simm.s32 $0x6;
	[sflag:s6] =	ssyncadd.s32 $0xFFFFC000  }
0x70: {  	[spmem:s2] =	stream.indirect.scatter.add.f32 [tilespmem:s21], [sflag:$0x3], $0x80, s20, s20, $0xb8;
	[tilespmem:$0x1C200] =	vst v63  }
0x71: {  	_ =	swait.ge [sflag:s22], $0x100  }
0x72: {  	s23 =	simm.s32 $0x100;
	[sflag:s22] =	ssyncset.done $0x0  }
0x73: {  	s24 =	simm.s32 $0x4200;
	s25 =	simm.s32 $0x3;
	[sflag:s22] =	ssyncadd.s32 $0xFFFFFF00  }
0x74: {  	[tilespmem:s24], [sflag:$0x2] =	stream.indirect.gather [hbm4b:s5+s20], $0x80, s23, s20, $0xb8;
	[tilespmem:$0x1C200] =	vst v63  }
0x75: {  	_ =	swait.ge [sflag:s25], $0x4000  }
0x76: {  	[sflag:s25] =	ssyncset.done $0x0  }
0x77: {  	s26 =	simm.s32 $0x2;
	[sflag:s25] =	ssyncadd.s32 $0xFFFFC000  }
0x78: {  	_ =	swait.ge [sflag:s26], $0x4000  }
0x79: {  	[sflag:s26] =	ssyncset.done $0x0  }
0x7a: {  	s28 =	simm.s32 $0x180;
	s29 =	simm.s32 $0x4;
	[sflag:s26] =	ssyncadd.s32 $0xFFFFC000  }
0x7b: {  	[spmem:s2] =	stream.indirect.scatter.add.f32 [tilespmem:s24], [sflag:$0x4], $0x80, s28, s20, $0xb8;
	[tilespmem:$0x1C200] =	vst v63  }
0x7c: {  	_ =	swait.ge [sflag:s29], $0x4000  }
0x7d: {  	[sflag:s29] =	ssyncset.done $0x0  }
0x7e: {  	s30 =	sshll.u32 s1, $0x6;
	s3 =	sshrl.u32 s3, $0x3;
	[sflag:s29] =	ssyncadd.s32 $0xFFFFC000  }
0x7f: {  	s31 =	simm.s32 $0x7;
	s2 =	sor.u32 $0x1C07, s30;
	[bflag:$0x0] =	sbarrier.arrive $0xFFFF  }
0x80: {  	[hbm:s4], [sflag:s2] =	dma.local [spmem:s3], $0x2800  }
0x81: {  	_ =	swait.ge [sflag:s31], $0x2800  }
0x82: {  	[sflag:s31] =	ssyncset.done $0x0  }
0x83: {  	[sflag:s31] =	ssyncadd.s32 $0xFFFFD800  }
.LBB2_6:
0x84: {  	_ =	sfence.sel $0x180000  }
0x85: {  	[bflag:$0x0] =	sbarrier.arrive $0xFFFF  }
0x86: {  	p0 =	sne.s32 s1, $0x0;
	_ =	strace $0x90000047  }
0x87: {  	s0 =	sadd.s32 @!p0 $0x100000, s0;
	[bflag:$0x2] =	sbarrier.arrive $0xFFFF  }
0x88: {  	[sflag:s0] =	ssyncadd.tile.s32 @!p0 $0x1;
	_ =	shalt  }
.Lfunc_end2:
_tile_overlayer_lowered:
.L_overlay_start_2:
0x89: {  	(tag) =	ssettag $0x2  }
0x8a: {  	s0 =	rddreg [dreg:$0x0];
	s2 =	stileid.u32  }
0x8b: {  	s1 =	rddreg [dreg:$0x1];
	p0 =	sne.s32 s2, $0x0  }
0x8c: {  	s3 =	rddreg [dreg:$0x2];
	[bflag:$0x3] =	sbarrier.arrive $0xFFFF;
	s2 =	simm.s32 @!p0 $0x1C07  }
0x8d: {  	[timem:s3], [sflag:s2] =	dma.local @!p0 [hbm:s0], s1  }
0x8e: {  	s0 =	simm.s32 @!p0 $0x7  }
0x8f: {  	_ =	swait.ge @!p0 [sflag:s0], s1  }
0x90: {  	s1 =	ssub.s32 @!p0 $0x0, s1;
	[sflag:s0] =	ssyncset.done @!p0 $0x0  }
0x91: {  	[sflag:s0] =	ssyncadd.s32 @!p0 s1  }
0x92: {  	[bflag:$0x3] =	sbarrier.arrive $0xFFFF  }
0x93: {  	_ =	shalt  }

</sc_bundles>
